<compile_context>
chip_gen: v7x
topology: tpu7x:2x2x1
jax: 0.10.2.dev20260603
libtpu: 0.0.44.dev20260713+nightly
codegen_flags: <defaults>
</compile_context>

<pallas_src>
import functools

import jax
import jax.numpy as jnp
from jax import lax
from jax.experimental import pallas as pl
from jax.experimental.pallas import tpu as pltpu
from jax.experimental.pallas import tpu_sc as plsc

B, L = 4096, 50
V, D = 12 * 64 * 64, 256
V4 = V // 4
H = 32
HP = 128
NC, NS = 2, 16
NW = NC * NS
BPW = B // NW



def _proj_body(t0_ref, t1_ref, t2_ref, t3_ref, w_ref, out_ref):
    acc = jnp.dot(t0_ref[...], w_ref[0], preferred_element_type=jnp.float32)
    acc += jnp.dot(t1_ref[...], w_ref[1], preferred_element_type=jnp.float32)
    acc += jnp.dot(t2_ref[...], w_ref[2], preferred_element_type=jnp.float32)
    acc += jnp.dot(t3_ref[...], w_ref[3], preferred_element_type=jnp.float32)
    out_ref[...] = acc


def _project_table(table, w4):
    blk = 2048
    nblk = V4 // blk
    return pl.pallas_call(
        _proj_body,
        grid=(nblk,),
        in_specs=[
            pl.BlockSpec((blk, D), lambda i: (i, 0)),
            pl.BlockSpec((blk, D), lambda i: (i + nblk, 0)),
            pl.BlockSpec((blk, D), lambda i: (i + 2 * nblk, 0)),
            pl.BlockSpec((blk, D), lambda i: (i + 3 * nblk, 0)),
            pl.BlockSpec((4, D, HP), lambda i: (0, 0, 0)),
        ],
        out_specs=pl.BlockSpec((blk, HP), lambda i: (i, 0)),
        out_shape=jax.ShapeDtypeStruct((V4, HP), jnp.float32),
    )(table, table, table, table, w4)



RB = 5


def _sc_body(t1, gidxw, x1b, gidx_v, buf0, buf1, buf2, buf3, buf4, acc,
             sem0, sem1, sem2, sem3, sem4):
    wid = lax.axis_index("s") * NC + lax.axis_index("c")
    pltpu.sync_copy(gidxw.at[wid], gidx_v)
    bufs = (buf0, buf1, buf2, buf3, buf4)
    sems = (sem0, sem1, sem2, sem3, sem4)

    def _gather(l, p):
        pltpu.async_copy(t1.at[gidx_v.at[l]], bufs[p], sems[p])

    def _wait(p):
        pltpu.make_async_copy(t1.at[gidx_v.at[0]], bufs[p], sems[p]).wait()

    def _accum(buf, first):
        def body(bi, c):
            for u in range(8):
                b = bi * 8 + u
                for h in range(2):
                    v = buf[b, pl.ds(16 * h, 16)]
                    if first:
                        acc[b, h] = v
                    else:
                        plsc.addupdate(acc.at[b, h], v)
            return c
        lax.fori_loop(0, BPW // 8, body, 0)

    for l in range(RB - 1):
        _gather(l, l)
    for p in range(RB):
        _wait(p)
        _gather(p + RB - 1, (p + RB - 1) % RB)
        _accum(bufs[p], p == 0)

    def loop_body(i, c):
        for p in range(RB):
            l = RB * i + p
            _wait(p)

            @pl.when(l + RB - 1 < L)
            def _():
                _gather(l + RB - 1, (p + RB - 1) % RB)

            _accum(bufs[p], False)
        return c

    lax.fori_loop(1, L // RB, loop_body, 0)

    pltpu.sync_copy(acc, x1b.at[wid])


_sc_gather_sum = functools.partial(
    pl.kernel,
    out_type=jax.ShapeDtypeStruct((NW, BPW, 2, 16), jnp.float32),
    mesh=plsc.VectorSubcoreMesh(core_axis_name="c", subcore_axis_name="s"),
    compiler_params=pltpu.CompilerParams(use_tc_tiling_on_sc=False),
    scratch_types=[
        pltpu.VMEM((L, BPW), jnp.int32),
        pltpu.VMEM((BPW, H), jnp.float32),
        pltpu.VMEM((BPW, H), jnp.float32),
        pltpu.VMEM((BPW, H), jnp.float32),
        pltpu.VMEM((BPW, H), jnp.float32),
        pltpu.VMEM((BPW, H), jnp.float32),
        pltpu.VMEM((BPW, 2, 16), jnp.float32),
        pltpu.SemaphoreType.DMA,
        pltpu.SemaphoreType.DMA,
        pltpu.SemaphoreType.DMA,
        pltpu.SemaphoreType.DMA,
        pltpu.SemaphoreType.DMA,
    ],
)(_sc_body)



def _mlp_body(x_ref, b1_ref, w2t_ref, b2_ref, w3t_ref, b3_ref, out_ref):
    h1 = jnp.maximum(x_ref[...] + b1_ref[...], 0.0)
    h2 = jnp.dot(h1, w2t_ref[...], preferred_element_type=jnp.float32)
    h2 = jnp.maximum(h2 + b2_ref[...], 0.0)
    out_ref[...] = (jnp.dot(h2, w3t_ref[...], preferred_element_type=jnp.float32)
                    + b3_ref[...])


def _mlp(x1, b1, w2t, b2, w3t, b3):
    return pl.pallas_call(
        _mlp_body,
        out_shape=jax.ShapeDtypeStruct((B, 1), jnp.float32),
    )(x1, b1.reshape(1, H), w2t, b2.reshape(1, H), w3t, b3.reshape(1, 1))


def kernel(indices, table, W1, b1, W2, b2, W3, b3):
    w4 = jnp.zeros((4, D, HP), jnp.float32)
    for r in range(4):
        w4 = w4.at[r, :, H * r:H * (r + 1)].set(W1.T)
    t1p = _project_table(table, w4)
    t1v = t1p.reshape(V, H)
    idx = indices.astype(jnp.int32)
    gidxw = ((idx % V4) * 4 + idx // V4).reshape(NW, BPW, L).transpose(0, 2, 1)
    x1b = _sc_gather_sum(t1v, gidxw)
    out = _mlp(x1b.reshape(B, H), b1, W2.T, b2, W3.T, b3)
    return out[:, 0]

# --- scband reference (transcript-rebuilt; emitter-appended) ---
"""Pipeline reference for scband-nnuemodel-49160195670626 (READ-ONLY COPY).

The authoritative reference and input builder live on the scoring server;
editing this copy changes nothing except your own understanding.
"""

import jax, jax.numpy as jnp
import numpy as np

B, L = 4096, 50
V, D = 12 * 64 * 64, 256

def setup_inputs(seed: int = 0) -> dict:
    key = jax.random.key(seed)
    ks = jax.random.split(key, 8)
    indices = jax.random.randint(ks[0], (B, L), 0, V)
    table = jax.random.normal(ks[1], (V, D), dtype=jnp.float32) * 0.01
    table = table.at[0].set(0.0)  # padding_idx=0
    W1 = jax.random.normal(ks[2], (32, D), dtype=jnp.float32) * (1.0 / np.sqrt(D))
    b1 = jnp.zeros((32,), jnp.float32)
    W2 = jax.random.normal(ks[3], (32, 32), dtype=jnp.float32) * (1.0 / np.sqrt(32))
    b2 = jnp.zeros((32,), jnp.float32)
    W3 = jax.random.normal(ks[4], (1, 32), dtype=jnp.float32) * (1.0 / np.sqrt(32))
    b3 = jnp.zeros((1,), jnp.float32)
    return {"indices": indices, "table": table, "W1": W1, "b1": b1,
            "W2": W2, "b2": b2, "W3": W3, "b3": b3}

def reference(indices, table, W1, b1, W2, b2, W3, b3):
    x = jnp.take(table, indices, axis=0)   # [B, L, D] gather (embedding)
    x = x.sum(axis=1)                      # [B, D] bag-sum pooling
    x = jax.nn.relu(x @ W1.T + b1)
    x = jax.nn.relu(x @ W2.T + b2)
    out = (x @ W3.T + b3).squeeze(-1)      # [B]
    return out

if __name__ == "__main__":
    import jax
    _d = setup_inputs()
    print(jax.jit(kernel)(*tuple(_d.values())))

</pallas_src>

<mosaic_0001>
#map = affine_map<(d0, d1) -> (0, 0)>
#map1 = affine_map<(d0, d1) -> (0, 0, 0)>
#map2 = affine_map<(d0, d1) -> (0, 0, 0, 0)>
module attributes {stable_mosaic.version = 14 : i64} {
  func.func @_sc_body(%arg0: i32, %arg1: i32, %arg2: memref<49152x32xf32, #tpu.memory_space<hbm>>, %arg3: memref<32x50x128xi32, #tpu.memory_space<hbm>>, %arg4: memref<32x128x2x16xf32, #tpu.memory_space<hbm>>, %arg5: memref<50x128xi32, #tpu.memory_space<vmem>>, %arg6: memref<128x32xf32, #tpu.memory_space<vmem>>, %arg7: memref<128x32xf32, #tpu.memory_space<vmem>>, %arg8: memref<128x32xf32, #tpu.memory_space<vmem>>, %arg9: memref<128x32xf32, #tpu.memory_space<vmem>>, %arg10: memref<128x32xf32, #tpu.memory_space<vmem>>, %arg11: memref<128x2x16xf32, #tpu.memory_space<vmem>>, %arg12: memref<!tpu.dma_semaphore, #tpu.memory_space<semaphore_mem>>, %arg13: memref<!tpu.dma_semaphore, #tpu.memory_space<semaphore_mem>>, %arg14: memref<!tpu.dma_semaphore, #tpu.memory_space<semaphore_mem>>, %arg15: memref<!tpu.dma_semaphore, #tpu.memory_space<semaphore_mem>>, %arg16: memref<!tpu.dma_semaphore, #tpu.memory_space<semaphore_mem>>) attributes {dimension_semantics = [#tpu.dimension_semantics<core_parallel>, #tpu.dimension_semantics<subcore_parallel>], iteration_bounds = array<i64: 2, 16>, scalar_prefetch = 0 : i64, scratch_operands = 12 : i64, tpu.core_type = #tpu.core_type<sc_vector_subcore>, window_params = [{transform_indices = #map}, {transform_indices = #map1}, {transform_indices = #map2}]} {
    %mul3A = arith.constant 2 : i32
    %mul3A_0 = arith.muli %arg1, %mul3A : i32
    %add3A = arith.addi %mul3A_0, %arg0 : i32
    "tpu.region"() ({
      %run_scoped3A = tpu.sem_alloc : memref<!tpu.dma_semaphore, #tpu.memory_space<semaphore_mem>>
      %dma_start3A_132 = arith.constant 0 : i32
      %dma_start3A_133 = arith.constant 0 : i32
      %dma_start3A_134 = tpu.memref_slice %arg3[%add3A, %dma_start3A_132, %dma_start3A_133] : memref<32x50x128xi32, #tpu.memory_space<hbm>> -> memref<1x50x128xi32, #tpu.memory_space<hbm>>
      %dma_start3A_135 = tpu.memref_squeeze %dma_start3A_134 : memref<1x50x128xi32, #tpu.memory_space<hbm>> -> memref<50x128xi32, #tpu.memory_space<hbm>>
      %dma_start3A_136 = arith.constant 0 : i32
      %dma_start3A_137 = arith.constant 0 : i32
      %dma_start3A_138 = tpu.memref_slice %arg3[%add3A, %dma_start3A_136, %dma_start3A_137] : memref<32x50x128xi32, #tpu.memory_space<hbm>> -> memref<1x50x128xi32, #tpu.memory_space<hbm>>
      %dma_start3A_139 = tpu.memref_squeeze %dma_start3A_138 : memref<1x50x128xi32, #tpu.memory_space<hbm>> -> memref<50x128xi32, #tpu.memory_space<hbm>>
      tpu.enqueue_dma source(%dma_start3A_139 : memref<50x128xi32, #tpu.memory_space<hbm>>) target(%arg5 : memref<50x128xi32, #tpu.memory_space<vmem>>) target_semaphore(%run_scoped3A : memref<!tpu.dma_semaphore, #tpu.memory_space<semaphore_mem>>)
      %dma_wait3A_140 = arith.constant 0 : i32
      %dma_wait3A_141 = arith.constant 0 : i32
      %dma_wait3A_142 = tpu.memref_slice %arg3[%add3A, %dma_wait3A_140, %dma_wait3A_141] : memref<32x50x128xi32, #tpu.memory_space<hbm>> -> memref<1x50x128xi32, #tpu.memory_space<hbm>>
      %dma_wait3A_143 = tpu.memref_squeeze %dma_wait3A_142 : memref<1x50x128xi32, #tpu.memory_space<hbm>> -> memref<50x128xi32, #tpu.memory_space<hbm>>
      %dma_wait3A_144 = arith.constant 0 : i32
      %dma_wait3A_145 = arith.constant 0 : i32
      %dma_wait3A_146 = tpu.memref_slice %arg3[%add3A, %dma_wait3A_144, %dma_wait3A_145] : memref<32x50x128xi32, #tpu.memory_space<hbm>> -> memref<1x50x128xi32, #tpu.memory_space<hbm>>
      %dma_wait3A_147 = tpu.memref_squeeze %dma_wait3A_146 : memref<1x50x128xi32, #tpu.memory_space<hbm>> -> memref<50x128xi32, #tpu.memory_space<hbm>>
      tpu.wait_dma2 semaphore(%run_scoped3A : memref<!tpu.dma_semaphore, #tpu.memory_space<semaphore_mem>>) src(%dma_wait3A_147 : memref<50x128xi32, #tpu.memory_space<hbm>>) dst(%arg5 : memref<50x128xi32, #tpu.memory_space<vmem>>)
      tpu.yield
    }) : () -> ()
    %dma_start3A = arith.constant 0 : i32
    %dma_start3A_1 = arith.constant 0 : i32
    %dma_start3A_2 = tpu.memref_slice %arg5[%dma_start3A, %dma_start3A_1] : memref<50x128xi32, #tpu.memory_space<vmem>> -> memref<1x128xi32, #tpu.memory_space<vmem>>
    %dma_start3A_3 = tpu.memref_squeeze %dma_start3A_2 : memref<1x128xi32, #tpu.memory_space<vmem>> -> memref<128xi32, #tpu.memory_space<vmem>>
    %dma_start3A_4 = arith.constant 0 : i32
    %dma_start3A_5 = arith.constant 0 : i32
    %dma_start3A_6 = tpu.memref_slice %arg2[%dma_start3A_4, %dma_start3A_5] : memref<49152x32xf32, #tpu.memory_space<hbm>> -> memref<49152x32xf32, #tpu.memory_space<hbm>>
    tpu.enqueue_indirect_dma source(%dma_start3A_6 : memref<49152x32xf32, #tpu.memory_space<hbm>>) target(%arg6 : memref<128x32xf32, #tpu.memory_space<vmem>>) offsets(%dma_start3A_3 : memref<128xi32, #tpu.memory_space<vmem>>) semaphore(%arg12 : memref<!tpu.dma_semaphore, #tpu.memory_space<semaphore_mem>>)
    %dma_start3A_7 = arith.constant 1 : i32
    %dma_start3A_8 = arith.constant 0 : i32
    %dma_start3A_9 = tpu.memref_slice %arg5[%dma_start3A_7, %dma_start3A_8] : memref<50x128xi32, #tpu.memory_space<vmem>> -> memref<1x128xi32, #tpu.memory_space<vmem>>
    %dma_start3A_10 = tpu.memref_squeeze %dma_start3A_9 : memref<1x128xi32, #tpu.memory_space<vmem>> -> memref<128xi32, #tpu.memory_space<vmem>>
    %dma_start3A_11 = arith.constant 0 : i32
    %dma_start3A_12 = arith.constant 0 : i32
    %dma_start3A_13 = tpu.memref_slice %arg2[%dma_start3A_11, %dma_start3A_12] : memref<49152x32xf32, #tpu.memory_space<hbm>> -> memref<49152x32xf32, #tpu.memory_space<hbm>>
    tpu.enqueue_indirect_dma source(%dma_start3A_13 : memref<49152x32xf32, #tpu.memory_space<hbm>>) target(%arg7 : memref<128x32xf32, #tpu.memory_space<vmem>>) offsets(%dma_start3A_10 : memref<128xi32, #tpu.memory_space<vmem>>) semaphore(%arg13 : memref<!tpu.dma_semaphore, #tpu.memory_space<semaphore_mem>>)
    %dma_start3A_14 = arith.constant 2 : i32
    %dma_start3A_15 = arith.constant 0 : i32
    %dma_start3A_16 = tpu.memref_slice %arg5[%dma_start3A_14, %dma_start3A_15] : memref<50x128xi32, #tpu.memory_space<vmem>> -> memref<1x128xi32, #tpu.memory_space<vmem>>
    %dma_start3A_17 = tpu.memref_squeeze %dma_start3A_16 : memref<1x128xi32, #tpu.memory_space<vmem>> -> memref<128xi32, #tpu.memory_space<vmem>>
    %dma_start3A_18 = arith.constant 0 : i32
    %dma_start3A_19 = arith.constant 0 : i32
    %dma_start3A_20 = tpu.memref_slice %arg2[%dma_start3A_18, %dma_start3A_19] : memref<49152x32xf32, #tpu.memory_space<hbm>> -> memref<49152x32xf32, #tpu.memory_space<hbm>>
    tpu.enqueue_indirect_dma source(%dma_start3A_20 : memref<49152x32xf32, #tpu.memory_space<hbm>>) target(%arg8 : memref<128x32xf32, #tpu.memory_space<vmem>>) offsets(%dma_start3A_17 : memref<128xi32, #tpu.memory_space<vmem>>) semaphore(%arg14 : memref<!tpu.dma_semaphore, #tpu.memory_space<semaphore_mem>>)
    %dma_start3A_21 = arith.constant 3 : i32
    %dma_start3A_22 = arith.constant 0 : i32
    %dma_start3A_23 = tpu.memref_slice %arg5[%dma_start3A_21, %dma_start3A_22] : memref<50x128xi32, #tpu.memory_space<vmem>> -> memref<1x128xi32, #tpu.memory_space<vmem>>
    %dma_start3A_24 = tpu.memref_squeeze %dma_start3A_23 : memref<1x128xi32, #tpu.memory_space<vmem>> -> memref<128xi32, #tpu.memory_space<vmem>>
    %dma_start3A_25 = arith.constant 0 : i32
    %dma_start3A_26 = arith.constant 0 : i32
    %dma_start3A_27 = tpu.memref_slice %arg2[%dma_start3A_25, %dma_start3A_26] : memref<49152x32xf32, #tpu.memory_space<hbm>> -> memref<49152x32xf32, #tpu.memory_space<hbm>>
    tpu.enqueue_indirect_dma source(%dma_start3A_27 : memref<49152x32xf32, #tpu.memory_space<hbm>>) target(%arg9 : memref<128x32xf32, #tpu.memory_space<vmem>>) offsets(%dma_start3A_24 : memref<128xi32, #tpu.memory_space<vmem>>) semaphore(%arg15 : memref<!tpu.dma_semaphore, #tpu.memory_space<semaphore_mem>>)
    %dma_wait3A = arith.constant 0 : i32
    %dma_wait3A_28 = arith.constant 0 : i32
    %dma_wait3A_29 = tpu.memref_slice %arg5[%dma_wait3A, %dma_wait3A_28] : memref<50x128xi32, #tpu.memory_space<vmem>> -> memref<1x128xi32, #tpu.memory_space<vmem>>
    %dma_wait3A_30 = tpu.memref_squeeze %dma_wait3A_29 : memref<1x128xi32, #tpu.memory_space<vmem>> -> memref<128xi32, #tpu.memory_space<vmem>>
    %dma_wait3A_31 = arith.constant 0 : i32
    %dma_wait3A_32 = arith.constant 0 : i32
    %dma_wait3A_33 = tpu.memref_slice %arg2[%dma_wait3A_31, %dma_wait3A_32] : memref<49152x32xf32, #tpu.memory_space<hbm>> -> memref<49152x32xf32, #tpu.memory_space<hbm>>
    tpu.wait_indirect_dma semaphore(%arg12 : memref<!tpu.dma_semaphore, #tpu.memory_space<semaphore_mem>>) src(%dma_wait3A_33 : memref<49152x32xf32, #tpu.memory_space<hbm>>) dst(%arg6 : memref<128x32xf32, #tpu.memory_space<vmem>>)
    %dma_start3A_34 = arith.constant 4 : i32
    %dma_start3A_35 = arith.constant 0 : i32
    %dma_start3A_36 = tpu.memref_slice %arg5[%dma_start3A_34, %dma_start3A_35] : memref<50x128xi32, #tpu.memory_space<vmem>> -> memref<1x128xi32, #tpu.memory_space<vmem>>
    %dma_start3A_37 = tpu.memref_squeeze %dma_start3A_36 : memref<1x128xi32, #tpu.memory_space<vmem>> -> memref<128xi32, #tpu.memory_space<vmem>>
    %dma_start3A_38 = arith.constant 0 : i32
    %dma_start3A_39 = arith.constant 0 : i32
    %dma_start3A_40 = tpu.memref_slice %arg2[%dma_start3A_38, %dma_start3A_39] : memref<49152x32xf32, #tpu.memory_space<hbm>> -> memref<49152x32xf32, #tpu.memory_space<hbm>>
    tpu.enqueue_indirect_dma source(%dma_start3A_40 : memref<49152x32xf32, #tpu.memory_space<hbm>>) target(%arg10 : memref<128x32xf32, #tpu.memory_space<vmem>>) offsets(%dma_start3A_37 : memref<128xi32, #tpu.memory_space<vmem>>) semaphore(%arg16 : memref<!tpu.dma_semaphore, #tpu.memory_space<semaphore_mem>>)
    %scan3A = arith.constant 0 : i32
    %scan3A_41 = arith.constant 0 : i32
    %scan3A_42 = arith.constant 16 : i32
    %scan3A_43 = arith.addi %scan3A_41, %scan3A_42 : i32
    %scan3A_44 = arith.constant 1 : i32
    scf.for %scan3A_132 = %scan3A_41 to %scan3A_43 step %scan3A_44  : i32 {
      %mul3A_133 = arith.constant 8 : i32
      %mul3A_134 = arith.muli %scan3A_132, %mul3A_133 : i32
      %add3A_135 = arith.constant 0 : i32
      %add3A_136 = arith.addi %mul3A_134, %add3A_135 : i32
      %get3A = arith.index_cast %add3A_136 : i32 to index
      %get3A_137 = arith.constant 0 : index
      %get3A_138 = tpu.vector_load %arg6[%get3A, %get3A_137] {strides = array<i32>} : memref<128x32xf32, #tpu.memory_space<vmem>>, vector<1x16xf32>,
      %get3A_139 = vector.shape_cast %get3A_138 : vector<1x16xf32> to vector<16xf32>
      %swap3A = arith.constant 0 : i32
      %swap3A_140 = arith.index_cast %add3A_136 : i32 to index
      %swap3A_141 = arith.index_cast %swap3A : i32 to index
      %swap3A_142 = arith.constant 0 : index
      %swap3A_143 = tpu.vector_load %arg11[%swap3A_140, %swap3A_141, %swap3A_142] {strides = array<i32>} : memref<128x2x16xf32, #tpu.memory_space<vmem>>, vector<1x1x16xf32>,
      %swap3A_144 = vector.shape_cast %swap3A_143 : vector<1x1x16xf32> to vector<16xf32>
      %swap3A_145 = vector.shape_cast %get3A_139 : vector<16xf32> to vector<1x1x16xf32>
      tpu.vector_store %arg11[%swap3A_140, %swap3A_141, %swap3A_142], %swap3A_145 {strides = array<i32>} : memref<128x2x16xf32, #tpu.memory_space<vmem>>, vector<1x1x16xf32>,
      %get3A_146 = arith.index_cast %add3A_136 : i32 to index
      %get3A_147 = arith.constant 16 : index
      %get3A_148 = tpu.vector_load %arg6[%get3A_146, %get3A_147] {strides = array<i32>} : memref<128x32xf32, #tpu.memory_space<vmem>>, vector<1x16xf32>,
      %get3A_149 = vector.shape_cast %get3A_148 : vector<1x16xf32> to vector<16xf32>
      %swap3A_150 = arith.constant 1 : i32
      %swap3A_151 = arith.index_cast %add3A_136 : i32 to index
      %swap3A_152 = arith.index_cast %swap3A_150 : i32 to index
      %swap3A_153 = arith.constant 0 : index
      %swap3A_154 = tpu.vector_load %arg11[%swap3A_151, %swap3A_152, %swap3A_153] {strides = array<i32>} : memref<128x2x16xf32, #tpu.memory_space<vmem>>, vector<1x1x16xf32>,
      %swap3A_155 = vector.shape_cast %swap3A_154 : vector<1x1x16xf32> to vector<16xf32>
      %swap3A_156 = vector.shape_cast %get3A_149 : vector<16xf32> to vector<1x1x16xf32>
      tpu.vector_store %arg11[%swap3A_151, %swap3A_152, %swap3A_153], %swap3A_156 {strides = array<i32>} : memref<128x2x16xf32, #tpu.memory_space<vmem>>, vector<1x1x16xf32>,
      %mul3A_157 = arith.constant 8 : i32
      %mul3A_158 = arith.muli %scan3A_132, %mul3A_157 : i32
      %add3A_159 = arith.constant 1 : i32
      %add3A_160 = arith.addi %mul3A_158, %add3A_159 : i32
      %get3A_161 = arith.index_cast %add3A_160 : i32 to index
      %get3A_162 = arith.constant 0 : index
      %get3A_163 = tpu.vector_load %arg6[%get3A_161, %get3A_162] {strides = array<i32>} : memref<128x32xf32, #tpu.memory_space<vmem>>, vector<1x16xf32>,
      %get3A_164 = vector.shape_cast %get3A_163 : vector<1x16xf32> to vector<16xf32>
      %swap3A_165 = arith.constant 0 : i32
      %swap3A_166 = arith.index_cast %add3A_160 : i32 to index
      %swap3A_167 = arith.index_cast %swap3A_165 : i32 to index
      %swap3A_168 = arith.constant 0 : index
      %swap3A_169 = tpu.vector_load %arg11[%swap3A_166, %swap3A_167, %swap3A_168] {strides = array<i32>} : memref<128x2x16xf32, #tpu.memory_space<vmem>>, vector<1x1x16xf32>,
      %swap3A_170 = vector.shape_cast %swap3A_169 : vector<1x1x16xf32> to vector<16xf32>
      %swap3A_171 = vector.shape_cast %get3A_164 : vector<16xf32> to vector<1x1x16xf32>
      tpu.vector_store %arg11[%swap3A_166, %swap3A_167, %swap3A_168], %swap3A_171 {strides = array<i32>} : memref<128x2x16xf32, #tpu.memory_space<vmem>>, vector<1x1x16xf32>,
      %get3A_172 = arith.index_cast %add3A_160 : i32 to index
      %get3A_173 = arith.constant 16 : index
      %get3A_174 = tpu.vector_load %arg6[%get3A_172, %get3A_173] {strides = array<i32>} : memref<128x32xf32, #tpu.memory_space<vmem>>, vector<1x16xf32>,
      %get3A_175 = vector.shape_cast %get3A_174 : vector<1x16xf32> to vector<16xf32>
      %swap3A_176 = arith.constant 1 : i32
      %swap3A_177 = arith.index_cast %add3A_160 : i32 to index
      %swap3A_178 = arith.index_cast %swap3A_176 : i32 to index
      %swap3A_179 = arith.constant 0 : index
      %swap3A_180 = tpu.vector_load %arg11[%swap3A_177, %swap3A_178, %swap3A_179] {strides = array<i32>} : memref<128x2x16xf32, #tpu.memory_space<vmem>>, vector<1x1x16xf32>,
      %swap3A_181 = vector.shape_cast %swap3A_180 : vector<1x1x16xf32> to vector<16xf32>
      %swap3A_182 = vector.shape_cast %get3A_175 : vector<16xf32> to vector<1x1x16xf32>
      tpu.vector_store %arg11[%swap3A_177, %swap3A_178, %swap3A_179], %swap3A_182 {strides = array<i32>} : memref<128x2x16xf32, #tpu.memory_space<vmem>>, vector<1x1x16xf32>,
      %mul3A_183 = arith.constant 8 : i32
      %mul3A_184 = arith.muli %scan3A_132, %mul3A_183 : i32
      %add3A_185 = arith.constant 2 : i32
      %add3A_186 = arith.addi %mul3A_184, %add3A_185 : i32
      %get3A_187 = arith.index_cast %add3A_186 : i32 to index
      %get3A_188 = arith.constant 0 : index
      %get3A_189 = tpu.vector_load %arg6[%get3A_187, %get3A_188] {strides = array<i32>} : memref<128x32xf32, #tpu.memory_space<vmem>>, vector<1x16xf32>,
      %get3A_190 = vector.shape_cast %get3A_189 : vector<1x16xf32> to vector<16xf32>
      %swap3A_191 = arith.constant 0 : i32
      %swap3A_192 = arith.index_cast %add3A_186 : i32 to index
      %swap3A_193 = arith.index_cast %swap3A_191 : i32 to index
      %swap3A_194 = arith.constant 0 : index
      %swap3A_195 = tpu.vector_load %arg11[%swap3A_192, %swap3A_193, %swap3A_194] {strides = array<i32>} : memref<128x2x16xf32, #tpu.memory_space<vmem>>, vector<1x1x16xf32>,
      %swap3A_196 = vector.shape_cast %swap3A_195 : vector<1x1x16xf32> to vector<16xf32>
      %swap3A_197 = vector.shape_cast %get3A_190 : vector<16xf32> to vector<1x1x16xf32>
      tpu.vector_store %arg11[%swap3A_192, %swap3A_193, %swap3A_194], %swap3A_197 {strides = array<i32>} : memref<128x2x16xf32, #tpu.memory_space<vmem>>, vector<1x1x16xf32>,
      %get3A_198 = arith.index_cast %add3A_186 : i32 to index
      %get3A_199 = arith.constant 16 : index
      %get3A_200 = tpu.vector_load %arg6[%get3A_198, %get3A_199] {strides = array<i32>} : memref<128x32xf32, #tpu.memory_space<vmem>>, vector<1x16xf32>,
      %get3A_201 = vector.shape_cast %get3A_200 : vector<1x16xf32> to vector<16xf32>
      %swap3A_202 = arith.constant 1 : i32
      %swap3A_203 = arith.index_cast %add3A_186 : i32 to index
      %swap3A_204 = arith.index_cast %swap3A_202 : i32 to index
      %swap3A_205 = arith.constant 0 : index
      %swap3A_206 = tpu.vector_load %arg11[%swap3A_203, %swap3A_204, %swap3A_205] {strides = array<i32>} : memref<128x2x16xf32, #tpu.memory_space<vmem>>, vector<1x1x16xf32>,
      %swap3A_207 = vector.shape_cast %swap3A_206 : vector<1x1x16xf32> to vector<16xf32>
      %swap3A_208 = vector.shape_cast %get3A_201 : vector<16xf32> to vector<1x1x16xf32>
      tpu.vector_store %arg11[%swap3A_203, %swap3A_204, %swap3A_205], %swap3A_208 {strides = array<i32>} : memref<128x2x16xf32, #tpu.memory_space<vmem>>, vector<1x1x16xf32>,
      %mul3A_209 = arith.constant 8 : i32
      %mul3A_210 = arith.muli %scan3A_132, %mul3A_209 : i32
      %add3A_211 = arith.constant 3 : i32
      %add3A_212 = arith.addi %mul3A_210, %add3A_211 : i32
      %get3A_213 = arith.index_cast %add3A_212 : i32 to index
      %get3A_214 = arith.constant 0 : index
      %get3A_215 = tpu.vector_load %arg6[%get3A_213, %get3A_214] {strides = array<i32>} : memref<128x32xf32, #tpu.memory_space<vmem>>, vector<1x16xf32>,
      %get3A_216 = vector.shape_cast %get3A_215 : vector<1x16xf32> to vector<16xf32>
      %swap3A_217 = arith.constant 0 : i32
      %swap3A_218 = arith.index_cast %add3A_212 : i32 to index
      %swap3A_219 = arith.index_cast %swap3A_217 : i32 to index
      %swap3A_220 = arith.constant 0 : index
      %swap3A_221 = tpu.vector_load %arg11[%swap3A_218, %swap3A_219, %swap3A_220] {strides = array<i32>} : memref<128x2x16xf32, #tpu.memory_space<vmem>>, vector<1x1x16xf32>,
      %swap3A_222 = vector.shape_cast %swap3A_221 : vector<1x1x16xf32> to vector<16xf32>
      %swap3A_223 = vector.shape_cast %get3A_216 : vector<16xf32> to vector<1x1x16xf32>
      tpu.vector_store %arg11[%swap3A_218, %swap3A_219, %swap3A_220], %swap3A_223 {strides = array<i32>} : memref<128x2x16xf32, #tpu.memory_space<vmem>>, vector<1x1x16xf32>,
      %get3A_224 = arith.index_cast %add3A_212 : i32 to index
      %get3A_225 = arith.constant 16 : index
      %get3A_226 = tpu.vector_load %arg6[%get3A_224, %get3A_225] {strides = array<i32>} : memref<128x32xf32, #tpu.memory_space<vmem>>, vector<1x16xf32>,
      %get3A_227 = vector.shape_cast %get3A_226 : vector<1x16xf32> to vector<16xf32>
      %swap3A_228 = arith.constant 1 : i32
      %swap3A_229 = arith.index_cast %add3A_212 : i32 to index
      %swap3A_230 = arith.index_cast %swap3A_228 : i32 to index
      %swap3A_231 = arith.constant 0 : index
      %swap3A_232 = tpu.vector_load %arg11[%swap3A_229, %swap3A_230, %swap3A_231] {strides = array<i32>} : memref<128x2x16xf32, #tpu.memory_space<vmem>>, vector<1x1x16xf32>,
      %swap3A_233 = vector.shape_cast %swap3A_232 : vector<1x1x16xf32> to vector<16xf32>
      %swap3A_234 = vector.shape_cast %get3A_227 : vector<16xf32> to vector<1x1x16xf32>
      tpu.vector_store %arg11[%swap3A_229, %swap3A_230, %swap3A_231], %swap3A_234 {strides = array<i32>} : memref<128x2x16xf32, #tpu.memory_space<vmem>>, vector<1x1x16xf32>,
      %mul3A_235 = arith.constant 8 : i32
      %mul3A_236 = arith.muli %scan3A_132, %mul3A_235 : i32
      %add3A_237 = arith.constant 4 : i32
      %add3A_238 = arith.addi %mul3A_236, %add3A_237 : i32
      %get3A_239 = arith.index_cast %add3A_238 : i32 to index
      %get3A_240 = arith.constant 0 : index
      %get3A_241 = tpu.vector_load %arg6[%get3A_239, %get3A_240] {strides = array<i32>} : memref<128x32xf32, #tpu.memory_space<vmem>>, vector<1x16xf32>,
      %get3A_242 = vector.shape_cast %get3A_241 : vector<1x16xf32> to vector<16xf32>
      %swap3A_243 = arith.constant 0 : i32
      %swap3A_244 = arith.index_cast %add3A_238 : i32 to index
      %swap3A_245 = arith.index_cast %swap3A_243 : i32 to index
      %swap3A_246 = arith.constant 0 : index
      %swap3A_247 = tpu.vector_load %arg11[%swap3A_244, %swap3A_245, %swap3A_246] {strides = array<i32>} : memref<128x2x16xf32, #tpu.memory_space<vmem>>, vector<1x1x16xf32>,
      %swap3A_248 = vector.shape_cast %swap3A_247 : vector<1x1x16xf32> to vector<16xf32>
      %swap3A_249 = vector.shape_cast %get3A_242 : vector<16xf32> to vector<1x1x16xf32>
      tpu.vector_store %arg11[%swap3A_244, %swap3A_245, %swap3A_246], %swap3A_249 {strides = array<i32>} : memref<128x2x16xf32, #tpu.memory_space<vmem>>, vector<1x1x16xf32>,
      %get3A_250 = arith.index_cast %add3A_238 : i32 to index
      %get3A_251 = arith.constant 16 : index
      %get3A_252 = tpu.vector_load %arg6[%get3A_250, %get3A_251] {strides = array<i32>} : memref<128x32xf32, #tpu.memory_space<vmem>>, vector<1x16xf32>,
      %get3A_253 = vector.shape_cast %get3A_252 : vector<1x16xf32> to vector<16xf32>
      %swap3A_254 = arith.constant 1 : i32
      %swap3A_255 = arith.index_cast %add3A_238 : i32 to index
      %swap3A_256 = arith.index_cast %swap3A_254 : i32 to index
      %swap3A_257 = arith.constant 0 : index
      %swap3A_258 = tpu.vector_load %arg11[%swap3A_255, %swap3A_256, %swap3A_257] {strides = array<i32>} : memref<128x2x16xf32, #tpu.memory_space<vmem>>, vector<1x1x16xf32>,
      %swap3A_259 = vector.shape_cast %swap3A_258 : vector<1x1x16xf32> to vector<16xf32>
      %swap3A_260 = vector.shape_cast %get3A_253 : vector<16xf32> to vector<1x1x16xf32>
      tpu.vector_store %arg11[%swap3A_255, %swap3A_256, %swap3A_257], %swap3A_260 {strides = array<i32>} : memref<128x2x16xf32, #tpu.memory_space<vmem>>, vector<1x1x16xf32>,
      %mul3A_261 = arith.constant 8 : i32
      %mul3A_262 = arith.muli %scan3A_132, %mul3A_261 : i32
      %add3A_263 = arith.constant 5 : i32
      %add3A_264 = arith.addi %mul3A_262, %add3A_263 : i32
      %get3A_265 = arith.index_cast %add3A_264 : i32 to index
      %get3A_266 = arith.constant 0 : index
      %get3A_267 = tpu.vector_load %arg6[%get3A_265, %get3A_266] {strides = array<i32>} : memref<128x32xf32, #tpu.memory_space<vmem>>, vector<1x16xf32>,
      %get3A_268 = vector.shape_cast %get3A_267 : vector<1x16xf32> to vector<16xf32>
      %swap3A_269 = arith.constant 0 : i32
      %swap3A_270 = arith.index_cast %add3A_264 : i32 to index
      %swap3A_271 = arith.index_cast %swap3A_269 : i32 to index
      %swap3A_272 = arith.constant 0 : index
      %swap3A_273 = tpu.vector_load %arg11[%swap3A_270, %swap3A_271, %swap3A_272] {strides = array<i32>} : memref<128x2x16xf32, #tpu.memory_space<vmem>>, vector<1x1x16xf32>,
      %swap3A_274 = vector.shape_cast %swap3A_273 : vector<1x1x16xf32> to vector<16xf32>
      %swap3A_275 = vector.shape_cast %get3A_268 : vector<16xf32> to vector<1x1x16xf32>
      tpu.vector_store %arg11[%swap3A_270, %swap3A_271, %swap3A_272], %swap3A_275 {strides = array<i32>} : memref<128x2x16xf32, #tpu.memory_space<vmem>>, vector<1x1x16xf32>,
      %get3A_276 = arith.index_cast %add3A_264 : i32 to index
      %get3A_277 = arith.constant 16 : index
      %get3A_278 = tpu.vector_load %arg6[%get3A_276, %get3A_277] {strides = array<i32>} : memref<128x32xf32, #tpu.memory_space<vmem>>, vector<1x16xf32>,
      %get3A_279 = vector.shape_cast %get3A_278 : vector<1x16xf32> to vector<16xf32>
      %swap3A_280 = arith.constant 1 : i32
      %swap3A_281 = arith.index_cast %add3A_264 : i32 to index
      %swap3A_282 = arith.index_cast %swap3A_280 : i32 to index
      %swap3A_283 = arith.constant 0 : index
      %swap3A_284 = tpu.vector_load %arg11[%swap3A_281, %swap3A_282, %swap3A_283] {strides = array<i32>} : memref<128x2x16xf32, #tpu.memory_space<vmem>>, vector<1x1x16xf32>,
      %swap3A_285 = vector.shape_cast %swap3A_284 : vector<1x1x16xf32> to vector<16xf32>
      %swap3A_286 = vector.shape_cast %get3A_279 : vector<16xf32> to vector<1x1x16xf32>
      tpu.vector_store %arg11[%swap3A_281, %swap3A_282, %swap3A_283], %swap3A_286 {strides = array<i32>} : memref<128x2x16xf32, #tpu.memory_space<vmem>>, vector<1x1x16xf32>,
      %mul3A_287 = arith.constant 8 : i32
      %mul3A_288 = arith.muli %scan3A_132, %mul3A_287 : i32
      %add3A_289 = arith.constant 6 : i32
      %add3A_290 = arith.addi %mul3A_288, %add3A_289 : i32
      %get3A_291 = arith.index_cast %add3A_290 : i32 to index
      %get3A_292 = arith.constant 0 : index
      %get3A_293 = tpu.vector_load %arg6[%get3A_291, %get3A_292] {strides = array<i32>} : memref<128x32xf32, #tpu.memory_space<vmem>>, vector<1x16xf32>,
      %get3A_294 = vector.shape_cast %get3A_293 : vector<1x16xf32> to vector<16xf32>
      %swap3A_295 = arith.constant 0 : i32
      %swap3A_296 = arith.index_cast %add3A_290 : i32 to index
      %swap3A_297 = arith.index_cast %swap3A_295 : i32 to index
      %swap3A_298 = arith.constant 0 : index
      %swap3A_299 = tpu.vector_load %arg11[%swap3A_296, %swap3A_297, %swap3A_298] {strides = array<i32>} : memref<128x2x16xf32, #tpu.memory_space<vmem>>, vector<1x1x16xf32>,
      %swap3A_300 = vector.shape_cast %swap3A_299 : vector<1x1x16xf32> to vector<16xf32>
      %swap3A_301 = vector.shape_cast %get3A_294 : vector<16xf32> to vector<1x1x16xf32>
      tpu.vector_store %arg11[%swap3A_296, %swap3A_297, %swap3A_298], %swap3A_301 {strides = array<i32>} : memref<128x2x16xf32, #tpu.memory_space<vmem>>, vector<1x1x16xf32>,
      %get3A_302 = arith.index_cast %add3A_290 : i32 to index
      %get3A_303 = arith.constant 16 : index
      %get3A_304 = tpu.vector_load %arg6[%get3A_302, %get3A_303] {strides = array<i32>} : memref<128x32xf32, #tpu.memory_space<vmem>>, vector<1x16xf32>,
      %get3A_305 = vector.shape_cast %get3A_304 : vector<1x16xf32> to vector<16xf32>
      %swap3A_306 = arith.constant 1 : i32
      %swap3A_307 = arith.index_cast %add3A_290 : i32 to index
      %swap3A_308 = arith.index_cast %swap3A_306 : i32 to index
      %swap3A_309 = arith.constant 0 : index
      %swap3A_310 = tpu.vector_load %arg11[%swap3A_307, %swap3A_308, %swap3A_309] {strides = array<i32>} : memref<128x2x16xf32, #tpu.memory_space<vmem>>, vector<1x1x16xf32>,
      %swap3A_311 = vector.shape_cast %swap3A_310 : vector<1x1x16xf32> to vector<16xf32>
      %swap3A_312 = vector.shape_cast %get3A_305 : vector<16xf32> to vector<1x1x16xf32>
      tpu.vector_store %arg11[%swap3A_307, %swap3A_308, %swap3A_309], %swap3A_312 {strides = array<i32>} : memref<128x2x16xf32, #tpu.memory_space<vmem>>, vector<1x1x16xf32>,
      %mul3A_313 = arith.constant 8 : i32
      %mul3A_314 = arith.muli %scan3A_132, %mul3A_313 : i32
      %add3A_315 = arith.constant 7 : i32
      %add3A_316 = arith.addi %mul3A_314, %add3A_315 : i32
      %get3A_317 = arith.index_cast %add3A_316 : i32 to index
      %get3A_318 = arith.constant 0 : index
      %get3A_319 = tpu.vector_load %arg6[%get3A_317, %get3A_318] {strides = array<i32>} : memref<128x32xf32, #tpu.memory_space<vmem>>, vector<1x16xf32>,
      %get3A_320 = vector.shape_cast %get3A_319 : vector<1x16xf32> to vector<16xf32>
      %swap3A_321 = arith.constant 0 : i32
      %swap3A_322 = arith.index_cast %add3A_316 : i32 to index
      %swap3A_323 = arith.index_cast %swap3A_321 : i32 to index
      %swap3A_324 = arith.constant 0 : index
      %swap3A_325 = tpu.vector_load %arg11[%swap3A_322, %swap3A_323, %swap3A_324] {strides = array<i32>} : memref<128x2x16xf32, #tpu.memory_space<vmem>>, vector<1x1x16xf32>,
      %swap3A_326 = vector.shape_cast %swap3A_325 : vector<1x1x16xf32> to vector<16xf32>
      %swap3A_327 = vector.shape_cast %get3A_320 : vector<16xf32> to vector<1x1x16xf32>
      tpu.vector_store %arg11[%swap3A_322, %swap3A_323, %swap3A_324], %swap3A_327 {strides = array<i32>} : memref<128x2x16xf32, #tpu.memory_space<vmem>>, vector<1x1x16xf32>,
      %get3A_328 = arith.index_cast %add3A_316 : i32 to index
      %get3A_329 = arith.constant 16 : index
      %get3A_330 = tpu.vector_load %arg6[%get3A_328, %get3A_329] {strides = array<i32>} : memref<128x32xf32, #tpu.memory_space<vmem>>, vector<1x16xf32>,
      %get3A_331 = vector.shape_cast %get3A_330 : vector<1x16xf32> to vector<16xf32>
      %swap3A_332 = arith.constant 1 : i32
      %swap3A_333 = arith.index_cast %add3A_316 : i32 to index
      %swap3A_334 = arith.index_cast %swap3A_332 : i32 to index
      %swap3A_335 = arith.constant 0 : index
      %swap3A_336 = tpu.vector_load %arg11[%swap3A_333, %swap3A_334, %swap3A_335] {strides = array<i32>} : memref<128x2x16xf32, #tpu.memory_space<vmem>>, vector<1x1x16xf32>,
      %swap3A_337 = vector.shape_cast %swap3A_336 : vector<1x1x16xf32> to vector<16xf32>
      %swap3A_338 = vector.shape_cast %get3A_331 : vector<16xf32> to vector<1x1x16xf32>
      tpu.vector_store %arg11[%swap3A_333, %swap3A_334, %swap3A_335], %swap3A_338 {strides = array<i32>} : memref<128x2x16xf32, #tpu.memory_space<vmem>>, vector<1x1x16xf32>,
    }
    %scan3A_45 = arith.constant 16 : i32
    %dma_wait3A_46 = arith.constant 0 : i32
    %dma_wait3A_47 = arith.constant 0 : i32
    %dma_wait3A_48 = tpu.memref_slice %arg5[%dma_wait3A_46, %dma_wait3A_47] : memref<50x128xi32, #tpu.memory_space<vmem>> -> memref<1x128xi32, #tpu.memory_space<vmem>>
    %dma_wait3A_49 = tpu.memref_squeeze %dma_wait3A_48 : memref<1x128xi32, #tpu.memory_space<vmem>> -> memref<128xi32, #tpu.memory_space<vmem>>
    %dma_wait3A_50 = arith.constant 0 : i32
    %dma_wait3A_51 = arith.constant 0 : i32
    %dma_wait3A_52 = tpu.memref_slice %arg2[%dma_wait3A_50, %dma_wait3A_51] : memref<49152x32xf32, #tpu.memory_space<hbm>> -> memref<49152x32xf32, #tpu.memory_space<hbm>>
    tpu.wait_indirect_dma semaphore(%arg13 : memref<!tpu.dma_semaphore, #tpu.memory_space<semaphore_mem>>) src(%dma_wait3A_52 : memref<49152x32xf32, #tpu.memory_space<hbm>>) dst(%arg7 : memref<128x32xf32, #tpu.memory_space<vmem>>)
    %dma_start3A_53 = arith.constant 5 : i32
    %dma_start3A_54 = arith.constant 0 : i32
    %dma_start3A_55 = tpu.memref_slice %arg5[%dma_start3A_53, %dma_start3A_54] : memref<50x128xi32, #tpu.memory_space<vmem>> -> memref<1x128xi32, #tpu.memory_space<vmem>>
    %dma_start3A_56 = tpu.memref_squeeze %dma_start3A_55 : memref<1x128xi32, #tpu.memory_space<vmem>> -> memref<128xi32, #tpu.memory_space<vmem>>
    %dma_start3A_57 = arith.constant 0 : i32
    %dma_start3A_58 = arith.constant 0 : i32
    %dma_start3A_59 = tpu.memref_slice %arg2[%dma_start3A_57, %dma_start3A_58] : memref<49152x32xf32, #tpu.memory_space<hbm>> -> memref<49152x32xf32, #tpu.memory_space<hbm>>
    tpu.enqueue_indirect_dma source(%dma_start3A_59 : memref<49152x32xf32, #tpu.memory_space<hbm>>) target(%arg6 : memref<128x32xf32, #tpu.memory_space<vmem>>) offsets(%dma_start3A_56 : memref<128xi32, #tpu.memory_space<vmem>>) semaphore(%arg12 : memref<!tpu.dma_semaphore, #tpu.memory_space<semaphore_mem>>)
    %scan3A_60 = arith.constant 0 : i32
    %scan3A_61 = arith.constant 0 : i32
    %scan3A_62 = arith.constant 16 : i32
    %scan3A_63 = arith.addi %scan3A_61, %scan3A_62 : i32
    %scan3A_64 = arith.constant 1 : i32
    scf.for %scan3A_132 = %scan3A_61 to %scan3A_63 step %scan3A_64  : i32 {
      %mul3A_133 = arith.constant 8 : i32
      %mul3A_134 = arith.muli %scan3A_132, %mul3A_133 : i32
      %add3A_135 = arith.constant 0 : i32
      %add3A_136 = arith.addi %mul3A_134, %add3A_135 : i32
      %get3A = arith.index_cast %add3A_136 : i32 to index
      %get3A_137 = arith.constant 0 : index
      %get3A_138 = tpu.vector_load %arg7[%get3A, %get3A_137] {strides = array<i32>} : memref<128x32xf32, #tpu.memory_space<vmem>>, vector<1x16xf32>,
      %get3A_139 = vector.shape_cast %get3A_138 : vector<1x16xf32> to vector<16xf32>
      %swap3A = arith.constant 0 : i32
      %swap3A_140 = arith.index_cast %add3A_136 : i32 to index
      %swap3A_141 = arith.index_cast %swap3A : i32 to index
      %swap3A_142 = arith.constant 0 : index
      %swap3A_143 = tpu.vector_load %arg11[%swap3A_140, %swap3A_141, %swap3A_142] {strides = array<i32>} : memref<128x2x16xf32, #tpu.memory_space<vmem>>, vector<1x1x16xf32>,
      %swap3A_144 = vector.shape_cast %swap3A_143 : vector<1x1x16xf32> to vector<16xf32>
      %swap3A_145 = vector.shape_cast %get3A_139 : vector<16xf32> to vector<1x1x16xf32>
      tpu.vector_store %arg11[%swap3A_140, %swap3A_141, %swap3A_142], %swap3A_145 {add = true, strides = array<i32>} : memref<128x2x16xf32, #tpu.memory_space<vmem>>, vector<1x1x16xf32>,
      %get3A_146 = arith.index_cast %add3A_136 : i32 to index
      %get3A_147 = arith.constant 16 : index
      %get3A_148 = tpu.vector_load %arg7[%get3A_146, %get3A_147] {strides = array<i32>} : memref<128x32xf32, #tpu.memory_space<vmem>>, vector<1x16xf32>,
      %get3A_149 = vector.shape_cast %get3A_148 : vector<1x16xf32> to vector<16xf32>
      %swap3A_150 = arith.constant 1 : i32
      %swap3A_151 = arith.index_cast %add3A_136 : i32 to index
      %swap3A_152 = arith.index_cast %swap3A_150 : i32 to index
      %swap3A_153 = arith.constant 0 : index
      %swap3A_154 = tpu.vector_load %arg11[%swap3A_151, %swap3A_152, %swap3A_153] {strides = array<i32>} : memref<128x2x16xf32, #tpu.memory_space<vmem>>, vector<1x1x16xf32>,
      %swap3A_155 = vector.shape_cast %swap3A_154 : vector<1x1x16xf32> to vector<16xf32>
      %swap3A_156 = vector.shape_cast %get3A_149 : vector<16xf32> to vector<1x1x16xf32>
      tpu.vector_store %arg11[%swap3A_151, %swap3A_152, %swap3A_153], %swap3A_156 {add = true, strides = array<i32>} : memref<128x2x16xf32, #tpu.memory_space<vmem>>, vector<1x1x16xf32>,
      %mul3A_157 = arith.constant 8 : i32
      %mul3A_158 = arith.muli %scan3A_132, %mul3A_157 : i32
      %add3A_159 = arith.constant 1 : i32
      %add3A_160 = arith.addi %mul3A_158, %add3A_159 : i32
      %get3A_161 = arith.index_cast %add3A_160 : i32 to index
      %get3A_162 = arith.constant 0 : index
      %get3A_163 = tpu.vector_load %arg7[%get3A_161, %get3A_162] {strides = array<i32>} : memref<128x32xf32, #tpu.memory_space<vmem>>, vector<1x16xf32>,
      %get3A_164 = vector.shape_cast %get3A_163 : vector<1x16xf32> to vector<16xf32>
      %swap3A_165 = arith.constant 0 : i32
      %swap3A_166 = arith.index_cast %add3A_160 : i32 to index
      %swap3A_167 = arith.index_cast %swap3A_165 : i32 to index
      %swap3A_168 = arith.constant 0 : index
      %swap3A_169 = tpu.vector_load %arg11[%swap3A_166, %swap3A_167, %swap3A_168] {strides = array<i32>} : memref<128x2x16xf32, #tpu.memory_space<vmem>>, vector<1x1x16xf32>,
      %swap3A_170 = vector.shape_cast %swap3A_169 : vector<1x1x16xf32> to vector<16xf32>
      %swap3A_171 = vector.shape_cast %get3A_164 : vector<16xf32> to vector<1x1x16xf32>
      tpu.vector_store %arg11[%swap3A_166, %swap3A_167, %swap3A_168], %swap3A_171 {add = true, strides = array<i32>} : memref<128x2x16xf32, #tpu.memory_space<vmem>>, vector<1x1x16xf32>,
      %get3A_172 = arith.index_cast %add3A_160 : i32 to index
      %get3A_173 = arith.constant 16 : index
      %get3A_174 = tpu.vector_load %arg7[%get3A_172, %get3A_173] {strides = array<i32>} : memref<128x32xf32, #tpu.memory_space<vmem>>, vector<1x16xf32>,
      %get3A_175 = vector.shape_cast %get3A_174 : vector<1x16xf32> to vector<16xf32>
      %swap3A_176 = arith.constant 1 : i32
      %swap3A_177 = arith.index_cast %add3A_160 : i32 to index
      %swap3A_178 = arith.index_cast %swap3A_176 : i32 to index
      %swap3A_179 = arith.constant 0 : index
      %swap3A_180 = tpu.vector_load %arg11[%swap3A_177, %swap3A_178, %swap3A_179] {strides = array<i32>} : memref<128x2x16xf32, #tpu.memory_space<vmem>>, vector<1x1x16xf32>,
      %swap3A_181 = vector.shape_cast %swap3A_180 : vector<1x1x16xf32> to vector<16xf32>
      %swap3A_182 = vector.shape_cast %get3A_175 : vector<16xf32> to vector<1x1x16xf32>
      tpu.vector_store %arg11[%swap3A_177, %swap3A_178, %swap3A_179], %swap3A_182 {add = true, strides = array<i32>} : memref<128x2x16xf32, #tpu.memory_space<vmem>>, vector<1x1x16xf32>,
      %mul3A_183 = arith.constant 8 : i32
      %mul3A_184 = arith.muli %scan3A_132, %mul3A_183 : i32
      %add3A_185 = arith.constant 2 : i32
      %add3A_186 = arith.addi %mul3A_184, %add3A_185 : i32
      %get3A_187 = arith.index_cast %add3A_186 : i32 to index
      %get3A_188 = arith.constant 0 : index
      %get3A_189 = tpu.vector_load %arg7[%get3A_187, %get3A_188] {strides = array<i32>} : memref<128x32xf32, #tpu.memory_space<vmem>>, vector<1x16xf32>,
      %get3A_190 = vector.shape_cast %get3A_189 : vector<1x16xf32> to vector<16xf32>
      %swap3A_191 = arith.constant 0 : i32
      %swap3A_192 = arith.index_cast %add3A_186 : i32 to index
      %swap3A_193 = arith.index_cast %swap3A_191 : i32 to index
      %swap3A_194 = arith.constant 0 : index
      %swap3A_195 = tpu.vector_load %arg11[%swap3A_192, %swap3A_193, %swap3A_194] {strides = array<i32>} : memref<128x2x16xf32, #tpu.memory_space<vmem>>, vector<1x1x16xf32>,
      %swap3A_196 = vector.shape_cast %swap3A_195 : vector<1x1x16xf32> to vector<16xf32>
      %swap3A_197 = vector.shape_cast %get3A_190 : vector<16xf32> to vector<1x1x16xf32>
      tpu.vector_store %arg11[%swap3A_192, %swap3A_193, %swap3A_194], %swap3A_197 {add = true, strides = array<i32>} : memref<128x2x16xf32, #tpu.memory_space<vmem>>, vector<1x1x16xf32>,
      %get3A_198 = arith.index_cast %add3A_186 : i32 to index
      %get3A_199 = arith.constant 16 : index
      %get3A_200 = tpu.vector_load %arg7[%get3A_198, %get3A_199] {strides = array<i32>} : memref<128x32xf32, #tpu.memory_space<vmem>>, vector<1x16xf32>,
      %get3A_201 = vector.shape_cast %get3A_200 : vector<1x16xf32> to vector<16xf32>
      %swap3A_202 = arith.constant 1 : i32
      %swap3A_203 = arith.index_cast %add3A_186 : i32 to index
      %swap3A_204 = arith.index_cast %swap3A_202 : i32 to index
      %swap3A_205 = arith.constant 0 : index
      %swap3A_206 = tpu.vector_load %arg11[%swap3A_203, %swap3A_204, %swap3A_205] {strides = array<i32>} : memref<128x2x16xf32, #tpu.memory_space<vmem>>, vector<1x1x16xf32>,
      %swap3A_207 = vector.shape_cast %swap3A_206 : vector<1x1x16xf32> to vector<16xf32>
      %swap3A_208 = vector.shape_cast %get3A_201 : vector<16xf32> to vector<1x1x16xf32>
      tpu.vector_store %arg11[%swap3A_203, %swap3A_204, %swap3A_205], %swap3A_208 {add = true, strides = array<i32>} : memref<128x2x16xf32, #tpu.memory_space<vmem>>, vector<1x1x16xf32>,
      %mul3A_209 = arith.constant 8 : i32
      %mul3A_210 = arith.muli %scan3A_132, %mul3A_209 : i32
      %add3A_211 = arith.constant 3 : i32
      %add3A_212 = arith.addi %mul3A_210, %add3A_211 : i32
      %get3A_213 = arith.index_cast %add3A_212 : i32 to index
      %get3A_214 = arith.constant 0 : index
      %get3A_215 = tpu.vector_load %arg7[%get3A_213, %get3A_214] {strides = array<i32>} : memref<128x32xf32, #tpu.memory_space<vmem>>, vector<1x16xf32>,
      %get3A_216 = vector.shape_cast %get3A_215 : vector<1x16xf32> to vector<16xf32>
      %swap3A_217 = arith.constant 0 : i32
      %swap3A_218 = arith.index_cast %add3A_212 : i32 to index
      %swap3A_219 = arith.index_cast %swap3A_217 : i32 to index
      %swap3A_220 = arith.constant 0 : index
      %swap3A_221 = tpu.vector_load %arg11[%swap3A_218, %swap3A_219, %swap3A_220] {strides = array<i32>} : memref<128x2x16xf32, #tpu.memory_space<vmem>>, vector<1x1x16xf32>,
      %swap3A_222 = vector.shape_cast %swap3A_221 : vector<1x1x16xf32> to vector<16xf32>
      %swap3A_223 = vector.shape_cast %get3A_216 : vector<16xf32> to vector<1x1x16xf32>
      tpu.vector_store %arg11[%swap3A_218, %swap3A_219, %swap3A_220], %swap3A_223 {add = true, strides = array<i32>} : memref<128x2x16xf32, #tpu.memory_space<vmem>>, vector<1x1x16xf32>,
      %get3A_224 = arith.index_cast %add3A_212 : i32 to index
      %get3A_225 = arith.constant 16 : index
      %get3A_226 = tpu.vector_load %arg7[%get3A_224, %get3A_225] {strides = array<i32>} : memref<128x32xf32, #tpu.memory_space<vmem>>, vector<1x16xf32>,
      %get3A_227 = vector.shape_cast %get3A_226 : vector<1x16xf32> to vector<16xf32>
      %swap3A_228 = arith.constant 1 : i32
      %swap3A_229 = arith.index_cast %add3A_212 : i32 to index
      %swap3A_230 = arith.index_cast %swap3A_228 : i32 to index
      %swap3A_231 = arith.constant 0 : index
      %swap3A_232 = tpu.vector_load %arg11[%swap3A_229, %swap3A_230, %swap3A_231] {strides = array<i32>} : memref<128x2x16xf32, #tpu.memory_space<vmem>>, vector<1x1x16xf32>,
      %swap3A_233 = vector.shape_cast %swap3A_232 : vector<1x1x16xf32> to vector<16xf32>
      %swap3A_234 = vector.shape_cast %get3A_227 : vector<16xf32> to vector<1x1x16xf32>
      tpu.vector_store %arg11[%swap3A_229, %swap3A_230, %swap3A_231], %swap3A_234 {add = true, strides = array<i32>} : memref<128x2x16xf32, #tpu.memory_space<vmem>>, vector<1x1x16xf32>,
      %mul3A_235 = arith.constant 8 : i32
      %mul3A_236 = arith.muli %scan3A_132, %mul3A_235 : i32
      %add3A_237 = arith.constant 4 : i32
      %add3A_238 = arith.addi %mul3A_236, %add3A_237 : i32
      %get3A_239 = arith.index_cast %add3A_238 : i32 to index
      %get3A_240 = arith.constant 0 : index
      %get3A_241 = tpu.vector_load %arg7[%get3A_239, %get3A_240] {strides = array<i32>} : memref<128x32xf32, #tpu.memory_space<vmem>>, vector<1x16xf32>,
      %get3A_242 = vector.shape_cast %get3A_241 : vector<1x16xf32> to vector<16xf32>
      %swap3A_243 = arith.constant 0 : i32
      %swap3A_244 = arith.index_cast %add3A_238 : i32 to index
      %swap3A_245 = arith.index_cast %swap3A_243 : i32 to index
      %swap3A_246 = arith.constant 0 : index
      %swap3A_247 = tpu.vector_load %arg11[%swap3A_244, %swap3A_245, %swap3A_246] {strides = array<i32>} : memref<128x2x16xf32, #tpu.memory_space<vmem>>, vector<1x1x16xf32>,
      %swap3A_248 = vector.shape_cast %swap3A_247 : vector<1x1x16xf32> to vector<16xf32>
      %swap3A_249 = vector.shape_cast %get3A_242 : vector<16xf32> to vector<1x1x16xf32>
      tpu.vector_store %arg11[%swap3A_244, %swap3A_245, %swap3A_246], %swap3A_249 {add = true, strides = array<i32>} : memref<128x2x16xf32, #tpu.memory_space<vmem>>, vector<1x1x16xf32>,
      %get3A_250 = arith.index_cast %add3A_238 : i32 to index
      %get3A_251 = arith.constant 16 : index
      %get3A_252 = tpu.vector_load %arg7[%get3A_250, %get3A_251] {strides = array<i32>} : memref<128x32xf32, #tpu.memory_space<vmem>>, vector<1x16xf32>,
      %get3A_253 = vector.shape_cast %get3A_252 : vector<1x16xf32> to vector<16xf32>
      %swap3A_254 = arith.constant 1 : i32
      %swap3A_255 = arith.index_cast %add3A_238 : i32 to index
      %swap3A_256 = arith.index_cast %swap3A_254 : i32 to index
      %swap3A_257 = arith.constant 0 : index
      %swap3A_258 = tpu.vector_load %arg11[%swap3A_255, %swap3A_256, %swap3A_257] {strides = array<i32>} : memref<128x2x16xf32, #tpu.memory_space<vmem>>, vector<1x1x16xf32>,
      %swap3A_259 = vector.shape_cast %swap3A_258 : vector<1x1x16xf32> to vector<16xf32>
      %swap3A_260 = vector.shape_cast %get3A_253 : vector<16xf32> to vector<1x1x16xf32>
      tpu.vector_store %arg11[%swap3A_255, %swap3A_256, %swap3A_257], %swap3A_260 {add = true, strides = array<i32>} : memref<128x2x16xf32, #tpu.memory_space<vmem>>, vector<1x1x16xf32>,
      %mul3A_261 = arith.constant 8 : i32
      %mul3A_262 = arith.muli %scan3A_132, %mul3A_261 : i32
      %add3A_263 = arith.constant 5 : i32
      %add3A_264 = arith.addi %mul3A_262, %add3A_263 : i32
      %get3A_265 = arith.index_cast %add3A_264 : i32 to index
      %get3A_266 = arith.constant 0 : index
      %get3A_267 = tpu.vector_load %arg7[%get3A_265, %get3A_266] {strides = array<i32>} : memref<128x32xf32, #tpu.memory_space<vmem>>, vector<1x16xf32>,
      %get3A_268 = vector.shape_cast %get3A_267 : vector<1x16xf32> to vector<16xf32>
      %swap3A_269 = arith.constant 0 : i32
      %swap3A_270 = arith.index_cast %add3A_264 : i32 to index
      %swap3A_271 = arith.index_cast %swap3A_269 : i32 to index
      %swap3A_272 = arith.constant 0 : index
      %swap3A_273 = tpu.vector_load %arg11[%swap3A_270, %swap3A_271, %swap3A_272] {strides = array<i32>} : memref<128x2x16xf32, #tpu.memory_space<vmem>>, vector<1x1x16xf32>,
      %swap3A_274 = vector.shape_cast %swap3A_273 : vector<1x1x16xf32> to vector<16xf32>
      %swap3A_275 = vector.shape_cast %get3A_268 : vector<16xf32> to vector<1x1x16xf32>
      tpu.vector_store %arg11[%swap3A_270, %swap3A_271, %swap3A_272], %swap3A_275 {add = true, strides = array<i32>} : memref<128x2x16xf32, #tpu.memory_space<vmem>>, vector<1x1x16xf32>,
      %get3A_276 = arith.index_cast %add3A_264 : i32 to index
      %get3A_277 = arith.constant 16 : index
      %get3A_278 = tpu.vector_load %arg7[%get3A_276, %get3A_277] {strides = array<i32>} : memref<128x32xf32, #tpu.memory_space<vmem>>, vector<1x16xf32>,
      %get3A_279 = vector.shape_cast %get3A_278 : vector<1x16xf32> to vector<16xf32>
      %swap3A_280 = arith.constant 1 : i32
      %swap3A_281 = arith.index_cast %add3A_264 : i32 to index
      %swap3A_282 = arith.index_cast %swap3A_280 : i32 to index
      %swap3A_283 = arith.constant 0 : index
      %swap3A_284 = tpu.vector_load %arg11[%swap3A_281, %swap3A_282, %swap3A_283] {strides = array<i32>} : memref<128x2x16xf32, #tpu.memory_space<vmem>>, vector<1x1x16xf32>,
      %swap3A_285 = vector.shape_cast %swap3A_284 : vector<1x1x16xf32> to vector<16xf32>
      %swap3A_286 = vector.shape_cast %get3A_279 : vector<16xf32> to vector<1x1x16xf32>
      tpu.vector_store %arg11[%swap3A_281, %swap3A_282, %swap3A_283], %swap3A_286 {add = true, strides = array<i32>} : memref<128x2x16xf32, #tpu.memory_space<vmem>>, vector<1x1x16xf32>,
      %mul3A_287 = arith.constant 8 : i32
      %mul3A_288 = arith.muli %scan3A_132, %mul3A_287 : i32
      %add3A_289 = arith.constant 6 : i32
      %add3A_290 = arith.addi %mul3A_288, %add3A_289 : i32
      %get3A_291 = arith.index_cast %add3A_290 : i32 to index
      %get3A_292 = arith.constant 0 : index
      %get3A_293 = tpu.vector_load %arg7[%get3A_291, %get3A_292] {strides = array<i32>} : memref<128x32xf32, #tpu.memory_space<vmem>>, vector<1x16xf32>,
      %get3A_294 = vector.shape_cast %get3A_293 : vector<1x16xf32> to vector<16xf32>
      %swap3A_295 = arith.constant 0 : i32
      %swap3A_296 = arith.index_cast %add3A_290 : i32 to index
      %swap3A_297 = arith.index_cast %swap3A_295 : i32 to index
      %swap3A_298 = arith.constant 0 : index
      %swap3A_299 = tpu.vector_load %arg11[%swap3A_296, %swap3A_297, %swap3A_298] {strides = array<i32>} : memref<128x2x16xf32, #tpu.memory_space<vmem>>, vector<1x1x16xf32>,
      %swap3A_300 = vector.shape_cast %swap3A_299 : vector<1x1x16xf32> to vector<16xf32>
      %swap3A_301 = vector.shape_cast %get3A_294 : vector<16xf32> to vector<1x1x16xf32>
      tpu.vector_store %arg11[%swap3A_296, %swap3A_297, %swap3A_298], %swap3A_301 {add = true, strides = array<i32>} : memref<128x2x16xf32, #tpu.memory_space<vmem>>, vector<1x1x16xf32>,
      %get3A_302 = arith.index_cast %add3A_290 : i32 to index
      %get3A_303 = arith.constant 16 : index
      %get3A_304 = tpu.vector_load %arg7[%get3A_302, %get3A_303] {strides = array<i32>} : memref<128x32xf32, #tpu.memory_space<vmem>>, vector<1x16xf32>,
      %get3A_305 = vector.shape_cast %get3A_304 : vector<1x16xf32> to vector<16xf32>
      %swap3A_306 = arith.constant 1 : i32
      %swap3A_307 = arith.index_cast %add3A_290 : i32 to index
      %swap3A_308 = arith.index_cast %swap3A_306 : i32 to index
      %swap3A_309 = arith.constant 0 : index
      %swap3A_310 = tpu.vector_load %arg11[%swap3A_307, %swap3A_308, %swap3A_309] {strides = array<i32>} : memref<128x2x16xf32, #tpu.memory_space<vmem>>, vector<1x1x16xf32>,
      %swap3A_311 = vector.shape_cast %swap3A_310 : vector<1x1x16xf32> to vector<16xf32>
      %swap3A_312 = vector.shape_cast %get3A_305 : vector<16xf32> to vector<1x1x16xf32>
      tpu.vector_store %arg11[%swap3A_307, %swap3A_308, %swap3A_309], %swap3A_312 {add = true, strides = array<i32>} : memref<128x2x16xf32, #tpu.memory_space<vmem>>, vector<1x1x16xf32>,
      %mul3A_313 = arith.constant 8 : i32
      %mul3A_314 = arith.muli %scan3A_132, %mul3A_313 : i32
      %add3A_315 = arith.constant 7 : i32
      %add3A_316 = arith.addi %mul3A_314, %add3A_315 : i32
      %get3A_317 = arith.index_cast %add3A_316 : i32 to index
      %get3A_318 = arith.constant 0 : index
      %get3A_319 = tpu.vector_load %arg7[%get3A_317, %get3A_318] {strides = array<i32>} : memref<128x32xf32, #tpu.memory_space<vmem>>, vector<1x16xf32>,
      %get3A_320 = vector.shape_cast %get3A_319 : vector<1x16xf32> to vector<16xf32>
      %swap3A_321 = arith.constant 0 : i32
      %swap3A_322 = arith.index_cast %add3A_316 : i32 to index
      %swap3A_323 = arith.index_cast %swap3A_321 : i32 to index
      %swap3A_324 = arith.constant 0 : index
      %swap3A_325 = tpu.vector_load %arg11[%swap3A_322, %swap3A_323, %swap3A_324] {strides = array<i32>} : memref<128x2x16xf32, #tpu.memory_space<vmem>>, vector<1x1x16xf32>,
      %swap3A_326 = vector.shape_cast %swap3A_325 : vector<1x1x16xf32> to vector<16xf32>
      %swap3A_327 = vector.shape_cast %get3A_320 : vector<16xf32> to vector<1x1x16xf32>
      tpu.vector_store %arg11[%swap3A_322, %swap3A_323, %swap3A_324], %swap3A_327 {add = true, strides = array<i32>} : memref<128x2x16xf32, #tpu.memory_space<vmem>>, vector<1x1x16xf32>,
      %get3A_328 = arith.index_cast %add3A_316 : i32 to index
      %get3A_329 = arith.constant 16 : index
      %get3A_330 = tpu.vector_load %arg7[%get3A_328, %get3A_329] {strides = array<i32>} : memref<128x32xf32, #tpu.memory_space<vmem>>, vector<1x16xf32>,
      %get3A_331 = vector.shape_cast %get3A_330 : vector<1x16xf32> to vector<16xf32>
      %swap3A_332 = arith.constant 1 : i32
      %swap3A_333 = arith.index_cast %add3A_316 : i32 to index
      %swap3A_334 = arith.index_cast %swap3A_332 : i32 to index
      %swap3A_335 = arith.constant 0 : index
      %swap3A_336 = tpu.vector_load %arg11[%swap3A_333, %swap3A_334, %swap3A_335] {strides = array<i32>} : memref<128x2x16xf32, #tpu.memory_space<vmem>>, vector<1x1x16xf32>,
      %swap3A_337 = vector.shape_cast %swap3A_336 : vector<1x1x16xf32> to vector<16xf32>
      %swap3A_338 = vector.shape_cast %get3A_331 : vector<16xf32> to vector<1x1x16xf32>
      tpu.vector_store %arg11[%swap3A_333, %swap3A_334, %swap3A_335], %swap3A_338 {add = true, strides = array<i32>} : memref<128x2x16xf32, #tpu.memory_space<vmem>>, vector<1x1x16xf32>,
    }
    %scan3A_65 = arith.constant 16 : i32
    %dma_wait3A_66 = arith.constant 0 : i32
    %dma_wait3A_67 = arith.constant 0 : i32
    %dma_wait3A_68 = tpu.memref_slice %arg5[%dma_wait3A_66, %dma_wait3A_67] : memref<50x128xi32, #tpu.memory_space<vmem>> -> memref<1x128xi32, #tpu.memory_space<vmem>>
    %dma_wait3A_69 = tpu.memref_squeeze %dma_wait3A_68 : memref<1x128xi32, #tpu.memory_space<vmem>> -> memref<128xi32, #tpu.memory_space<vmem>>
    %dma_wait3A_70 = arith.constant 0 : i32
    %dma_wait3A_71 = arith.constant 0 : i32
    %dma_wait3A_72 = tpu.memref_slice %arg2[%dma_wait3A_70, %dma_wait3A_71] : memref<49152x32xf32, #tpu.memory_space<hbm>> -> memref<49152x32xf32, #tpu.memory_space<hbm>>
    tpu.wait_indirect_dma semaphore(%arg14 : memref<!tpu.dma_semaphore, #tpu.memory_space<semaphore_mem>>) src(%dma_wait3A_72 : memref<49152x32xf32, #tpu.memory_space<hbm>>) dst(%arg8 : memref<128x32xf32, #tpu.memory_space<vmem>>)
    %dma_start3A_73 = arith.constant 6 : i32
    %dma_start3A_74 = arith.constant 0 : i32
    %dma_start3A_75 = tpu.memref_slice %arg5[%dma_start3A_73, %dma_start3A_74] : memref<50x128xi32, #tpu.memory_space<vmem>> -> memref<1x128xi32, #tpu.memory_space<vmem>>
    %dma_start3A_76 = tpu.memref_squeeze %dma_start3A_75 : memref<1x128xi32, #tpu.memory_space<vmem>> -> memref<128xi32, #tpu.memory_space<vmem>>
    %dma_start3A_77 = arith.constant 0 : i32
    %dma_start3A_78 = arith.constant 0 : i32
    %dma_start3A_79 = tpu.memref_slice %arg2[%dma_start3A_77, %dma_start3A_78] : memref<49152x32xf32, #tpu.memory_space<hbm>> -> memref<49152x32xf32, #tpu.memory_space<hbm>>
    tpu.enqueue_indirect_dma source(%dma_start3A_79 : memref<49152x32xf32, #tpu.memory_space<hbm>>) target(%arg7 : memref<128x32xf32, #tpu.memory_space<vmem>>) offsets(%dma_start3A_76 : memref<128xi32, #tpu.memory_space<vmem>>) semaphore(%arg13 : memref<!tpu.dma_semaphore, #tpu.memory_space<semaphore_mem>>)
    %scan3A_80 = arith.constant 0 : i32
    %scan3A_81 = arith.constant 0 : i32
    %scan3A_82 = arith.constant 16 : i32
    %scan3A_83 = arith.addi %scan3A_81, %scan3A_82 : i32
    %scan3A_84 = arith.constant 1 : i32
    scf.for %scan3A_132 = %scan3A_81 to %scan3A_83 step %scan3A_84  : i32 {
      %mul3A_133 = arith.constant 8 : i32
      %mul3A_134 = arith.muli %scan3A_132, %mul3A_133 : i32
      %add3A_135 = arith.constant 0 : i32
      %add3A_136 = arith.addi %mul3A_134, %add3A_135 : i32
      %get3A = arith.index_cast %add3A_136 : i32 to index
      %get3A_137 = arith.constant 0 : index
      %get3A_138 = tpu.vector_load %arg8[%get3A, %get3A_137] {strides = array<i32>} : memref<128x32xf32, #tpu.memory_space<vmem>>, vector<1x16xf32>,
      %get3A_139 = vector.shape_cast %get3A_138 : vector<1x16xf32> to vector<16xf32>
      %swap3A = arith.constant 0 : i32
      %swap3A_140 = arith.index_cast %add3A_136 : i32 to index
      %swap3A_141 = arith.index_cast %swap3A : i32 to index
      %swap3A_142 = arith.constant 0 : index
      %swap3A_143 = tpu.vector_load %arg11[%swap3A_140, %swap3A_141, %swap3A_142] {strides = array<i32>} : memref<128x2x16xf32, #tpu.memory_space<vmem>>, vector<1x1x16xf32>,
      %swap3A_144 = vector.shape_cast %swap3A_143 : vector<1x1x16xf32> to vector<16xf32>
      %swap3A_145 = vector.shape_cast %get3A_139 : vector<16xf32> to vector<1x1x16xf32>
      tpu.vector_store %arg11[%swap3A_140, %swap3A_141, %swap3A_142], %swap3A_145 {add = true, strides = array<i32>} : memref<128x2x16xf32, #tpu.memory_space<vmem>>, vector<1x1x16xf32>,
      %get3A_146 = arith.index_cast %add3A_136 : i32 to index
      %get3A_147 = arith.constant 16 : index
      %get3A_148 = tpu.vector_load %arg8[%get3A_146, %get3A_147] {strides = array<i32>} : memref<128x32xf32, #tpu.memory_space<vmem>>, vector<1x16xf32>,
      %get3A_149 = vector.shape_cast %get3A_148 : vector<1x16xf32> to vector<16xf32>
      %swap3A_150 = arith.constant 1 : i32
      %swap3A_151 = arith.index_cast %add3A_136 : i32 to index
      %swap3A_152 = arith.index_cast %swap3A_150 : i32 to index
      %swap3A_153 = arith.constant 0 : index
      %swap3A_154 = tpu.vector_load %arg11[%swap3A_151, %swap3A_152, %swap3A_153] {strides = array<i32>} : memref<128x2x16xf32, #tpu.memory_space<vmem>>, vector<1x1x16xf32>,
      %swap3A_155 = vector.shape_cast %swap3A_154 : vector<1x1x16xf32> to vector<16xf32>
      %swap3A_156 = vector.shape_cast %get3A_149 : vector<16xf32> to vector<1x1x16xf32>
      tpu.vector_store %arg11[%swap3A_151, %swap3A_152, %swap3A_153], %swap3A_156 {add = true, strides = array<i32>} : memref<128x2x16xf32, #tpu.memory_space<vmem>>, vector<1x1x16xf32>,
      %mul3A_157 = arith.constant 8 : i32
      %mul3A_158 = arith.muli %scan3A_132, %mul3A_157 : i32
      %add3A_159 = arith.constant 1 : i32
      %add3A_160 = arith.addi %mul3A_158, %add3A_159 : i32
      %get3A_161 = arith.index_cast %add3A_160 : i32 to index
      %get3A_162 = arith.constant 0 : index
      %get3A_163 = tpu.vector_load %arg8[%get3A_161, %get3A_162] {strides = array<i32>} : memref<128x32xf32, #tpu.memory_space<vmem>>, vector<1x16xf32>,
      %get3A_164 = vector.shape_cast %get3A_163 : vector<1x16xf32> to vector<16xf32>
      %swap3A_165 = arith.constant 0 : i32
      %swap3A_166 = arith.index_cast %add3A_160 : i32 to index
      %swap3A_167 = arith.index_cast %swap3A_165 : i32 to index
      %swap3A_168 = arith.constant 0 : index
      %swap3A_169 = tpu.vector_load %arg11[%swap3A_166, %swap3A_167, %swap3A_168] {strides = array<i32>} : memref<128x2x16xf32, #tpu.memory_space<vmem>>, vector<1x1x16xf32>,
      %swap3A_170 = vector.shape_cast %swap3A_169 : vector<1x1x16xf32> to vector<16xf32>
      %swap3A_171 = vector.shape_cast %get3A_164 : vector<16xf32> to vector<1x1x16xf32>
      tpu.vector_store %arg11[%swap3A_166, %swap3A_167, %swap3A_168], %swap3A_171 {add = true, strides = array<i32>} : memref<128x2x16xf32, #tpu.memory_space<vmem>>, vector<1x1x16xf32>,
      %get3A_172 = arith.index_cast %add3A_160 : i32 to index
      %get3A_173 = arith.constant 16 : index
      %get3A_174 = tpu.vector_load %arg8[%get3A_172, %get3A_173] {strides = array<i32>} : memref<128x32xf32, #tpu.memory_space<vmem>>, vector<1x16xf32>,
      %get3A_175 = vector.shape_cast %get3A_174 : vector<1x16xf32> to vector<16xf32>
      %swap3A_176 = arith.constant 1 : i32
      %swap3A_177 = arith.index_cast %add3A_160 : i32 to index
      %swap3A_178 = arith.index_cast %swap3A_176 : i32 to index
      %swap3A_179 = arith.constant 0 : index
      %swap3A_180 = tpu.vector_load %arg11[%swap3A_177, %swap3A_178, %swap3A_179] {strides = array<i32>} : memref<128x2x16xf32, #tpu.memory_space<vmem>>, vector<1x1x16xf32>,
      %swap3A_181 = vector.shape_cast %swap3A_180 : vector<1x1x16xf32> to vector<16xf32>
      %swap3A_182 = vector.shape_cast %get3A_175 : vector<16xf32> to vector<1x1x16xf32>
      tpu.vector_store %arg11[%swap3A_177, %swap3A_178, %swap3A_179], %swap3A_182 {add = true, strides = array<i32>} : memref<128x2x16xf32, #tpu.memory_space<vmem>>, vector<1x1x16xf32>,
      %mul3A_183 = arith.constant 8 : i32
      %mul3A_184 = arith.muli %scan3A_132, %mul3A_183 : i32
      %add3A_185 = arith.constant 2 : i32
      %add3A_186 = arith.addi %mul3A_184, %add3A_185 : i32
      %get3A_187 = arith.index_cast %add3A_186 : i32 to index
      %get3A_188 = arith.constant 0 : index
      %get3A_189 = tpu.vector_load %arg8[%get3A_187, %get3A_188] {strides = array<i32>} : memref<128x32xf32, #tpu.memory_space<vmem>>, vector<1x16xf32>,
      %get3A_190 = vector.shape_cast %get3A_189 : vector<1x16xf32> to vector<16xf32>
      %swap3A_191 = arith.constant 0 : i32
      %swap3A_192 = arith.index_cast %add3A_186 : i32 to index
      %swap3A_193 = arith.index_cast %swap3A_191 : i32 to index
      %swap3A_194 = arith.constant 0 : index
      %swap3A_195 = tpu.vector_load %arg11[%swap3A_192, %swap3A_193, %swap3A_194] {strides = array<i32>} : memref<128x2x16xf32, #tpu.memory_space<vmem>>, vector<1x1x16xf32>,
      %swap3A_196 = vector.shape_cast %swap3A_195 : vector<1x1x16xf32> to vector<16xf32>
      %swap3A_197 = vector.shape_cast %get3A_190 : vector<16xf32> to vector<1x1x16xf32>
      tpu.vector_store %arg11[%swap3A_192, %swap3A_193, %swap3A_194], %swap3A_197 {add = true, strides = array<i32>} : memref<128x2x16xf32, #tpu.memory_space<vmem>>, vector<1x1x16xf32>,
      %get3A_198 = arith.index_cast %add3A_186 : i32 to index
      %get3A_199 = arith.constant 16 : index
      %get3A_200 = tpu.vector_load %arg8[%get3A_198, %get3A_199] {strides = array<i32>} : memref<128x32xf32, #tpu.memory_space<vmem>>, vector<1x16xf32>,
      %get3A_201 = vector.shape_cast %get3A_200 : vector<1x16xf32> to vector<16xf32>
      %swap3A_202 = arith.constant 1 : i32
      %swap3A_203 = arith.index_cast %add3A_186 : i32 to index
      %swap3A_204 = arith.index_cast %swap3A_202 : i32 to index
      %swap3A_205 = arith.constant 0 : index
      %swap3A_206 = tpu.vector_load %arg11[%swap3A_203, %swap3A_204, %swap3A_205] {strides = array<i32>} : memref<128x2x16xf32, #tpu.memory_space<vmem>>, vector<1x1x16xf32>,
      %swap3A_207 = vector.shape_cast %swap3A_206 : vector<1x1x16xf32> to vector<16xf32>
      %swap3A_208 = vector.shape_cast %get3A_201 : vector<16xf32> to vector<1x1x16xf32>
      tpu.vector_store %arg11[%swap3A_203, %swap3A_204, %swap3A_205], %swap3A_208 {add = true, strides = array<i32>} : memref<128x2x16xf32, #tpu.memory_space<vmem>>, vector<1x1x16xf32>,
      %mul3A_209 = arith.constant 8 : i32
      %mul3A_210 = arith.muli %scan3A_132, %mul3A_209 : i32
      %add3A_211 = arith.constant 3 : i32
      %add3A_212 = arith.addi %mul3A_210, %add3A_211 : i32
      %get3A_213 = arith.index_cast %add3A_212 : i32 to index
      %get3A_214 = arith.constant 0 : index
      %get3A_215 = tpu.vector_load %arg8[%get3A_213, %get3A_214] {strides = array<i32>} : memref<128x32xf32, #tpu.memory_space<vmem>>, vector<1x16xf32>,
      %get3A_216 = vector.shape_cast %get3A_215 : vector<1x16xf32> to vector<16xf32>
      %swap3A_217 = arith.constant 0 : i32
      %swap3A_218 = arith.index_cast %add3A_212 : i32 to index
      %swap3A_219 = arith.index_cast %swap3A_217 : i32 to index
      %swap3A_220 = arith.constant 0 : index
      %swap3A_221 = tpu.vector_load %arg11[%swap3A_218, %swap3A_219, %swap3A_220] {strides = array<i32>} : memref<128x2x16xf32, #tpu.memory_space<vmem>>, vector<1x1x16xf32>,
      %swap3A_222 = vector.shape_cast %swap3A_221 : vector<1x1x16xf32> to vector<16xf32>
      %swap3A_223 = vector.shape_cast %get3A_216 : vector<16xf32> to vector<1x1x16xf32>
      tpu.vector_store %arg11[%swap3A_218, %swap3A_219, %swap3A_220], %swap3A_223 {add = true, strides = array<i32>} : memref<128x2x16xf32, #tpu.memory_space<vmem>>, vector<1x1x16xf32>,
      %get3A_224 = arith.index_cast %add3A_212 : i32 to index
      %get3A_225 = arith.constant 16 : index
      %get3A_226 = tpu.vector_load %arg8[%get3A_224, %get3A_225] {strides = array<i32>} : memref<128x32xf32, #tpu.memory_space<vmem>>, vector<1x16xf32>,
      %get3A_227 = vector.shape_cast %get3A_226 : vector<1x16xf32> to vector<16xf32>
      %swap3A_228 = arith.constant 1 : i32
      %swap3A_229 = arith.index_cast %add3A_212 : i32 to index
      %swap3A_230 = arith.index_cast %swap3A_228 : i32 to index
      %swap3A_231 = arith.constant 0 : index
      %swap3A_232 = tpu.vector_load %arg11[%swap3A_229, %swap3A_230, %swap3A_231] {strides = array<i32>} : memref<128x2x16xf32, #tpu.memory_space<vmem>>, vector<1x1x16xf32>,
      %swap3A_233 = vector.shape_cast %swap3A_232 : vector<1x1x16xf32> to vector<16xf32>
      %swap3A_234 = vector.shape_cast %get3A_227 : vector<16xf32> to vector<1x1x16xf32>
      tpu.vector_store %arg11[%swap3A_229, %swap3A_230, %swap3A_231], %swap3A_234 {add = true, strides = array<i32>} : memref<128x2x16xf32, #tpu.memory_space<vmem>>, vector<1x1x16xf32>,
      %mul3A_235 = arith.constant 8 : i32
      %mul3A_236 = arith.muli %scan3A_132, %mul3A_235 : i32
      %add3A_237 = arith.constant 4 : i32
      %add3A_238 = arith.addi %mul3A_236, %add3A_237 : i32
      %get3A_239 = arith.index_cast %add3A_238 : i32 to index
      %get3A_240 = arith.constant 0 : index
      %get3A_241 = tpu.vector_load %arg8[%get3A_239, %get3A_240] {strides = array<i32>} : memref<128x32xf32, #tpu.memory_space<vmem>>, vector<1x16xf32>,
      %get3A_242 = vector.shape_cast %get3A_241 : vector<1x16xf32> to vector<16xf32>
      %swap3A_243 = arith.constant 0 : i32
      %swap3A_244 = arith.index_cast %add3A_238 : i32 to index
      %swap3A_245 = arith.index_cast %swap3A_243 : i32 to index
      %swap3A_246 = arith.constant 0 : index
      %swap3A_247 = tpu.vector_load %arg11[%swap3A_244, %swap3A_245, %swap3A_246] {strides = array<i32>} : memref<128x2x16xf32, #tpu.memory_space<vmem>>, vector<1x1x16xf32>,
      %swap3A_248 = vector.shape_cast %swap3A_247 : vector<1x1x16xf32> to vector<16xf32>
      %swap3A_249 = vector.shape_cast %get3A_242 : vector<16xf32> to vector<1x1x16xf32>
      tpu.vector_store %arg11[%swap3A_244, %swap3A_245, %swap3A_246], %swap3A_249 {add = true, strides = array<i32>} : memref<128x2x16xf32, #tpu.memory_space<vmem>>, vector<1x1x16xf32>,
      %get3A_250 = arith.index_cast %add3A_238 : i32 to index
      %get3A_251 = arith.constant 16 : index
      %get3A_252 = tpu.vector_load %arg8[%get3A_250, %get3A_251] {strides = array<i32>} : memref<128x32xf32, #tpu.memory_space<vmem>>, vector<1x16xf32>,
      %get3A_253 = vector.shape_cast %get3A_252 : vector<1x16xf32> to vector<16xf32>
      %swap3A_254 = arith.constant 1 : i32
      %swap3A_255 = arith.index_cast %add3A_238 : i32 to index
      %swap3A_256 = arith.index_cast %swap3A_254 : i32 to index
      %swap3A_257 = arith.constant 0 : index
      %swap3A_258 = tpu.vector_load %arg11[%swap3A_255, %swap3A_256, %swap3A_257] {strides = array<i32>} : memref<128x2x16xf32, #tpu.memory_space<vmem>>, vector<1x1x16xf32>,
      %swap3A_259 = vector.shape_cast %swap3A_258 : vector<1x1x16xf32> to vector<16xf32>
      %swap3A_260 = vector.shape_cast %get3A_253 : vector<16xf32> to vector<1x1x16xf32>
      tpu.vector_store %arg11[%swap3A_255, %swap3A_256, %swap3A_257], %swap3A_260 {add = true, strides = array<i32>} : memref<128x2x16xf32, #tpu.memory_space<vmem>>, vector<1x1x16xf32>,
      %mul3A_261 = arith.constant 8 : i32
      %mul3A_262 = arith.muli %scan3A_132, %mul3A_261 : i32
      %add3A_263 = arith.constant 5 : i32
      %add3A_264 = arith.addi %mul3A_262, %add3A_263 : i32
      %get3A_265 = arith.index_cast %add3A_264 : i32 to index
      %get3A_266 = arith.constant 0 : index
      %get3A_267 = tpu.vector_load %arg8[%get3A_265, %get3A_266] {strides = array<i32>} : memref<128x32xf32, #tpu.memory_space<vmem>>, vector<1x16xf32>,
      %get3A_268 = vector.shape_cast %get3A_267 : vector<1x16xf32> to vector<16xf32>
      %swap3A_269 = arith.constant 0 : i32
      %swap3A_270 = arith.index_cast %add3A_264 : i32 to index
      %swap3A_271 = arith.index_cast %swap3A_269 : i32 to index
      %swap3A_272 = arith.constant 0 : index
      %swap3A_273 = tpu.vector_load %arg11[%swap3A_270, %swap3A_271, %swap3A_272] {strides = array<i32>} : memref<128x2x16xf32, #tpu.memory_space<vmem>>, vector<1x1x16xf32>,
      %swap3A_274 = vector.shape_cast %swap3A_273 : vector<1x1x16xf32> to vector<16xf32>
      %swap3A_275 = vector.shape_cast %get3A_268 : vector<16xf32> to vector<1x1x16xf32>
      tpu.vector_store %arg11[%swap3A_270, %swap3A_271, %swap3A_272], %swap3A_275 {add = true, strides = array<i32>} : memref<128x2x16xf32, #tpu.memory_space<vmem>>, vector<1x1x16xf32>,
      %get3A_276 = arith.index_cast %add3A_264 : i32 to index
      %get3A_277 = arith.constant 16 : index
      %get3A_278 = tpu.vector_load %arg8[%get3A_276, %get3A_277] {strides = array<i32>} : memref<128x32xf32, #tpu.memory_space<vmem>>, vector<1x16xf32>,
      %get3A_279 = vector.shape_cast %get3A_278 : vector<1x16xf32> to vector<16xf32>
      %swap3A_280 = arith.constant 1 : i32
      %swap3A_281 = arith.index_cast %add3A_264 : i32 to index
      %swap3A_282 = arith.index_cast %swap3A_280 : i32 to index
      %swap3A_283 = arith.constant 0 : index
      %swap3A_284 = tpu.vector_load %arg11[%swap3A_281, %swap3A_282, %swap3A_283] {strides = array<i32>} : memref<128x2x16xf32, #tpu.memory_space<vmem>>, vector<1x1x16xf32>,
      %swap3A_285 = vector.shape_cast %swap3A_284 : vector<1x1x16xf32> to vector<16xf32>
      %swap3A_286 = vector.shape_cast %get3A_279 : vector<16xf32> to vector<1x1x16xf32>
      tpu.vector_store %arg11[%swap3A_281, %swap3A_282, %swap3A_283], %swap3A_286 {add = true, strides = array<i32>} : memref<128x2x16xf32, #tpu.memory_space<vmem>>, vector<1x1x16xf32>,
      %mul3A_287 = arith.constant 8 : i32
      %mul3A_288 = arith.muli %scan3A_132, %mul3A_287 : i32
      %add3A_289 = arith.constant 6 : i32
      %add3A_290 = arith.addi %mul3A_288, %add3A_289 : i32
      %get3A_291 = arith.index_cast %add3A_290 : i32 to index
      %get3A_292 = arith.constant 0 : index
      %get3A_293 = tpu.vector_load %arg8[%get3A_291, %get3A_292] {strides = array<i32>} : memref<128x32xf32, #tpu.memory_space<vmem>>, vector<1x16xf32>,
      %get3A_294 = vector.shape_cast %get3A_293 : vector<1x16xf32> to vector<16xf32>
      %swap3A_295 = arith.constant 0 : i32
      %swap3A_296 = arith.index_cast %add3A_290 : i32 to index
      %swap3A_297 = arith.index_cast %swap3A_295 : i32 to index
      %swap3A_298 = arith.constant 0 : index
      %swap3A_299 = tpu.vector_load %arg11[%swap3A_296, %swap3A_297, %swap3A_298] {strides = array<i32>} : memref<128x2x16xf32, #tpu.memory_space<vmem>>, vector<1x1x16xf32>,
      %swap3A_300 = vector.shape_cast %swap3A_299 : vector<1x1x16xf32> to vector<16xf32>
      %swap3A_301 = vector.shape_cast %get3A_294 : vector<16xf32> to vector<1x1x16xf32>
      tpu.vector_store %arg11[%swap3A_296, %swap3A_297, %swap3A_298], %swap3A_301 {add = true, strides = array<i32>} : memref<128x2x16xf32, #tpu.memory_space<vmem>>, vector<1x1x16xf32>,
      %get3A_302 = arith.index_cast %add3A_290 : i32 to index
      %get3A_303 = arith.constant 16 : index
      %get3A_304 = tpu.vector_load %arg8[%get3A_302, %get3A_303] {strides = array<i32>} : memref<128x32xf32, #tpu.memory_space<vmem>>, vector<1x16xf32>,
      %get3A_305 = vector.shape_cast %get3A_304 : vector<1x16xf32> to vector<16xf32>
      %swap3A_306 = arith.constant 1 : i32
      %swap3A_307 = arith.index_cast %add3A_290 : i32 to index
      %swap3A_308 = arith.index_cast %swap3A_306 : i32 to index
      %swap3A_309 = arith.constant 0 : index
      %swap3A_310 = tpu.vector_load %arg11[%swap3A_307, %swap3A_308, %swap3A_309] {strides = array<i32>} : memref<128x2x16xf32, #tpu.memory_space<vmem>>, vector<1x1x16xf32>,
      %swap3A_311 = vector.shape_cast %swap3A_310 : vector<1x1x16xf32> to vector<16xf32>
      %swap3A_312 = vector.shape_cast %get3A_305 : vector<16xf32> to vector<1x1x16xf32>
      tpu.vector_store %arg11[%swap3A_307, %swap3A_308, %swap3A_309], %swap3A_312 {add = true, strides = array<i32>} : memref<128x2x16xf32, #tpu.memory_space<vmem>>, vector<1x1x16xf32>,
      %mul3A_313 = arith.constant 8 : i32
      %mul3A_314 = arith.muli %scan3A_132, %mul3A_313 : i32
      %add3A_315 = arith.constant 7 : i32
      %add3A_316 = arith.addi %mul3A_314, %add3A_315 : i32
      %get3A_317 = arith.index_cast %add3A_316 : i32 to index
      %get3A_318 = arith.constant 0 : index
      %get3A_319 = tpu.vector_load %arg8[%get3A_317, %get3A_318] {strides = array<i32>} : memref<128x32xf32, #tpu.memory_space<vmem>>, vector<1x16xf32>,
      %get3A_320 = vector.shape_cast %get3A_319 : vector<1x16xf32> to vector<16xf32>
      %swap3A_321 = arith.constant 0 : i32
      %swap3A_322 = arith.index_cast %add3A_316 : i32 to index
      %swap3A_323 = arith.index_cast %swap3A_321 : i32 to index
      %swap3A_324 = arith.constant 0 : index
      %swap3A_325 = tpu.vector_load %arg11[%swap3A_322, %swap3A_323, %swap3A_324] {strides = array<i32>} : memref<128x2x16xf32, #tpu.memory_space<vmem>>, vector<1x1x16xf32>,
      %swap3A_326 = vector.shape_cast %swap3A_325 : vector<1x1x16xf32> to vector<16xf32>
      %swap3A_327 = vector.shape_cast %get3A_320 : vector<16xf32> to vector<1x1x16xf32>
      tpu.vector_store %arg11[%swap3A_322, %swap3A_323, %swap3A_324], %swap3A_327 {add = true, strides = array<i32>} : memref<128x2x16xf32, #tpu.memory_space<vmem>>, vector<1x1x16xf32>,
      %get3A_328 = arith.index_cast %add3A_316 : i32 to index
      %get3A_329 = arith.constant 16 : index
      %get3A_330 = tpu.vector_load %arg8[%get3A_328, %get3A_329] {strides = array<i32>} : memref<128x32xf32, #tpu.memory_space<vmem>>, vector<1x16xf32>,
      %get3A_331 = vector.shape_cast %get3A_330 : vector<1x16xf32> to vector<16xf32>
      %swap3A_332 = arith.constant 1 : i32
      %swap3A_333 = arith.index_cast %add3A_316 : i32 to index
      %swap3A_334 = arith.index_cast %swap3A_332 : i32 to index
      %swap3A_335 = arith.constant 0 : index
      %swap3A_336 = tpu.vector_load %arg11[%swap3A_333, %swap3A_334, %swap3A_335] {strides = array<i32>} : memref<128x2x16xf32, #tpu.memory_space<vmem>>, vector<1x1x16xf32>,
      %swap3A_337 = vector.shape_cast %swap3A_336 : vector<1x1x16xf32> to vector<16xf32>
      %swap3A_338 = vector.shape_cast %get3A_331 : vector<16xf32> to vector<1x1x16xf32>
      tpu.vector_store %arg11[%swap3A_333, %swap3A_334, %swap3A_335], %swap3A_338 {add = true, strides = array<i32>} : memref<128x2x16xf32, #tpu.memory_space<vmem>>, vector<1x1x16xf32>,
    }
    %scan3A_85 = arith.constant 16 : i32
    %dma_wait3A_86 = arith.constant 0 : i32
    %dma_wait3A_87 = arith.constant 0 : i32
    %dma_wait3A_88 = tpu.memref_slice %arg5[%dma_wait3A_86, %dma_wait3A_87] : memref<50x128xi32, #tpu.memory_space<vmem>> -> memref<1x128xi32, #tpu.memory_space<vmem>>
    %dma_wait3A_89 = tpu.memref_squeeze %dma_wait3A_88 : memref<1x128xi32, #tpu.memory_space<vmem>> -> memref<128xi32, #tpu.memory_space<vmem>>
    %dma_wait3A_90 = arith.constant 0 : i32
    %dma_wait3A_91 = arith.constant 0 : i32
    %dma_wait3A_92 = tpu.memref_slice %arg2[%dma_wait3A_90, %dma_wait3A_91] : memref<49152x32xf32, #tpu.memory_space<hbm>> -> memref<49152x32xf32, #tpu.memory_space<hbm>>
    tpu.wait_indirect_dma semaphore(%arg15 : memref<!tpu.dma_semaphore, #tpu.memory_space<semaphore_mem>>) src(%dma_wait3A_92 : memref<49152x32xf32, #tpu.memory_space<hbm>>) dst(%arg9 : memref<128x32xf32, #tpu.memory_space<vmem>>)
    %dma_start3A_93 = arith.constant 7 : i32
    %dma_start3A_94 = arith.constant 0 : i32
    %dma_start3A_95 = tpu.memref_slice %arg5[%dma_start3A_93, %dma_start3A_94] : memref<50x128xi32, #tpu.memory_space<vmem>> -> memref<1x128xi32, #tpu.memory_space<vmem>>
    %dma_start3A_96 = tpu.memref_squeeze %dma_start3A_95 : memref<1x128xi32, #tpu.memory_space<vmem>> -> memref<128xi32, #tpu.memory_space<vmem>>
    %dma_start3A_97 = arith.constant 0 : i32
    %dma_start3A_98 = arith.constant 0 : i32
    %dma_start3A_99 = tpu.memref_slice %arg2[%dma_start3A_97, %dma_start3A_98] : memref<49152x32xf32, #tpu.memory_space<hbm>> -> memref<49152x32xf32, #tpu.memory_space<hbm>>
    tpu.enqueue_indirect_dma source(%dma_start3A_99 : memref<49152x32xf32, #tpu.memory_space<hbm>>) target(%arg8 : memref<128x32xf32, #tpu.memory_space<vmem>>) offsets(%dma_start3A_96 : memref<128xi32, #tpu.memory_space<vmem>>) semaphore(%arg14 : memref<!tpu.dma_semaphore, #tpu.memory_space<semaphore_mem>>)
    %scan3A_100 = arith.constant 0 : i32
    %scan3A_101 = arith.constant 0 : i32
    %scan3A_102 = arith.constant 16 : i32
    %scan3A_103 = arith.addi %scan3A_101, %scan3A_102 : i32
    %scan3A_104 = arith.constant 1 : i32
    scf.for %scan3A_132 = %scan3A_101 to %scan3A_103 step %scan3A_104  : i32 {
      %mul3A_133 = arith.constant 8 : i32
      %mul3A_134 = arith.muli %scan3A_132, %mul3A_133 : i32
      %add3A_135 = arith.constant 0 : i32
      %add3A_136 = arith.addi %mul3A_134, %add3A_135 : i32
      %get3A = arith.index_cast %add3A_136 : i32 to index
      %get3A_137 = arith.constant 0 : index
      %get3A_138 = tpu.vector_load %arg9[%get3A, %get3A_137] {strides = array<i32>} : memref<128x32xf32, #tpu.memory_space<vmem>>, vector<1x16xf32>,
      %get3A_139 = vector.shape_cast %get3A_138 : vector<1x16xf32> to vector<16xf32>
      %swap3A = arith.constant 0 : i32
      %swap3A_140 = arith.index_cast %add3A_136 : i32 to index
      %swap3A_141 = arith.index_cast %swap3A : i32 to index
      %swap3A_142 = arith.constant 0 : index
      %swap3A_143 = tpu.vector_load %arg11[%swap3A_140, %swap3A_141, %swap3A_142] {strides = array<i32>} : memref<128x2x16xf32, #tpu.memory_space<vmem>>, vector<1x1x16xf32>,
      %swap3A_144 = vector.shape_cast %swap3A_143 : vector<1x1x16xf32> to vector<16xf32>
      %swap3A_145 = vector.shape_cast %get3A_139 : vector<16xf32> to vector<1x1x16xf32>
      tpu.vector_store %arg11[%swap3A_140, %swap3A_141, %swap3A_142], %swap3A_145 {add = true, strides = array<i32>} : memref<128x2x16xf32, #tpu.memory_space<vmem>>, vector<1x1x16xf32>,
      %get3A_146 = arith.index_cast %add3A_136 : i32 to index
      %get3A_147 = arith.constant 16 : index
      %get3A_148 = tpu.vector_load %arg9[%get3A_146, %get3A_147] {strides = array<i32>} : memref<128x32xf32, #tpu.memory_space<vmem>>, vector<1x16xf32>,
      %get3A_149 = vector.shape_cast %get3A_148 : vector<1x16xf32> to vector<16xf32>
      %swap3A_150 = arith.constant 1 : i32
      %swap3A_151 = arith.index_cast %add3A_136 : i32 to index
      %swap3A_152 = arith.index_cast %swap3A_150 : i32 to index
      %swap3A_153 = arith.constant 0 : index
      %swap3A_154 = tpu.vector_load %arg11[%swap3A_151, %swap3A_152, %swap3A_153] {strides = array<i32>} : memref<128x2x16xf32, #tpu.memory_space<vmem>>, vector<1x1x16xf32>,
      %swap3A_155 = vector.shape_cast %swap3A_154 : vector<1x1x16xf32> to vector<16xf32>
      %swap3A_156 = vector.shape_cast %get3A_149 : vector<16xf32> to vector<1x1x16xf32>
      tpu.vector_store %arg11[%swap3A_151, %swap3A_152, %swap3A_153], %swap3A_156 {add = true, strides = array<i32>} : memref<128x2x16xf32, #tpu.memory_space<vmem>>, vector<1x1x16xf32>,
      %mul3A_157 = arith.constant 8 : i32
      %mul3A_158 = arith.muli %scan3A_132, %mul3A_157 : i32
      %add3A_159 = arith.constant 1 : i32
      %add3A_160 = arith.addi %mul3A_158, %add3A_159 : i32
      %get3A_161 = arith.index_cast %add3A_160 : i32 to index
      %get3A_162 = arith.constant 0 : index
      %get3A_163 = tpu.vector_load %arg9[%get3A_161, %get3A_162] {strides = array<i32>} : memref<128x32xf32, #tpu.memory_space<vmem>>, vector<1x16xf32>,
      %get3A_164 = vector.shape_cast %get3A_163 : vector<1x16xf32> to vector<16xf32>
      %swap3A_165 = arith.constant 0 : i32
      %swap3A_166 = arith.index_cast %add3A_160 : i32 to index
      %swap3A_167 = arith.index_cast %swap3A_165 : i32 to index
      %swap3A_168 = arith.constant 0 : index
      %swap3A_169 = tpu.vector_load %arg11[%swap3A_166, %swap3A_167, %swap3A_168] {strides = array<i32>} : memref<128x2x16xf32, #tpu.memory_space<vmem>>, vector<1x1x16xf32>,
      %swap3A_170 = vector.shape_cast %swap3A_169 : vector<1x1x16xf32> to vector<16xf32>
      %swap3A_171 = vector.shape_cast %get3A_164 : vector<16xf32> to vector<1x1x16xf32>
      tpu.vector_store %arg11[%swap3A_166, %swap3A_167, %swap3A_168], %swap3A_171 {add = true, strides = array<i32>} : memref<128x2x16xf32, #tpu.memory_space<vmem>>, vector<1x1x16xf32>,
      %get3A_172 = arith.index_cast %add3A_160 : i32 to index
      %get3A_173 = arith.constant 16 : index
      %get3A_174 = tpu.vector_load %arg9[%get3A_172, %get3A_173] {strides = array<i32>} : memref<128x32xf32, #tpu.memory_space<vmem>>, vector<1x16xf32>,
      %get3A_175 = vector.shape_cast %get3A_174 : vector<1x16xf32> to vector<16xf32>
      %swap3A_176 = arith.constant 1 : i32
      %swap3A_177 = arith.index_cast %add3A_160 : i32 to index
      %swap3A_178 = arith.index_cast %swap3A_176 : i32 to index
      %swap3A_179 = arith.constant 0 : index
      %swap3A_180 = tpu.vector_load %arg11[%swap3A_177, %swap3A_178, %swap3A_179] {strides = array<i32>} : memref<128x2x16xf32, #tpu.memory_space<vmem>>, vector<1x1x16xf32>,
      %swap3A_181 = vector.shape_cast %swap3A_180 : vector<1x1x16xf32> to vector<16xf32>
      %swap3A_182 = vector.shape_cast %get3A_175 : vector<16xf32> to vector<1x1x16xf32>
      tpu.vector_store %arg11[%swap3A_177, %swap3A_178, %swap3A_179], %swap3A_182 {add = true, strides = array<i32>} : memref<128x2x16xf32, #tpu.memory_space<vmem>>, vector<1x1x16xf32>,
      %mul3A_183 = arith.constant 8 : i32
      %mul3A_184 = arith.muli %scan3A_132, %mul3A_183 : i32
      %add3A_185 = arith.constant 2 : i32
      %add3A_186 = arith.addi %mul3A_184, %add3A_185 : i32
      %get3A_187 = arith.index_cast %add3A_186 : i32 to index
      %get3A_188 = arith.constant 0 : index
      %get3A_189 = tpu.vector_load %arg9[%get3A_187, %get3A_188] {strides = array<i32>} : memref<128x32xf32, #tpu.memory_space<vmem>>, vector<1x16xf32>,
      %get3A_190 = vector.shape_cast %get3A_189 : vector<1x16xf32> to vector<16xf32>
      %swap3A_191 = arith.constant 0 : i32
      %swap3A_192 = arith.index_cast %add3A_186 : i32 to index
      %swap3A_193 = arith.index_cast %swap3A_191 : i32 to index
      %swap3A_194 = arith.constant 0 : index
      %swap3A_195 = tpu.vector_load %arg11[%swap3A_192, %swap3A_193, %swap3A_194] {strides = array<i32>} : memref<128x2x16xf32, #tpu.memory_space<vmem>>, vector<1x1x16xf32>,
      %swap3A_196 = vector.shape_cast %swap3A_195 : vector<1x1x16xf32> to vector<16xf32>
      %swap3A_197 = vector.shape_cast %get3A_190 : vector<16xf32> to vector<1x1x16xf32>
      tpu.vector_store %arg11[%swap3A_192, %swap3A_193, %swap3A_194], %swap3A_197 {add = true, strides = array<i32>} : memref<128x2x16xf32, #tpu.memory_space<vmem>>, vector<1x1x16xf32>,
      %get3A_198 = arith.index_cast %add3A_186 : i32 to index
      %get3A_199 = arith.constant 16 : index
      %get3A_200 = tpu.vector_load %arg9[%get3A_198, %get3A_199] {strides = array<i32>} : memref<128x32xf32, #tpu.memory_space<vmem>>, vector<1x16xf32>,
      %get3A_201 = vector.shape_cast %get3A_200 : vector<1x16xf32> to vector<16xf32>
      %swap3A_202 = arith.constant 1 : i32
      %swap3A_203 = arith.index_cast %add3A_186 : i32 to index
      %swap3A_204 = arith.index_cast %swap3A_202 : i32 to index
      %swap3A_205 = arith.constant 0 : index
      %swap3A_206 = tpu.vector_load %arg11[%swap3A_203, %swap3A_204, %swap3A_205] {strides = array<i32>} : memref<128x2x16xf32, #tpu.memory_space<vmem>>, vector<1x1x16xf32>,
      %swap3A_207 = vector.shape_cast %swap3A_206 : vector<1x1x16xf32> to vector<16xf32>
      %swap3A_208 = vector.shape_cast %get3A_201 : vector<16xf32> to vector<1x1x16xf32>
      tpu.vector_store %arg11[%swap3A_203, %swap3A_204, %swap3A_205], %swap3A_208 {add = true, strides = array<i32>} : memref<128x2x16xf32, #tpu.memory_space<vmem>>, vector<1x1x16xf32>,
      %mul3A_209 = arith.constant 8 : i32
      %mul3A_210 = arith.muli %scan3A_132, %mul3A_209 : i32
      %add3A_211 = arith.constant 3 : i32
      %add3A_212 = arith.addi %mul3A_210, %add3A_211 : i32
      %get3A_213 = arith.index_cast %add3A_212 : i32 to index
      %get3A_214 = arith.constant 0 : index
      %get3A_215 = tpu.vector_load %arg9[%get3A_213, %get3A_214] {strides = array<i32>} : memref<128x32xf32, #tpu.memory_space<vmem>>, vector<1x16xf32>,
      %get3A_216 = vector.shape_cast %get3A_215 : vector<1x16xf32> to vector<16xf32>
      %swap3A_217 = arith.constant 0 : i32
      %swap3A_218 = arith.index_cast %add3A_212 : i32 to index
      %swap3A_219 = arith.index_cast %swap3A_217 : i32 to index
      %swap3A_220 = arith.constant 0 : index
      %swap3A_221 = tpu.vector_load %arg11[%swap3A_218, %swap3A_219, %swap3A_220] {strides = array<i32>} : memref<128x2x16xf32, #tpu.memory_space<vmem>>, vector<1x1x16xf32>,
      %swap3A_222 = vector.shape_cast %swap3A_221 : vector<1x1x16xf32> to vector<16xf32>
      %swap3A_223 = vector.shape_cast %get3A_216 : vector<16xf32> to vector<1x1x16xf32>
      tpu.vector_store %arg11[%swap3A_218, %swap3A_219, %swap3A_220], %swap3A_223 {add = true, strides = array<i32>} : memref<128x2x16xf32, #tpu.memory_space<vmem>>, vector<1x1x16xf32>,
      %get3A_224 = arith.index_cast %add3A_212 : i32 to index
      %get3A_225 = arith.constant 16 : index
      %get3A_226 = tpu.vector_load %arg9[%get3A_224, %get3A_225] {strides = array<i32>} : memref<128x32xf32, #tpu.memory_space<vmem>>, vector<1x16xf32>,
      %get3A_227 = vector.shape_cast %get3A_226 : vector<1x16xf32> to vector<16xf32>
      %swap3A_228 = arith.constant 1 : i32
      %swap3A_229 = arith.index_cast %add3A_212 : i32 to index
      %swap3A_230 = arith.index_cast %swap3A_228 : i32 to index
      %swap3A_231 = arith.constant 0 : index
      %swap3A_232 = tpu.vector_load %arg11[%swap3A_229, %swap3A_230, %swap3A_231] {strides = array<i32>} : memref<128x2x16xf32, #tpu.memory_space<vmem>>, vector<1x1x16xf32>,
      %swap3A_233 = vector.shape_cast %swap3A_232 : vector<1x1x16xf32> to vector<16xf32>
      %swap3A_234 = vector.shape_cast %get3A_227 : vector<16xf32> to vector<1x1x16xf32>
      tpu.vector_store %arg11[%swap3A_229, %swap3A_230, %swap3A_231], %swap3A_234 {add = true, strides = array<i32>} : memref<128x2x16xf32, #tpu.memory_space<vmem>>, vector<1x1x16xf32>,
      %mul3A_235 = arith.constant 8 : i32
      %mul3A_236 = arith.muli %scan3A_132, %mul3A_235 : i32
      %add3A_237 = arith.constant 4 : i32
      %add3A_238 = arith.addi %mul3A_236, %add3A_237 : i32
      %get3A_239 = arith.index_cast %add3A_238 : i32 to index
      %get3A_240 = arith.constant 0 : index
      %get3A_241 = tpu.vector_load %arg9[%get3A_239, %get3A_240] {strides = array<i32>} : memref<128x32xf32, #tpu.memory_space<vmem>>, vector<1x16xf32>,
      %get3A_242 = vector.shape_cast %get3A_241 : vector<1x16xf32> to vector<16xf32>
      %swap3A_243 = arith.constant 0 : i32
      %swap3A_244 = arith.index_cast %add3A_238 : i32 to index
      %swap3A_245 = arith.index_cast %swap3A_243 : i32 to index
      %swap3A_246 = arith.constant 0 : index
      %swap3A_247 = tpu.vector_load %arg11[%swap3A_244, %swap3A_245, %swap3A_246] {strides = array<i32>} : memref<128x2x16xf32, #tpu.memory_space<vmem>>, vector<1x1x16xf32>,
      %swap3A_248 = vector.shape_cast %swap3A_247 : vector<1x1x16xf32> to vector<16xf32>
      %swap3A_249 = vector.shape_cast %get3A_242 : vector<16xf32> to vector<1x1x16xf32>
      tpu.vector_store %arg11[%swap3A_244, %swap3A_245, %swap3A_246], %swap3A_249 {add = true, strides = array<i32>} : memref<128x2x16xf32, #tpu.memory_space<vmem>>, vector<1x1x16xf32>,
      %get3A_250 = arith.index_cast %add3A_238 : i32 to index
      %get3A_251 = arith.constant 16 : index
      %get3A_252 = tpu.vector_load %arg9[%get3A_250, %get3A_251] {strides = array<i32>} : memref<128x32xf32, #tpu.memory_space<vmem>>, vector<1x16xf32>,
      %get3A_253 = vector.shape_cast %get3A_252 : vector<1x16xf32> to vector<16xf32>
      %swap3A_254 = arith.constant 1 : i32
      %swap3A_255 = arith.index_cast %add3A_238 : i32 to index
      %swap3A_256 = arith.index_cast %swap3A_254 : i32 to index
      %swap3A_257 = arith.constant 0 : index
      %swap3A_258 = tpu.vector_load %arg11[%swap3A_255, %swap3A_256, %swap3A_257] {strides = array<i32>} : memref<128x2x16xf32, #tpu.memory_space<vmem>>, vector<1x1x16xf32>,
      %swap3A_259 = vector.shape_cast %swap3A_258 : vector<1x1x16xf32> to vector<16xf32>
      %swap3A_260 = vector.shape_cast %get3A_253 : vector<16xf32> to vector<1x1x16xf32>
      tpu.vector_store %arg11[%swap3A_255, %swap3A_256, %swap3A_257], %swap3A_260 {add = true, strides = array<i32>} : memref<128x2x16xf32, #tpu.memory_space<vmem>>, vector<1x1x16xf32>,
      %mul3A_261 = arith.constant 8 : i32
      %mul3A_262 = arith.muli %scan3A_132, %mul3A_261 : i32
      %add3A_263 = arith.constant 5 : i32
      %add3A_264 = arith.addi %mul3A_262, %add3A_263 : i32
      %get3A_265 = arith.index_cast %add3A_264 : i32 to index
      %get3A_266 = arith.constant 0 : index
      %get3A_267 = tpu.vector_load %arg9[%get3A_265, %get3A_266] {strides = array<i32>} : memref<128x32xf32, #tpu.memory_space<vmem>>, vector<1x16xf32>,
      %get3A_268 = vector.shape_cast %get3A_267 : vector<1x16xf32> to vector<16xf32>
      %swap3A_269 = arith.constant 0 : i32
      %swap3A_270 = arith.index_cast %add3A_264 : i32 to index
      %swap3A_271 = arith.index_cast %swap3A_269 : i32 to index
      %swap3A_272 = arith.constant 0 : index
      %swap3A_273 = tpu.vector_load %arg11[%swap3A_270, %swap3A_271, %swap3A_272] {strides = array<i32>} : memref<128x2x16xf32, #tpu.memory_space<vmem>>, vector<1x1x16xf32>,
      %swap3A_274 = vector.shape_cast %swap3A_273 : vector<1x1x16xf32> to vector<16xf32>
      %swap3A_275 = vector.shape_cast %get3A_268 : vector<16xf32> to vector<1x1x16xf32>
      tpu.vector_store %arg11[%swap3A_270, %swap3A_271, %swap3A_272], %swap3A_275 {add = true, strides = array<i32>} : memref<128x2x16xf32, #tpu.memory_space<vmem>>, vector<1x1x16xf32>,
      %get3A_276 = arith.index_cast %add3A_264 : i32 to index
      %get3A_277 = arith.constant 16 : index
      %get3A_278 = tpu.vector_load %arg9[%get3A_276, %get3A_277] {strides = array<i32>} : memref<128x32xf32, #tpu.memory_space<vmem>>, vector<1x16xf32>,
      %get3A_279 = vector.shape_cast %get3A_278 : vector<1x16xf32> to vector<16xf32>
      %swap3A_280 = arith.constant 1 : i32
      %swap3A_281 = arith.index_cast %add3A_264 : i32 to index
      %swap3A_282 = arith.index_cast %swap3A_280 : i32 to index
      %swap3A_283 = arith.constant 0 : index
      %swap3A_284 = tpu.vector_load %arg11[%swap3A_281, %swap3A_282, %swap3A_283] {strides = array<i32>} : memref<128x2x16xf32, #tpu.memory_space<vmem>>, vector<1x1x16xf32>,
      %swap3A_285 = vector.shape_cast %swap3A_284 : vector<1x1x16xf32> to vector<16xf32>
      %swap3A_286 = vector.shape_cast %get3A_279 : vector<16xf32> to vector<1x1x16xf32>
      tpu.vector_store %arg11[%swap3A_281, %swap3A_282, %swap3A_283], %swap3A_286 {add = true, strides = array<i32>} : memref<128x2x16xf32, #tpu.memory_space<vmem>>, vector<1x1x16xf32>,
      %mul3A_287 = arith.constant 8 : i32
      %mul3A_288 = arith.muli %scan3A_132, %mul3A_287 : i32
      %add3A_289 = arith.constant 6 : i32
      %add3A_290 = arith.addi %mul3A_288, %add3A_289 : i32
      %get3A_291 = arith.index_cast %add3A_290 : i32 to index
      %get3A_292 = arith.constant 0 : index
      %get3A_293 = tpu.vector_load %arg9[%get3A_291, %get3A_292] {strides = array<i32>} : memref<128x32xf32, #tpu.memory_space<vmem>>, vector<1x16xf32>,
      %get3A_294 = vector.shape_cast %get3A_293 : vector<1x16xf32> to vector<16xf32>
      %swap3A_295 = arith.constant 0 : i32
      %swap3A_296 = arith.index_cast %add3A_290 : i32 to index
      %swap3A_297 = arith.index_cast %swap3A_295 : i32 to index
      %swap3A_298 = arith.constant 0 : index
      %swap3A_299 = tpu.vector_load %arg11[%swap3A_296, %swap3A_297, %swap3A_298] {strides = array<i32>} : memref<128x2x16xf32, #tpu.memory_space<vmem>>, vector<1x1x16xf32>,
      %swap3A_300 = vector.shape_cast %swap3A_299 : vector<1x1x16xf32> to vector<16xf32>
      %swap3A_301 = vector.shape_cast %get3A_294 : vector<16xf32> to vector<1x1x16xf32>
      tpu.vector_store %arg11[%swap3A_296, %swap3A_297, %swap3A_298], %swap3A_301 {add = true, strides = array<i32>} : memref<128x2x16xf32, #tpu.memory_space<vmem>>, vector<1x1x16xf32>,
      %get3A_302 = arith.index_cast %add3A_290 : i32 to index
      %get3A_303 = arith.constant 16 : index
      %get3A_304 = tpu.vector_load %arg9[%get3A_302, %get3A_303] {strides = array<i32>} : memref<128x32xf32, #tpu.memory_space<vmem>>, vector<1x16xf32>,
      %get3A_305 = vector.shape_cast %get3A_304 : vector<1x16xf32> to vector<16xf32>
      %swap3A_306 = arith.constant 1 : i32
      %swap3A_307 = arith.index_cast %add3A_290 : i32 to index
      %swap3A_308 = arith.index_cast %swap3A_306 : i32 to index
      %swap3A_309 = arith.constant 0 : index
      %swap3A_310 = tpu.vector_load %arg11[%swap3A_307, %swap3A_308, %swap3A_309] {strides = array<i32>} : memref<128x2x16xf32, #tpu.memory_space<vmem>>, vector<1x1x16xf32>,
      %swap3A_311 = vector.shape_cast %swap3A_310 : vector<1x1x16xf32> to vector<16xf32>
      %swap3A_312 = vector.shape_cast %get3A_305 : vector<16xf32> to vector<1x1x16xf32>
      tpu.vector_store %arg11[%swap3A_307, %swap3A_308, %swap3A_309], %swap3A_312 {add = true, strides = array<i32>} : memref<128x2x16xf32, #tpu.memory_space<vmem>>, vector<1x1x16xf32>,
      %mul3A_313 = arith.constant 8 : i32
      %mul3A_314 = arith.muli %scan3A_132, %mul3A_313 : i32
      %add3A_315 = arith.constant 7 : i32
      %add3A_316 = arith.addi %mul3A_314, %add3A_315 : i32
      %get3A_317 = arith.index_cast %add3A_316 : i32 to index
      %get3A_318 = arith.constant 0 : index
      %get3A_319 = tpu.vector_load %arg9[%get3A_317, %get3A_318] {strides = array<i32>} : memref<128x32xf32, #tpu.memory_space<vmem>>, vector<1x16xf32>,
      %get3A_320 = vector.shape_cast %get3A_319 : vector<1x16xf32> to vector<16xf32>
      %swap3A_321 = arith.constant 0 : i32
      %swap3A_322 = arith.index_cast %add3A_316 : i32 to index
      %swap3A_323 = arith.index_cast %swap3A_321 : i32 to index
      %swap3A_324 = arith.constant 0 : index
      %swap3A_325 = tpu.vector_load %arg11[%swap3A_322, %swap3A_323, %swap3A_324] {strides = array<i32>} : memref<128x2x16xf32, #tpu.memory_space<vmem>>, vector<1x1x16xf32>,
      %swap3A_326 = vector.shape_cast %swap3A_325 : vector<1x1x16xf32> to vector<16xf32>
      %swap3A_327 = vector.shape_cast %get3A_320 : vector<16xf32> to vector<1x1x16xf32>
      tpu.vector_store %arg11[%swap3A_322, %swap3A_323, %swap3A_324], %swap3A_327 {add = true, strides = array<i32>} : memref<128x2x16xf32, #tpu.memory_space<vmem>>, vector<1x1x16xf32>,
      %get3A_328 = arith.index_cast %add3A_316 : i32 to index
      %get3A_329 = arith.constant 16 : index
      %get3A_330 = tpu.vector_load %arg9[%get3A_328, %get3A_329] {strides = array<i32>} : memref<128x32xf32, #tpu.memory_space<vmem>>, vector<1x16xf32>,
      %get3A_331 = vector.shape_cast %get3A_330 : vector<1x16xf32> to vector<16xf32>
      %swap3A_332 = arith.constant 1 : i32
      %swap3A_333 = arith.index_cast %add3A_316 : i32 to index
      %swap3A_334 = arith.index_cast %swap3A_332 : i32 to index
      %swap3A_335 = arith.constant 0 : index
      %swap3A_336 = tpu.vector_load %arg11[%swap3A_333, %swap3A_334, %swap3A_335] {strides = array<i32>} : memref<128x2x16xf32, #tpu.memory_space<vmem>>, vector<1x1x16xf32>,
      %swap3A_337 = vector.shape_cast %swap3A_336 : vector<1x1x16xf32> to vector<16xf32>
      %swap3A_338 = vector.shape_cast %get3A_331 : vector<16xf32> to vector<1x1x16xf32>
      tpu.vector_store %arg11[%swap3A_333, %swap3A_334, %swap3A_335], %swap3A_338 {add = true, strides = array<i32>} : memref<128x2x16xf32, #tpu.memory_space<vmem>>, vector<1x1x16xf32>,
    }
    %scan3A_105 = arith.constant 16 : i32
    %dma_wait3A_106 = arith.constant 0 : i32
    %dma_wait3A_107 = arith.constant 0 : i32
    %dma_wait3A_108 = tpu.memref_slice %arg5[%dma_wait3A_106, %dma_wait3A_107] : memref<50x128xi32, #tpu.memory_space<vmem>> -> memref<1x128xi32, #tpu.memory_space<vmem>>
    %dma_wait3A_109 = tpu.memref_squeeze %dma_wait3A_108 : memref<1x128xi32, #tpu.memory_space<vmem>> -> memref<128xi32, #tpu.memory_space<vmem>>
    %dma_wait3A_110 = arith.constant 0 : i32
    %dma_wait3A_111 = arith.constant 0 : i32
    %dma_wait3A_112 = tpu.memref_slice %arg2[%dma_wait3A_110, %dma_wait3A_111] : memref<49152x32xf32, #tpu.memory_space<hbm>> -> memref<49152x32xf32, #tpu.memory_space<hbm>>
    tpu.wait_indirect_dma semaphore(%arg16 : memref<!tpu.dma_semaphore, #tpu.memory_space<semaphore_mem>>) src(%dma_wait3A_112 : memref<49152x32xf32, #tpu.memory_space<hbm>>) dst(%arg10 : memref<128x32xf32, #tpu.memory_space<vmem>>)
    %dma_start3A_113 = arith.constant 8 : i32
    %dma_start3A_114 = arith.constant 0 : i32
    %dma_start3A_115 = tpu.memref_slice %arg5[%dma_start3A_113, %dma_start3A_114] : memref<50x128xi32, #tpu.memory_space<vmem>> -> memref<1x128xi32, #tpu.memory_space<vmem>>
    %dma_start3A_116 = tpu.memref_squeeze %dma_start3A_115 : memref<1x128xi32, #tpu.memory_space<vmem>> -> memref<128xi32, #tpu.memory_space<vmem>>
    %dma_start3A_117 = arith.constant 0 : i32
    %dma_start3A_118 = arith.constant 0 : i32
    %dma_start3A_119 = tpu.memref_slice %arg2[%dma_start3A_117, %dma_start3A_118] : memref<49152x32xf32, #tpu.memory_space<hbm>> -> memref<49152x32xf32, #tpu.memory_space<hbm>>
    tpu.enqueue_indirect_dma source(%dma_start3A_119 : memref<49152x32xf32, #tpu.memory_space<hbm>>) target(%arg9 : memref<128x32xf32, #tpu.memory_space<vmem>>) offsets(%dma_start3A_116 : memref<128xi32, #tpu.memory_space<vmem>>) semaphore(%arg15 : memref<!tpu.dma_semaphore, #tpu.memory_space<semaphore_mem>>)
    %scan3A_120 = arith.constant 0 : i32
    %scan3A_121 = arith.constant 0 : i32
    %scan3A_122 = arith.constant 16 : i32
    %scan3A_123 = arith.addi %scan3A_121, %scan3A_122 : i32
    %scan3A_124 = arith.constant 1 : i32
    scf.for %scan3A_132 = %scan3A_121 to %scan3A_123 step %scan3A_124  : i32 {
      %mul3A_133 = arith.constant 8 : i32
      %mul3A_134 = arith.muli %scan3A_132, %mul3A_133 : i32
      %add3A_135 = arith.constant 0 : i32
      %add3A_136 = arith.addi %mul3A_134, %add3A_135 : i32
      %get3A = arith.index_cast %add3A_136 : i32 to index
      %get3A_137 = arith.constant 0 : index
      %get3A_138 = tpu.vector_load %arg10[%get3A, %get3A_137] {strides = array<i32>} : memref<128x32xf32, #tpu.memory_space<vmem>>, vector<1x16xf32>,
      %get3A_139 = vector.shape_cast %get3A_138 : vector<1x16xf32> to vector<16xf32>
      %swap3A = arith.constant 0 : i32
      %swap3A_140 = arith.index_cast %add3A_136 : i32 to index
      %swap3A_141 = arith.index_cast %swap3A : i32 to index
      %swap3A_142 = arith.constant 0 : index
      %swap3A_143 = tpu.vector_load %arg11[%swap3A_140, %swap3A_141, %swap3A_142] {strides = array<i32>} : memref<128x2x16xf32, #tpu.memory_space<vmem>>, vector<1x1x16xf32>,
      %swap3A_144 = vector.shape_cast %swap3A_143 : vector<1x1x16xf32> to vector<16xf32>
      %swap3A_145 = vector.shape_cast %get3A_139 : vector<16xf32> to vector<1x1x16xf32>
      tpu.vector_store %arg11[%swap3A_140, %swap3A_141, %swap3A_142], %swap3A_145 {add = true, strides = array<i32>} : memref<128x2x16xf32, #tpu.memory_space<vmem>>, vector<1x1x16xf32>,
      %get3A_146 = arith.index_cast %add3A_136 : i32 to index
      %get3A_147 = arith.constant 16 : index
      %get3A_148 = tpu.vector_load %arg10[%get3A_146, %get3A_147] {strides = array<i32>} : memref<128x32xf32, #tpu.memory_space<vmem>>, vector<1x16xf32>,
      %get3A_149 = vector.shape_cast %get3A_148 : vector<1x16xf32> to vector<16xf32>
      %swap3A_150 = arith.constant 1 : i32
      %swap3A_151 = arith.index_cast %add3A_136 : i32 to index
      %swap3A_152 = arith.index_cast %swap3A_150 : i32 to index
      %swap3A_153 = arith.constant 0 : index
      %swap3A_154 = tpu.vector_load %arg11[%swap3A_151, %swap3A_152, %swap3A_153] {strides = array<i32>} : memref<128x2x16xf32, #tpu.memory_space<vmem>>, vector<1x1x16xf32>,
      %swap3A_155 = vector.shape_cast %swap3A_154 : vector<1x1x16xf32> to vector<16xf32>
      %swap3A_156 = vector.shape_cast %get3A_149 : vector<16xf32> to vector<1x1x16xf32>
      tpu.vector_store %arg11[%swap3A_151, %swap3A_152, %swap3A_153], %swap3A_156 {add = true, strides = array<i32>} : memref<128x2x16xf32, #tpu.memory_space<vmem>>, vector<1x1x16xf32>,
      %mul3A_157 = arith.constant 8 : i32
      %mul3A_158 = arith.muli %scan3A_132, %mul3A_157 : i32
      %add3A_159 = arith.constant 1 : i32
      %add3A_160 = arith.addi %mul3A_158, %add3A_159 : i32
      %get3A_161 = arith.index_cast %add3A_160 : i32 to index
      %get3A_162 = arith.constant 0 : index
      %get3A_163 = tpu.vector_load %arg10[%get3A_161, %get3A_162] {strides = array<i32>} : memref<128x32xf32, #tpu.memory_space<vmem>>, vector<1x16xf32>,
      %get3A_164 = vector.shape_cast %get3A_163 : vector<1x16xf32> to vector<16xf32>
      %swap3A_165 = arith.constant 0 : i32
      %swap3A_166 = arith.index_cast %add3A_160 : i32 to index
      %swap3A_167 = arith.index_cast %swap3A_165 : i32 to index
      %swap3A_168 = arith.constant 0 : index
      %swap3A_169 = tpu.vector_load %arg11[%swap3A_166, %swap3A_167, %swap3A_168] {strides = array<i32>} : memref<128x2x16xf32, #tpu.memory_space<vmem>>, vector<1x1x16xf32>,
      %swap3A_170 = vector.shape_cast %swap3A_169 : vector<1x1x16xf32> to vector<16xf32>
      %swap3A_171 = vector.shape_cast %get3A_164 : vector<16xf32> to vector<1x1x16xf32>
      tpu.vector_store %arg11[%swap3A_166, %swap3A_167, %swap3A_168], %swap3A_171 {add = true, strides = array<i32>} : memref<128x2x16xf32, #tpu.memory_space<vmem>>, vector<1x1x16xf32>,
      %get3A_172 = arith.index_cast %add3A_160 : i32 to index
      %get3A_173 = arith.constant 16 : index
      %get3A_174 = tpu.vector_load %arg10[%get3A_172, %get3A_173] {strides = array<i32>} : memref<128x32xf32, #tpu.memory_space<vmem>>, vector<1x16xf32>,
      %get3A_175 = vector.shape_cast %get3A_174 : vector<1x16xf32> to vector<16xf32>
      %swap3A_176 = arith.constant 1 : i32
      %swap3A_177 = arith.index_cast %add3A_160 : i32 to index
      %swap3A_178 = arith.index_cast %swap3A_176 : i32 to index
      %swap3A_179 = arith.constant 0 : index
      %swap3A_180 = tpu.vector_load %arg11[%swap3A_177, %swap3A_178, %swap3A_179] {strides = array<i32>} : memref<128x2x16xf32, #tpu.memory_space<vmem>>, vector<1x1x16xf32>,
      %swap3A_181 = vector.shape_cast %swap3A_180 : vector<1x1x16xf32> to vector<16xf32>
      %swap3A_182 = vector.shape_cast %get3A_175 : vector<16xf32> to vector<1x1x16xf32>
      tpu.vector_store %arg11[%swap3A_177, %swap3A_178, %swap3A_179], %swap3A_182 {add = true, strides = array<i32>} : memref<128x2x16xf32, #tpu.memory_space<vmem>>, vector<1x1x16xf32>,
      %mul3A_183 = arith.constant 8 : i32
      %mul3A_184 = arith.muli %scan3A_132, %mul3A_183 : i32
      %add3A_185 = arith.constant 2 : i32
      %add3A_186 = arith.addi %mul3A_184, %add3A_185 : i32
      %get3A_187 = arith.index_cast %add3A_186 : i32 to index
      %get3A_188 = arith.constant 0 : index
      %get3A_189 = tpu.vector_load %arg10[%get3A_187, %get3A_188] {strides = array<i32>} : memref<128x32xf32, #tpu.memory_space<vmem>>, vector<1x16xf32>,
      %get3A_190 = vector.shape_cast %get3A_189 : vector<1x16xf32> to vector<16xf32>
      %swap3A_191 = arith.constant 0 : i32
      %swap3A_192 = arith.index_cast %add3A_186 : i32 to index
      %swap3A_193 = arith.index_cast %swap3A_191 : i32 to index
      %swap3A_194 = arith.constant 0 : index
      %swap3A_195 = tpu.vector_load %arg11[%swap3A_192, %swap3A_193, %swap3A_194] {strides = array<i32>} : memref<128x2x16xf32, #tpu.memory_space<vmem>>, vector<1x1x16xf32>,
      %swap3A_196 = vector.shape_cast %swap3A_195 : vector<1x1x16xf32> to vector<16xf32>
      %swap3A_197 = vector.shape_cast %get3A_190 : vector<16xf32> to vector<1x1x16xf32>
      tpu.vector_store %arg11[%swap3A_192, %swap3A_193, %swap3A_194], %swap3A_197 {add = true, strides = array<i32>} : memref<128x2x16xf32, #tpu.memory_space<vmem>>, vector<1x1x16xf32>,
      %get3A_198 = arith.index_cast %add3A_186 : i32 to index
      %get3A_199 = arith.constant 16 : index
      %get3A_200 = tpu.vector_load %arg10[%get3A_198, %get3A_199] {strides = array<i32>} : memref<128x32xf32, #tpu.memory_space<vmem>>, vector<1x16xf32>,
      %get3A_201 = vector.shape_cast %get3A_200 : vector<1x16xf32> to vector<16xf32>
      %swap3A_202 = arith.constant 1 : i32
      %swap3A_203 = arith.index_cast %add3A_186 : i32 to index
      %swap3A_204 = arith.index_cast %swap3A_202 : i32 to index
      %swap3A_205 = arith.constant 0 : index
      %swap3A_206 = tpu.vector_load %arg11[%swap3A_203, %swap3A_204, %swap3A_205] {strides = array<i32>} : memref<128x2x16xf32, #tpu.memory_space<vmem>>, vector<1x1x16xf32>,
      %swap3A_207 = vector.shape_cast %swap3A_206 : vector<1x1x16xf32> to vector<16xf32>
      %swap3A_208 = vector.shape_cast %get3A_201 : vector<16xf32> to vector<1x1x16xf32>
      tpu.vector_store %arg11[%swap3A_203, %swap3A_204, %swap3A_205], %swap3A_208 {add = true, strides = array<i32>} : memref<128x2x16xf32, #tpu.memory_space<vmem>>, vector<1x1x16xf32>,
      %mul3A_209 = arith.constant 8 : i32
      %mul3A_210 = arith.muli %scan3A_132, %mul3A_209 : i32
      %add3A_211 = arith.constant 3 : i32
      %add3A_212 = arith.addi %mul3A_210, %add3A_211 : i32
      %get3A_213 = arith.index_cast %add3A_212 : i32 to index
      %get3A_214 = arith.constant 0 : index
      %get3A_215 = tpu.vector_load %arg10[%get3A_213, %get3A_214] {strides = array<i32>} : memref<128x32xf32, #tpu.memory_space<vmem>>, vector<1x16xf32>,
      %get3A_216 = vector.shape_cast %get3A_215 : vector<1x16xf32> to vector<16xf32>
      %swap3A_217 = arith.constant 0 : i32
      %swap3A_218 = arith.index_cast %add3A_212 : i32 to index
      %swap3A_219 = arith.index_cast %swap3A_217 : i32 to index
      %swap3A_220 = arith.constant 0 : index
      %swap3A_221 = tpu.vector_load %arg11[%swap3A_218, %swap3A_219, %swap3A_220] {strides = array<i32>} : memref<128x2x16xf32, #tpu.memory_space<vmem>>, vector<1x1x16xf32>,
      %swap3A_222 = vector.shape_cast %swap3A_221 : vector<1x1x16xf32> to vector<16xf32>
      %swap3A_223 = vector.shape_cast %get3A_216 : vector<16xf32> to vector<1x1x16xf32>
      tpu.vector_store %arg11[%swap3A_218, %swap3A_219, %swap3A_220], %swap3A_223 {add = true, strides = array<i32>} : memref<128x2x16xf32, #tpu.memory_space<vmem>>, vector<1x1x16xf32>,
      %get3A_224 = arith.index_cast %add3A_212 : i32 to index
      %get3A_225 = arith.constant 16 : index
      %get3A_226 = tpu.vector_load %arg10[%get3A_224, %get3A_225] {strides = array<i32>} : memref<128x32xf32, #tpu.memory_space<vmem>>, vector<1x16xf32>,
      %get3A_227 = vector.shape_cast %get3A_226 : vector<1x16xf32> to vector<16xf32>
      %swap3A_228 = arith.constant 1 : i32
      %swap3A_229 = arith.index_cast %add3A_212 : i32 to index
      %swap3A_230 = arith.index_cast %swap3A_228 : i32 to index
      %swap3A_231 = arith.constant 0 : index
      %swap3A_232 = tpu.vector_load %arg11[%swap3A_229, %swap3A_230, %swap3A_231] {strides = array<i32>} : memref<128x2x16xf32, #tpu.memory_space<vmem>>, vector<1x1x16xf32>,
      %swap3A_233 = vector.shape_cast %swap3A_232 : vector<1x1x16xf32> to vector<16xf32>
      %swap3A_234 = vector.shape_cast %get3A_227 : vector<16xf32> to vector<1x1x16xf32>
      tpu.vector_store %arg11[%swap3A_229, %swap3A_230, %swap3A_231], %swap3A_234 {add = true, strides = array<i32>} : memref<128x2x16xf32, #tpu.memory_space<vmem>>, vector<1x1x16xf32>,
      %mul3A_235 = arith.constant 8 : i32
      %mul3A_236 = arith.muli %scan3A_132, %mul3A_235 : i32
      %add3A_237 = arith.constant 4 : i32
      %add3A_238 = arith.addi %mul3A_236, %add3A_237 : i32
      %get3A_239 = arith.index_cast %add3A_238 : i32 to index
      %get3A_240 = arith.constant 0 : index
      %get3A_241 = tpu.vector_load %arg10[%get3A_239, %get3A_240] {strides = array<i32>} : memref<128x32xf32, #tpu.memory_space<vmem>>, vector<1x16xf32>,
      %get3A_242 = vector.shape_cast %get3A_241 : vector<1x16xf32> to vector<16xf32>
      %swap3A_243 = arith.constant 0 : i32
      %swap3A_244 = arith.index_cast %add3A_238 : i32 to index
      %swap3A_245 = arith.index_cast %swap3A_243 : i32 to index
      %swap3A_246 = arith.constant 0 : index
      %swap3A_247 = tpu.vector_load %arg11[%swap3A_244, %swap3A_245, %swap3A_246] {strides = array<i32>} : memref<128x2x16xf32, #tpu.memory_space<vmem>>, vector<1x1x16xf32>,
      %swap3A_248 = vector.shape_cast %swap3A_247 : vector<1x1x16xf32> to vector<16xf32>
      %swap3A_249 = vector.shape_cast %get3A_242 : vector<16xf32> to vector<1x1x16xf32>
      tpu.vector_store %arg11[%swap3A_244, %swap3A_245, %swap3A_246], %swap3A_249 {add = true, strides = array<i32>} : memref<128x2x16xf32, #tpu.memory_space<vmem>>, vector<1x1x16xf32>,
      %get3A_250 = arith.index_cast %add3A_238 : i32 to index
      %get3A_251 = arith.constant 16 : index
      %get3A_252 = tpu.vector_load %arg10[%get3A_250, %get3A_251] {strides = array<i32>} : memref<128x32xf32, #tpu.memory_space<vmem>>, vector<1x16xf32>,
      %get3A_253 = vector.shape_cast %get3A_252 : vector<1x16xf32> to vector<16xf32>
      %swap3A_254 = arith.constant 1 : i32
      %swap3A_255 = arith.index_cast %add3A_238 : i32 to index
      %swap3A_256 = arith.index_cast %swap3A_254 : i32 to index
      %swap3A_257 = arith.constant 0 : index
      %swap3A_258 = tpu.vector_load %arg11[%swap3A_255, %swap3A_256, %swap3A_257] {strides = array<i32>} : memref<128x2x16xf32, #tpu.memory_space<vmem>>, vector<1x1x16xf32>,
      %swap3A_259 = vector.shape_cast %swap3A_258 : vector<1x1x16xf32> to vector<16xf32>
      %swap3A_260 = vector.shape_cast %get3A_253 : vector<16xf32> to vector<1x1x16xf32>
      tpu.vector_store %arg11[%swap3A_255, %swap3A_256, %swap3A_257], %swap3A_260 {add = true, strides = array<i32>} : memref<128x2x16xf32, #tpu.memory_space<vmem>>, vector<1x1x16xf32>,
      %mul3A_261 = arith.constant 8 : i32
      %mul3A_262 = arith.muli %scan3A_132, %mul3A_261 : i32
      %add3A_263 = arith.constant 5 : i32
      %add3A_264 = arith.addi %mul3A_262, %add3A_263 : i32
      %get3A_265 = arith.index_cast %add3A_264 : i32 to index
      %get3A_266 = arith.constant 0 : index
      %get3A_267 = tpu.vector_load %arg10[%get3A_265, %get3A_266] {strides = array<i32>} : memref<128x32xf32, #tpu.memory_space<vmem>>, vector<1x16xf32>,
      %get3A_268 = vector.shape_cast %get3A_267 : vector<1x16xf32> to vector<16xf32>
      %swap3A_269 = arith.constant 0 : i32
      %swap3A_270 = arith.index_cast %add3A_264 : i32 to index
      %swap3A_271 = arith.index_cast %swap3A_269 : i32 to index
      %swap3A_272 = arith.constant 0 : index
      %swap3A_273 = tpu.vector_load %arg11[%swap3A_270, %swap3A_271, %swap3A_272] {strides = array<i32>} : memref<128x2x16xf32, #tpu.memory_space<vmem>>, vector<1x1x16xf32>,
      %swap3A_274 = vector.shape_cast %swap3A_273 : vector<1x1x16xf32> to vector<16xf32>
      %swap3A_275 = vector.shape_cast %get3A_268 : vector<16xf32> to vector<1x1x16xf32>
      tpu.vector_store %arg11[%swap3A_270, %swap3A_271, %swap3A_272], %swap3A_275 {add = true, strides = array<i32>} : memref<128x2x16xf32, #tpu.memory_space<vmem>>, vector<1x1x16xf32>,
      %get3A_276 = arith.index_cast %add3A_264 : i32 to index
      %get3A_277 = arith.constant 16 : index
      %get3A_278 = tpu.vector_load %arg10[%get3A_276, %get3A_277] {strides = array<i32>} : memref<128x32xf32, #tpu.memory_space<vmem>>, vector<1x16xf32>,
      %get3A_279 = vector.shape_cast %get3A_278 : vector<1x16xf32> to vector<16xf32>
      %swap3A_280 = arith.constant 1 : i32
      %swap3A_281 = arith.index_cast %add3A_264 : i32 to index
      %swap3A_282 = arith.index_cast %swap3A_280 : i32 to index
      %swap3A_283 = arith.constant 0 : index
      %swap3A_284 = tpu.vector_load %arg11[%swap3A_281, %swap3A_282, %swap3A_283] {strides = array<i32>} : memref<128x2x16xf32, #tpu.memory_space<vmem>>, vector<1x1x16xf32>,
      %swap3A_285 = vector.shape_cast %swap3A_284 : vector<1x1x16xf32> to vector<16xf32>
      %swap3A_286 = vector.shape_cast %get3A_279 : vector<16xf32> to vector<1x1x16xf32>
      tpu.vector_store %arg11[%swap3A_281, %swap3A_282, %swap3A_283], %swap3A_286 {add = true, strides = array<i32>} : memref<128x2x16xf32, #tpu.memory_space<vmem>>, vector<1x1x16xf32>,
      %mul3A_287 = arith.constant 8 : i32
      %mul3A_288 = arith.muli %scan3A_132, %mul3A_287 : i32
      %add3A_289 = arith.constant 6 : i32
      %add3A_290 = arith.addi %mul3A_288, %add3A_289 : i32
      %get3A_291 = arith.index_cast %add3A_290 : i32 to index
      %get3A_292 = arith.constant 0 : index
      %get3A_293 = tpu.vector_load %arg10[%get3A_291, %get3A_292] {strides = array<i32>} : memref<128x32xf32, #tpu.memory_space<vmem>>, vector<1x16xf32>,
      %get3A_294 = vector.shape_cast %get3A_293 : vector<1x16xf32> to vector<16xf32>
      %swap3A_295 = arith.constant 0 : i32
      %swap3A_296 = arith.index_cast %add3A_290 : i32 to index
      %swap3A_297 = arith.index_cast %swap3A_295 : i32 to index
      %swap3A_298 = arith.constant 0 : index
      %swap3A_299 = tpu.vector_load %arg11[%swap3A_296, %swap3A_297, %swap3A_298] {strides = array<i32>} : memref<128x2x16xf32, #tpu.memory_space<vmem>>, vector<1x1x16xf32>,
      %swap3A_300 = vector.shape_cast %swap3A_299 : vector<1x1x16xf32> to vector<16xf32>
      %swap3A_301 = vector.shape_cast %get3A_294 : vector<16xf32> to vector<1x1x16xf32>
      tpu.vector_store %arg11[%swap3A_296, %swap3A_297, %swap3A_298], %swap3A_301 {add = true, strides = array<i32>} : memref<128x2x16xf32, #tpu.memory_space<vmem>>, vector<1x1x16xf32>,
      %get3A_302 = arith.index_cast %add3A_290 : i32 to index
      %get3A_303 = arith.constant 16 : index
      %get3A_304 = tpu.vector_load %arg10[%get3A_302, %get3A_303] {strides = array<i32>} : memref<128x32xf32, #tpu.memory_space<vmem>>, vector<1x16xf32>,
      %get3A_305 = vector.shape_cast %get3A_304 : vector<1x16xf32> to vector<16xf32>
      %swap3A_306 = arith.constant 1 : i32
      %swap3A_307 = arith.index_cast %add3A_290 : i32 to index
      %swap3A_308 = arith.index_cast %swap3A_306 : i32 to index
      %swap3A_309 = arith.constant 0 : index
      %swap3A_310 = tpu.vector_load %arg11[%swap3A_307, %swap3A_308, %swap3A_309] {strides = array<i32>} : memref<128x2x16xf32, #tpu.memory_space<vmem>>, vector<1x1x16xf32>,
      %swap3A_311 = vector.shape_cast %swap3A_310 : vector<1x1x16xf32> to vector<16xf32>
      %swap3A_312 = vector.shape_cast %get3A_305 : vector<16xf32> to vector<1x1x16xf32>
      tpu.vector_store %arg11[%swap3A_307, %swap3A_308, %swap3A_309], %swap3A_312 {add = true, strides = array<i32>} : memref<128x2x16xf32, #tpu.memory_space<vmem>>, vector<1x1x16xf32>,
      %mul3A_313 = arith.constant 8 : i32
      %mul3A_314 = arith.muli %scan3A_132, %mul3A_313 : i32
      %add3A_315 = arith.constant 7 : i32
      %add3A_316 = arith.addi %mul3A_314, %add3A_315 : i32
      %get3A_317 = arith.index_cast %add3A_316 : i32 to index
      %get3A_318 = arith.constant 0 : index
      %get3A_319 = tpu.vector_load %arg10[%get3A_317, %get3A_318] {strides = array<i32>} : memref<128x32xf32, #tpu.memory_space<vmem>>, vector<1x16xf32>,
      %get3A_320 = vector.shape_cast %get3A_319 : vector<1x16xf32> to vector<16xf32>
      %swap3A_321 = arith.constant 0 : i32
      %swap3A_322 = arith.index_cast %add3A_316 : i32 to index
      %swap3A_323 = arith.index_cast %swap3A_321 : i32 to index
      %swap3A_324 = arith.constant 0 : index
      %swap3A_325 = tpu.vector_load %arg11[%swap3A_322, %swap3A_323, %swap3A_324] {strides = array<i32>} : memref<128x2x16xf32, #tpu.memory_space<vmem>>, vector<1x1x16xf32>,
      %swap3A_326 = vector.shape_cast %swap3A_325 : vector<1x1x16xf32> to vector<16xf32>
      %swap3A_327 = vector.shape_cast %get3A_320 : vector<16xf32> to vector<1x1x16xf32>
      tpu.vector_store %arg11[%swap3A_322, %swap3A_323, %swap3A_324], %swap3A_327 {add = true, strides = array<i32>} : memref<128x2x16xf32, #tpu.memory_space<vmem>>, vector<1x1x16xf32>,
      %get3A_328 = arith.index_cast %add3A_316 : i32 to index
      %get3A_329 = arith.constant 16 : index
      %get3A_330 = tpu.vector_load %arg10[%get3A_328, %get3A_329] {strides = array<i32>} : memref<128x32xf32, #tpu.memory_space<vmem>>, vector<1x16xf32>,
      %get3A_331 = vector.shape_cast %get3A_330 : vector<1x16xf32> to vector<16xf32>
      %swap3A_332 = arith.constant 1 : i32
      %swap3A_333 = arith.index_cast %add3A_316 : i32 to index
      %swap3A_334 = arith.index_cast %swap3A_332 : i32 to index
      %swap3A_335 = arith.constant 0 : index
      %swap3A_336 = tpu.vector_load %arg11[%swap3A_333, %swap3A_334, %swap3A_335] {strides = array<i32>} : memref<128x2x16xf32, #tpu.memory_space<vmem>>, vector<1x1x16xf32>,
      %swap3A_337 = vector.shape_cast %swap3A_336 : vector<1x1x16xf32> to vector<16xf32>
      %swap3A_338 = vector.shape_cast %get3A_331 : vector<16xf32> to vector<1x1x16xf32>
      tpu.vector_store %arg11[%swap3A_333, %swap3A_334, %swap3A_335], %swap3A_338 {add = true, strides = array<i32>} : memref<128x2x16xf32, #tpu.memory_space<vmem>>, vector<1x1x16xf32>,
    }
    %scan3A_125 = arith.constant 16 : i32
    %scan3A_126 = arith.constant 0 : i32
    %scan3A_127 = arith.constant 1 : i32
    %scan3A_128 = arith.constant 9 : i32
    %scan3A_129 = arith.addi %scan3A_127, %scan3A_128 : i32
    %scan3A_130 = arith.constant 1 : i32
    scf.for %scan3A_132 = %scan3A_127 to %scan3A_129 step %scan3A_130  : i32 {
      %mul3A_133 = arith.constant 5 : i32
      %mul3A_134 = arith.muli %mul3A_133, %scan3A_132 : i32
      %add3A_135 = arith.constant 0 : i32
      %add3A_136 = arith.addi %mul3A_134, %add3A_135 : i32
      %dma_wait3A_137 = arith.constant 0 : i32
      %dma_wait3A_138 = arith.constant 0 : i32
      %dma_wait3A_139 = tpu.memref_slice %arg5[%dma_wait3A_137, %dma_wait3A_138] : memref<50x128xi32, #tpu.memory_space<vmem>> -> memref<1x128xi32, #tpu.memory_space<vmem>>
      %dma_wait3A_140 = tpu.memref_squeeze %dma_wait3A_139 : memref<1x128xi32, #tpu.memory_space<vmem>> -> memref<128xi32, #tpu.memory_space<vmem>>
      %dma_wait3A_141 = arith.constant 0 : i32
      %dma_wait3A_142 = arith.constant 0 : i32
      %dma_wait3A_143 = tpu.memref_slice %arg2[%dma_wait3A_141, %dma_wait3A_142] : memref<49152x32xf32, #tpu.memory_space<hbm>> -> memref<49152x32xf32, #tpu.memory_space<hbm>>
      tpu.wait_indirect_dma semaphore(%arg12 : memref<!tpu.dma_semaphore, #tpu.memory_space<semaphore_mem>>) src(%dma_wait3A_143 : memref<49152x32xf32, #tpu.memory_space<hbm>>) dst(%arg6 : memref<128x32xf32, #tpu.memory_space<vmem>>)
      %add3A_144 = arith.constant 5 : i32
      %add3A_145 = arith.addi %add3A_136, %add3A_144 : i32
      %sub3A = arith.constant 1 : i32
      %sub3A_146 = arith.subi %add3A_145, %sub3A : i32
      %lt3A = arith.constant 50 : i32
      %lt3A_147 = arith.cmpi slt, %sub3A_146, %lt3A : i32
      %convert_element_type3A = arith.extui %lt3A_147 : i1 to i32
      %cond3A = arith.constant 0 : i32
      %cond3A_148 = arith.cmpi ne, %convert_element_type3A, %cond3A : i32
      scf.if %cond3A_148 {
        %add3A_259 = arith.constant 5 : i32
        %add3A_260 = arith.addi %add3A_136, %add3A_259 : i32
        %sub3A_261 = arith.constant 1 : i32
        %sub3A_262 = arith.subi %add3A_260, %sub3A_261 : i32
        %dma_start3A_263 = arith.constant 0 : i32
        %dma_start3A_264 = tpu.memref_slice %arg5[%sub3A_262, %dma_start3A_263] : memref<50x128xi32, #tpu.memory_space<vmem>> -> memref<1x128xi32, #tpu.memory_space<vmem>>
        %dma_start3A_265 = tpu.memref_squeeze %dma_start3A_264 : memref<1x128xi32, #tpu.memory_space<vmem>> -> memref<128xi32, #tpu.memory_space<vmem>>
        %dma_start3A_266 = arith.constant 0 : i32
        %dma_start3A_267 = arith.constant 0 : i32
        %dma_start3A_268 = tpu.memref_slice %arg2[%dma_start3A_266, %dma_start3A_267] : memref<49152x32xf32, #tpu.memory_space<hbm>> -> memref<49152x32xf32, #tpu.memory_space<hbm>>
        tpu.enqueue_indirect_dma source(%dma_start3A_268 : memref<49152x32xf32, #tpu.memory_space<hbm>>) target(%arg10 : memref<128x32xf32, #tpu.memory_space<vmem>>) offsets(%dma_start3A_265 : memref<128xi32, #tpu.memory_space<vmem>>) semaphore(%arg16 : memref<!tpu.dma_semaphore, #tpu.memory_space<semaphore_mem>>)
      } else {
      }
      %scan3A_149 = arith.constant 0 : i32
      %scan3A_150 = arith.constant 0 : i32
      %scan3A_151 = arith.constant 16 : i32
      %scan3A_152 = arith.addi %scan3A_150, %scan3A_151 : i32
      %scan3A_153 = arith.constant 1 : i32
      scf.for %scan3A_259 = %scan3A_150 to %scan3A_152 step %scan3A_153  : i32 {
        %mul3A_260 = arith.constant 8 : i32
        %mul3A_261 = arith.muli %scan3A_259, %mul3A_260 : i32
        %add3A_262 = arith.constant 0 : i32
        %add3A_263 = arith.addi %mul3A_261, %add3A_262 : i32
        %get3A = arith.index_cast %add3A_263 : i32 to index
        %get3A_264 = arith.constant 0 : index
        %get3A_265 = tpu.vector_load %arg6[%get3A, %get3A_264] {strides = array<i32>} : memref<128x32xf32, #tpu.memory_space<vmem>>, vector<1x16xf32>,
        %get3A_266 = vector.shape_cast %get3A_265 : vector<1x16xf32> to vector<16xf32>
        %swap3A = arith.constant 0 : i32
        %swap3A_267 = arith.index_cast %add3A_263 : i32 to index
        %swap3A_268 = arith.index_cast %swap3A : i32 to index
        %swap3A_269 = arith.constant 0 : index
        %swap3A_270 = tpu.vector_load %arg11[%swap3A_267, %swap3A_268, %swap3A_269] {strides = array<i32>} : memref<128x2x16xf32, #tpu.memory_space<vmem>>, vector<1x1x16xf32>,
        %swap3A_271 = vector.shape_cast %swap3A_270 : vector<1x1x16xf32> to vector<16xf32>
        %swap3A_272 = vector.shape_cast %get3A_266 : vector<16xf32> to vector<1x1x16xf32>
        tpu.vector_store %arg11[%swap3A_267, %swap3A_268, %swap3A_269], %swap3A_272 {add = true, strides = array<i32>} : memref<128x2x16xf32, #tpu.memory_space<vmem>>, vector<1x1x16xf32>,
        %get3A_273 = arith.index_cast %add3A_263 : i32 to index
        %get3A_274 = arith.constant 16 : index
        %get3A_275 = tpu.vector_load %arg6[%get3A_273, %get3A_274] {strides = array<i32>} : memref<128x32xf32, #tpu.memory_space<vmem>>, vector<1x16xf32>,
        %get3A_276 = vector.shape_cast %get3A_275 : vector<1x16xf32> to vector<16xf32>
        %swap3A_277 = arith.constant 1 : i32
        %swap3A_278 = arith.index_cast %add3A_263 : i32 to index
        %swap3A_279 = arith.index_cast %swap3A_277 : i32 to index
        %swap3A_280 = arith.constant 0 : index
        %swap3A_281 = tpu.vector_load %arg11[%swap3A_278, %swap3A_279, %swap3A_280] {strides = array<i32>} : memref<128x2x16xf32, #tpu.memory_space<vmem>>, vector<1x1x16xf32>,
        %swap3A_282 = vector.shape_cast %swap3A_281 : vector<1x1x16xf32> to vector<16xf32>
        %swap3A_283 = vector.shape_cast %get3A_276 : vector<16xf32> to vector<1x1x16xf32>
        tpu.vector_store %arg11[%swap3A_278, %swap3A_279, %swap3A_280], %swap3A_283 {add = true, strides = array<i32>} : memref<128x2x16xf32, #tpu.memory_space<vmem>>, vector<1x1x16xf32>,
        %mul3A_284 = arith.constant 8 : i32
        %mul3A_285 = arith.muli %scan3A_259, %mul3A_284 : i32
        %add3A_286 = arith.constant 1 : i32
        %add3A_287 = arith.addi %mul3A_285, %add3A_286 : i32
        %get3A_288 = arith.index_cast %add3A_287 : i32 to index
        %get3A_289 = arith.constant 0 : index
        %get3A_290 = tpu.vector_load %arg6[%get3A_288, %get3A_289] {strides = array<i32>} : memref<128x32xf32, #tpu.memory_space<vmem>>, vector<1x16xf32>,
        %get3A_291 = vector.shape_cast %get3A_290 : vector<1x16xf32> to vector<16xf32>
        %swap3A_292 = arith.constant 0 : i32
        %swap3A_293 = arith.index_cast %add3A_287 : i32 to index
        %swap3A_294 = arith.index_cast %swap3A_292 : i32 to index
        %swap3A_295 = arith.constant 0 : index
        %swap3A_296 = tpu.vector_load %arg11[%swap3A_293, %swap3A_294, %swap3A_295] {strides = array<i32>} : memref<128x2x16xf32, #tpu.memory_space<vmem>>, vector<1x1x16xf32>,
        %swap3A_297 = vector.shape_cast %swap3A_296 : vector<1x1x16xf32> to vector<16xf32>
        %swap3A_298 = vector.shape_cast %get3A_291 : vector<16xf32> to vector<1x1x16xf32>
        tpu.vector_store %arg11[%swap3A_293, %swap3A_294, %swap3A_295], %swap3A_298 {add = true, strides = array<i32>} : memref<128x2x16xf32, #tpu.memory_space<vmem>>, vector<1x1x16xf32>,
        %get3A_299 = arith.index_cast %add3A_287 : i32 to index
        %get3A_300 = arith.constant 16 : index
        %get3A_301 = tpu.vector_load %arg6[%get3A_299, %get3A_300] {strides = array<i32>} : memref<128x32xf32, #tpu.memory_space<vmem>>, vector<1x16xf32>,
        %get3A_302 = vector.shape_cast %get3A_301 : vector<1x16xf32> to vector<16xf32>
        %swap3A_303 = arith.constant 1 : i32
        %swap3A_304 = arith.index_cast %add3A_287 : i32 to index
        %swap3A_305 = arith.index_cast %swap3A_303 : i32 to index
        %swap3A_306 = arith.constant 0 : index
        %swap3A_307 = tpu.vector_load %arg11[%swap3A_304, %swap3A_305, %swap3A_306] {strides = array<i32>} : memref<128x2x16xf32, #tpu.memory_space<vmem>>, vector<1x1x16xf32>,
        %swap3A_308 = vector.shape_cast %swap3A_307 : vector<1x1x16xf32> to vector<16xf32>
        %swap3A_309 = vector.shape_cast %get3A_302 : vector<16xf32> to vector<1x1x16xf32>
        tpu.vector_store %arg11[%swap3A_304, %swap3A_305, %swap3A_306], %swap3A_309 {add = true, strides = array<i32>} : memref<128x2x16xf32, #tpu.memory_space<vmem>>, vector<1x1x16xf32>,
        %mul3A_310 = arith.constant 8 : i32
        %mul3A_311 = arith.muli %scan3A_259, %mul3A_310 : i32
        %add3A_312 = arith.constant 2 : i32
        %add3A_313 = arith.addi %mul3A_311, %add3A_312 : i32
        %get3A_314 = arith.index_cast %add3A_313 : i32 to index
        %get3A_315 = arith.constant 0 : index
        %get3A_316 = tpu.vector_load %arg6[%get3A_314, %get3A_315] {strides = array<i32>} : memref<128x32xf32, #tpu.memory_space<vmem>>, vector<1x16xf32>,
        %get3A_317 = vector.shape_cast %get3A_316 : vector<1x16xf32> to vector<16xf32>
        %swap3A_318 = arith.constant 0 : i32
        %swap3A_319 = arith.index_cast %add3A_313 : i32 to index
        %swap3A_320 = arith.index_cast %swap3A_318 : i32 to index
        %swap3A_321 = arith.constant 0 : index
        %swap3A_322 = tpu.vector_load %arg11[%swap3A_319, %swap3A_320, %swap3A_321] {strides = array<i32>} : memref<128x2x16xf32, #tpu.memory_space<vmem>>, vector<1x1x16xf32>,
        %swap3A_323 = vector.shape_cast %swap3A_322 : vector<1x1x16xf32> to vector<16xf32>
        %swap3A_324 = vector.shape_cast %get3A_317 : vector<16xf32> to vector<1x1x16xf32>
        tpu.vector_store %arg11[%swap3A_319, %swap3A_320, %swap3A_321], %swap3A_324 {add = true, strides = array<i32>} : memref<128x2x16xf32, #tpu.memory_space<vmem>>, vector<1x1x16xf32>,
        %get3A_325 = arith.index_cast %add3A_313 : i32 to index
        %get3A_326 = arith.constant 16 : index
        %get3A_327 = tpu.vector_load %arg6[%get3A_325, %get3A_326] {strides = array<i32>} : memref<128x32xf32, #tpu.memory_space<vmem>>, vector<1x16xf32>,
        %get3A_328 = vector.shape_cast %get3A_327 : vector<1x16xf32> to vector<16xf32>
        %swap3A_329 = arith.constant 1 : i32
        %swap3A_330 = arith.index_cast %add3A_313 : i32 to index
        %swap3A_331 = arith.index_cast %swap3A_329 : i32 to index
        %swap3A_332 = arith.constant 0 : index
        %swap3A_333 = tpu.vector_load %arg11[%swap3A_330, %swap3A_331, %swap3A_332] {strides = array<i32>} : memref<128x2x16xf32, #tpu.memory_space<vmem>>, vector<1x1x16xf32>,
        %swap3A_334 = vector.shape_cast %swap3A_333 : vector<1x1x16xf32> to vector<16xf32>
        %swap3A_335 = vector.shape_cast %get3A_328 : vector<16xf32> to vector<1x1x16xf32>
        tpu.vector_store %arg11[%swap3A_330, %swap3A_331, %swap3A_332], %swap3A_335 {add = true, strides = array<i32>} : memref<128x2x16xf32, #tpu.memory_space<vmem>>, vector<1x1x16xf32>,
        %mul3A_336 = arith.constant 8 : i32
        %mul3A_337 = arith.muli %scan3A_259, %mul3A_336 : i32
        %add3A_338 = arith.constant 3 : i32
        %add3A_339 = arith.addi %mul3A_337, %add3A_338 : i32
        %get3A_340 = arith.index_cast %add3A_339 : i32 to index
        %get3A_341 = arith.constant 0 : index
        %get3A_342 = tpu.vector_load %arg6[%get3A_340, %get3A_341] {strides = array<i32>} : memref<128x32xf32, #tpu.memory_space<vmem>>, vector<1x16xf32>,
        %get3A_343 = vector.shape_cast %get3A_342 : vector<1x16xf32> to vector<16xf32>
        %swap3A_344 = arith.constant 0 : i32
        %swap3A_345 = arith.index_cast %add3A_339 : i32 to index
        %swap3A_346 = arith.index_cast %swap3A_344 : i32 to index
        %swap3A_347 = arith.constant 0 : index
        %swap3A_348 = tpu.vector_load %arg11[%swap3A_345, %swap3A_346, %swap3A_347] {strides = array<i32>} : memref<128x2x16xf32, #tpu.memory_space<vmem>>, vector<1x1x16xf32>,
        %swap3A_349 = vector.shape_cast %swap3A_348 : vector<1x1x16xf32> to vector<16xf32>
        %swap3A_350 = vector.shape_cast %get3A_343 : vector<16xf32> to vector<1x1x16xf32>
        tpu.vector_store %arg11[%swap3A_345, %swap3A_346, %swap3A_347], %swap3A_350 {add = true, strides = array<i32>} : memref<128x2x16xf32, #tpu.memory_space<vmem>>, vector<1x1x16xf32>,
        %get3A_351 = arith.index_cast %add3A_339 : i32 to index
        %get3A_352 = arith.constant 16 : index
        %get3A_353 = tpu.vector_load %arg6[%get3A_351, %get3A_352] {strides = array<i32>} : memref<128x32xf32, #tpu.memory_space<vmem>>, vector<1x16xf32>,
        %get3A_354 = vector.shape_cast %get3A_353 : vector<1x16xf32> to vector<16xf32>
        %swap3A_355 = arith.constant 1 : i32
        %swap3A_356 = arith.index_cast %add3A_339 : i32 to index
        %swap3A_357 = arith.index_cast %swap3A_355 : i32 to index
        %swap3A_358 = arith.constant 0 : index
        %swap3A_359 = tpu.vector_load %arg11[%swap3A_356, %swap3A_357, %swap3A_358] {strides = array<i32>} : memref<128x2x16xf32, #tpu.memory_space<vmem>>, vector<1x1x16xf32>,
        %swap3A_360 = vector.shape_cast %swap3A_359 : vector<1x1x16xf32> to vector<16xf32>
        %swap3A_361 = vector.shape_cast %get3A_354 : vector<16xf32> to vector<1x1x16xf32>
        tpu.vector_store %arg11[%swap3A_356, %swap3A_357, %swap3A_358], %swap3A_361 {add = true, strides = array<i32>} : memref<128x2x16xf32, #tpu.memory_space<vmem>>, vector<1x1x16xf32>,
        %mul3A_362 = arith.constant 8 : i32
        %mul3A_363 = arith.muli %scan3A_259, %mul3A_362 : i32
        %add3A_364 = arith.constant 4 : i32
        %add3A_365 = arith.addi %mul3A_363, %add3A_364 : i32
        %get3A_366 = arith.index_cast %add3A_365 : i32 to index
        %get3A_367 = arith.constant 0 : index
        %get3A_368 = tpu.vector_load %arg6[%get3A_366, %get3A_367] {strides = array<i32>} : memref<128x32xf32, #tpu.memory_space<vmem>>, vector<1x16xf32>,
        %get3A_369 = vector.shape_cast %get3A_368 : vector<1x16xf32> to vector<16xf32>
        %swap3A_370 = arith.constant 0 : i32
        %swap3A_371 = arith.index_cast %add3A_365 : i32 to index
        %swap3A_372 = arith.index_cast %swap3A_370 : i32 to index
        %swap3A_373 = arith.constant 0 : index
        %swap3A_374 = tpu.vector_load %arg11[%swap3A_371, %swap3A_372, %swap3A_373] {strides = array<i32>} : memref<128x2x16xf32, #tpu.memory_space<vmem>>, vector<1x1x16xf32>,
        %swap3A_375 = vector.shape_cast %swap3A_374 : vector<1x1x16xf32> to vector<16xf32>
        %swap3A_376 = vector.shape_cast %get3A_369 : vector<16xf32> to vector<1x1x16xf32>
        tpu.vector_store %arg11[%swap3A_371, %swap3A_372, %swap3A_373], %swap3A_376 {add = true, strides = array<i32>} : memref<128x2x16xf32, #tpu.memory_space<vmem>>, vector<1x1x16xf32>,
        %get3A_377 = arith.index_cast %add3A_365 : i32 to index
        %get3A_378 = arith.constant 16 : index
        %get3A_379 = tpu.vector_load %arg6[%get3A_377, %get3A_378] {strides = array<i32>} : memref<128x32xf32, #tpu.memory_space<vmem>>, vector<1x16xf32>,
        %get3A_380 = vector.shape_cast %get3A_379 : vector<1x16xf32> to vector<16xf32>
        %swap3A_381 = arith.constant 1 : i32
        %swap3A_382 = arith.index_cast %add3A_365 : i32 to index
        %swap3A_383 = arith.index_cast %swap3A_381 : i32 to index
        %swap3A_384 = arith.constant 0 : index
        %swap3A_385 = tpu.vector_load %arg11[%swap3A_382, %swap3A_383, %swap3A_384] {strides = array<i32>} : memref<128x2x16xf32, #tpu.memory_space<vmem>>, vector<1x1x16xf32>,
        %swap3A_386 = vector.shape_cast %swap3A_385 : vector<1x1x16xf32> to vector<16xf32>
        %swap3A_387 = vector.shape_cast %get3A_380 : vector<16xf32> to vector<1x1x16xf32>
        tpu.vector_store %arg11[%swap3A_382, %swap3A_383, %swap3A_384], %swap3A_387 {add = true, strides = array<i32>} : memref<128x2x16xf32, #tpu.memory_space<vmem>>, vector<1x1x16xf32>,
        %mul3A_388 = arith.constant 8 : i32
        %mul3A_389 = arith.muli %scan3A_259, %mul3A_388 : i32
        %add3A_390 = arith.constant 5 : i32
        %add3A_391 = arith.addi %mul3A_389, %add3A_390 : i32
        %get3A_392 = arith.index_cast %add3A_391 : i32 to index
        %get3A_393 = arith.constant 0 : index
        %get3A_394 = tpu.vector_load %arg6[%get3A_392, %get3A_393] {strides = array<i32>} : memref<128x32xf32, #tpu.memory_space<vmem>>, vector<1x16xf32>,
        %get3A_395 = vector.shape_cast %get3A_394 : vector<1x16xf32> to vector<16xf32>
        %swap3A_396 = arith.constant 0 : i32
        %swap3A_397 = arith.index_cast %add3A_391 : i32 to index
        %swap3A_398 = arith.index_cast %swap3A_396 : i32 to index
        %swap3A_399 = arith.constant 0 : index
        %swap3A_400 = tpu.vector_load %arg11[%swap3A_397, %swap3A_398, %swap3A_399] {strides = array<i32>} : memref<128x2x16xf32, #tpu.memory_space<vmem>>, vector<1x1x16xf32>,
        %swap3A_401 = vector.shape_cast %swap3A_400 : vector<1x1x16xf32> to vector<16xf32>
        %swap3A_402 = vector.shape_cast %get3A_395 : vector<16xf32> to vector<1x1x16xf32>
        tpu.vector_store %arg11[%swap3A_397, %swap3A_398, %swap3A_399], %swap3A_402 {add = true, strides = array<i32>} : memref<128x2x16xf32, #tpu.memory_space<vmem>>, vector<1x1x16xf32>,
        %get3A_403 = arith.index_cast %add3A_391 : i32 to index
        %get3A_404 = arith.constant 16 : index
        %get3A_405 = tpu.vector_load %arg6[%get3A_403, %get3A_404] {strides = array<i32>} : memref<128x32xf32, #tpu.memory_space<vmem>>, vector<1x16xf32>,
        %get3A_406 = vector.shape_cast %get3A_405 : vector<1x16xf32> to vector<16xf32>
        %swap3A_407 = arith.constant 1 : i32
        %swap3A_408 = arith.index_cast %add3A_391 : i32 to index
        %swap3A_409 = arith.index_cast %swap3A_407 : i32 to index
        %swap3A_410 = arith.constant 0 : index
        %swap3A_411 = tpu.vector_load %arg11[%swap3A_408, %swap3A_409, %swap3A_410] {strides = array<i32>} : memref<128x2x16xf32, #tpu.memory_space<vmem>>, vector<1x1x16xf32>,
        %swap3A_412 = vector.shape_cast %swap3A_411 : vector<1x1x16xf32> to vector<16xf32>
        %swap3A_413 = vector.shape_cast %get3A_406 : vector<16xf32> to vector<1x1x16xf32>
        tpu.vector_store %arg11[%swap3A_408, %swap3A_409, %swap3A_410], %swap3A_413 {add = true, strides = array<i32>} : memref<128x2x16xf32, #tpu.memory_space<vmem>>, vector<1x1x16xf32>,
        %mul3A_414 = arith.constant 8 : i32
        %mul3A_415 = arith.muli %scan3A_259, %mul3A_414 : i32
        %add3A_416 = arith.constant 6 : i32
        %add3A_417 = arith.addi %mul3A_415, %add3A_416 : i32
        %get3A_418 = arith.index_cast %add3A_417 : i32 to index
        %get3A_419 = arith.constant 0 : index
        %get3A_420 = tpu.vector_load %arg6[%get3A_418, %get3A_419] {strides = array<i32>} : memref<128x32xf32, #tpu.memory_space<vmem>>, vector<1x16xf32>,
        %get3A_421 = vector.shape_cast %get3A_420 : vector<1x16xf32> to vector<16xf32>
        %swap3A_422 = arith.constant 0 : i32
        %swap3A_423 = arith.index_cast %add3A_417 : i32 to index
        %swap3A_424 = arith.index_cast %swap3A_422 : i32 to index
        %swap3A_425 = arith.constant 0 : index
        %swap3A_426 = tpu.vector_load %arg11[%swap3A_423, %swap3A_424, %swap3A_425] {strides = array<i32>} : memref<128x2x16xf32, #tpu.memory_space<vmem>>, vector<1x1x16xf32>,
        %swap3A_427 = vector.shape_cast %swap3A_426 : vector<1x1x16xf32> to vector<16xf32>
        %swap3A_428 = vector.shape_cast %get3A_421 : vector<16xf32> to vector<1x1x16xf32>
        tpu.vector_store %arg11[%swap3A_423, %swap3A_424, %swap3A_425], %swap3A_428 {add = true, strides = array<i32>} : memref<128x2x16xf32, #tpu.memory_space<vmem>>, vector<1x1x16xf32>,
        %get3A_429 = arith.index_cast %add3A_417 : i32 to index
        %get3A_430 = arith.constant 16 : index
        %get3A_431 = tpu.vector_load %arg6[%get3A_429, %get3A_430] {strides = array<i32>} : memref<128x32xf32, #tpu.memory_space<vmem>>, vector<1x16xf32>,
        %get3A_432 = vector.shape_cast %get3A_431 : vector<1x16xf32> to vector<16xf32>
        %swap3A_433 = arith.constant 1 : i32
        %swap3A_434 = arith.index_cast %add3A_417 : i32 to index
        %swap3A_435 = arith.index_cast %swap3A_433 : i32 to index
        %swap3A_436 = arith.constant 0 : index
        %swap3A_437 = tpu.vector_load %arg11[%swap3A_434, %swap3A_435, %swap3A_436] {strides = array<i32>} : memref<128x2x16xf32, #tpu.memory_space<vmem>>, vector<1x1x16xf32>,
        %swap3A_438 = vector.shape_cast %swap3A_437 : vector<1x1x16xf32> to vector<16xf32>
        %swap3A_439 = vector.shape_cast %get3A_432 : vector<16xf32> to vector<1x1x16xf32>
        tpu.vector_store %arg11[%swap3A_434, %swap3A_435, %swap3A_436], %swap3A_439 {add = true, strides = array<i32>} : memref<128x2x16xf32, #tpu.memory_space<vmem>>, vector<1x1x16xf32>,
        %mul3A_440 = arith.constant 8 : i32
        %mul3A_441 = arith.muli %scan3A_259, %mul3A_440 : i32
        %add3A_442 = arith.constant 7 : i32
        %add3A_443 = arith.addi %mul3A_441, %add3A_442 : i32
        %get3A_444 = arith.index_cast %add3A_443 : i32 to index
        %get3A_445 = arith.constant 0 : index
        %get3A_446 = tpu.vector_load %arg6[%get3A_444, %get3A_445] {strides = array<i32>} : memref<128x32xf32, #tpu.memory_space<vmem>>, vector<1x16xf32>,
        %get3A_447 = vector.shape_cast %get3A_446 : vector<1x16xf32> to vector<16xf32>
        %swap3A_448 = arith.constant 0 : i32
        %swap3A_449 = arith.index_cast %add3A_443 : i32 to index
        %swap3A_450 = arith.index_cast %swap3A_448 : i32 to index
        %swap3A_451 = arith.constant 0 : index
        %swap3A_452 = tpu.vector_load %arg11[%swap3A_449, %swap3A_450, %swap3A_451] {strides = array<i32>} : memref<128x2x16xf32, #tpu.memory_space<vmem>>, vector<1x1x16xf32>,
        %swap3A_453 = vector.shape_cast %swap3A_452 : vector<1x1x16xf32> to vector<16xf32>
        %swap3A_454 = vector.shape_cast %get3A_447 : vector<16xf32> to vector<1x1x16xf32>
        tpu.vector_store %arg11[%swap3A_449, %swap3A_450, %swap3A_451], %swap3A_454 {add = true, strides = array<i32>} : memref<128x2x16xf32, #tpu.memory_space<vmem>>, vector<1x1x16xf32>,
        %get3A_455 = arith.index_cast %add3A_443 : i32 to index
        %get3A_456 = arith.constant 16 : index
        %get3A_457 = tpu.vector_load %arg6[%get3A_455, %get3A_456] {strides = array<i32>} : memref<128x32xf32, #tpu.memory_space<vmem>>, vector<1x16xf32>,
        %get3A_458 = vector.shape_cast %get3A_457 : vector<1x16xf32> to vector<16xf32>
        %swap3A_459 = arith.constant 1 : i32
        %swap3A_460 = arith.index_cast %add3A_443 : i32 to index
        %swap3A_461 = arith.index_cast %swap3A_459 : i32 to index
        %swap3A_462 = arith.constant 0 : index
        %swap3A_463 = tpu.vector_load %arg11[%swap3A_460, %swap3A_461, %swap3A_462] {strides = array<i32>} : memref<128x2x16xf32, #tpu.memory_space<vmem>>, vector<1x1x16xf32>,
        %swap3A_464 = vector.shape_cast %swap3A_463 : vector<1x1x16xf32> to vector<16xf32>
        %swap3A_465 = vector.shape_cast %get3A_458 : vector<16xf32> to vector<1x1x16xf32>
        tpu.vector_store %arg11[%swap3A_460, %swap3A_461, %swap3A_462], %swap3A_465 {add = true, strides = array<i32>} : memref<128x2x16xf32, #tpu.memory_space<vmem>>, vector<1x1x16xf32>,
      }
      %scan3A_154 = arith.constant 16 : i32
      %mul3A_155 = arith.constant 5 : i32
      %mul3A_156 = arith.muli %mul3A_155, %scan3A_132 : i32
      %add3A_157 = arith.constant 1 : i32
      %add3A_158 = arith.addi %mul3A_156, %add3A_157 : i32
      %dma_wait3A_159 = arith.constant 0 : i32
      %dma_wait3A_160 = arith.constant 0 : i32
      %dma_wait3A_161 = tpu.memref_slice %arg5[%dma_wait3A_159, %dma_wait3A_160] : memref<50x128xi32, #tpu.memory_space<vmem>> -> memref<1x128xi32, #tpu.memory_space<vmem>>
      %dma_wait3A_162 = tpu.memref_squeeze %dma_wait3A_161 : memref<1x128xi32, #tpu.memory_space<vmem>> -> memref<128xi32, #tpu.memory_space<vmem>>
      %dma_wait3A_163 = arith.constant 0 : i32
      %dma_wait3A_164 = arith.constant 0 : i32
      %dma_wait3A_165 = tpu.memref_slice %arg2[%dma_wait3A_163, %dma_wait3A_164] : memref<49152x32xf32, #tpu.memory_space<hbm>> -> memref<49152x32xf32, #tpu.memory_space<hbm>>
      tpu.wait_indirect_dma semaphore(%arg13 : memref<!tpu.dma_semaphore, #tpu.memory_space<semaphore_mem>>) src(%dma_wait3A_165 : memref<49152x32xf32, #tpu.memory_space<hbm>>) dst(%arg7 : memref<128x32xf32, #tpu.memory_space<vmem>>)
      %add3A_166 = arith.constant 5 : i32
      %add3A_167 = arith.addi %add3A_158, %add3A_166 : i32
      %sub3A_168 = arith.constant 1 : i32
      %sub3A_169 = arith.subi %add3A_167, %sub3A_168 : i32
      %lt3A_170 = arith.constant 50 : i32
      %lt3A_171 = arith.cmpi slt, %sub3A_169, %lt3A_170 : i32
      %convert_element_type3A_172 = arith.extui %lt3A_171 : i1 to i32
      %cond3A_173 = arith.constant 0 : i32
      %cond3A_174 = arith.cmpi ne, %convert_element_type3A_172, %cond3A_173 : i32
      scf.if %cond3A_174 {
        %add3A_259 = arith.constant 5 : i32
        %add3A_260 = arith.addi %add3A_158, %add3A_259 : i32
        %sub3A_261 = arith.constant 1 : i32
        %sub3A_262 = arith.subi %add3A_260, %sub3A_261 : i32
        %dma_start3A_263 = arith.constant 0 : i32
        %dma_start3A_264 = tpu.memref_slice %arg5[%sub3A_262, %dma_start3A_263] : memref<50x128xi32, #tpu.memory_space<vmem>> -> memref<1x128xi32, #tpu.memory_space<vmem>>
        %dma_start3A_265 = tpu.memref_squeeze %dma_start3A_264 : memref<1x128xi32, #tpu.memory_space<vmem>> -> memref<128xi32, #tpu.memory_space<vmem>>
        %dma_start3A_266 = arith.constant 0 : i32
        %dma_start3A_267 = arith.constant 0 : i32
        %dma_start3A_268 = tpu.memref_slice %arg2[%dma_start3A_266, %dma_start3A_267] : memref<49152x32xf32, #tpu.memory_space<hbm>> -> memref<49152x32xf32, #tpu.memory_space<hbm>>
        tpu.enqueue_indirect_dma source(%dma_start3A_268 : memref<49152x32xf32, #tpu.memory_space<hbm>>) target(%arg6 : memref<128x32xf32, #tpu.memory_space<vmem>>) offsets(%dma_start3A_265 : memref<128xi32, #tpu.memory_space<vmem>>) semaphore(%arg12 : memref<!tpu.dma_semaphore, #tpu.memory_space<semaphore_mem>>)
      } else {
      }
      %scan3A_175 = arith.constant 0 : i32
      %scan3A_176 = arith.constant 0 : i32
      %scan3A_177 = arith.constant 16 : i32
      %scan3A_178 = arith.addi %scan3A_176, %scan3A_177 : i32
      %scan3A_179 = arith.constant 1 : i32
      scf.for %scan3A_259 = %scan3A_176 to %scan3A_178 step %scan3A_179  : i32 {
        %mul3A_260 = arith.constant 8 : i32
        %mul3A_261 = arith.muli %scan3A_259, %mul3A_260 : i32
        %add3A_262 = arith.constant 0 : i32
        %add3A_263 = arith.addi %mul3A_261, %add3A_262 : i32
        %get3A = arith.index_cast %add3A_263 : i32 to index
        %get3A_264 = arith.constant 0 : index
        %get3A_265 = tpu.vector_load %arg7[%get3A, %get3A_264] {strides = array<i32>} : memref<128x32xf32, #tpu.memory_space<vmem>>, vector<1x16xf32>,
        %get3A_266 = vector.shape_cast %get3A_265 : vector<1x16xf32> to vector<16xf32>
        %swap3A = arith.constant 0 : i32
        %swap3A_267 = arith.index_cast %add3A_263 : i32 to index
        %swap3A_268 = arith.index_cast %swap3A : i32 to index
        %swap3A_269 = arith.constant 0 : index
        %swap3A_270 = tpu.vector_load %arg11[%swap3A_267, %swap3A_268, %swap3A_269] {strides = array<i32>} : memref<128x2x16xf32, #tpu.memory_space<vmem>>, vector<1x1x16xf32>,
        %swap3A_271 = vector.shape_cast %swap3A_270 : vector<1x1x16xf32> to vector<16xf32>
        %swap3A_272 = vector.shape_cast %get3A_266 : vector<16xf32> to vector<1x1x16xf32>
        tpu.vector_store %arg11[%swap3A_267, %swap3A_268, %swap3A_269], %swap3A_272 {add = true, strides = array<i32>} : memref<128x2x16xf32, #tpu.memory_space<vmem>>, vector<1x1x16xf32>,
        %get3A_273 = arith.index_cast %add3A_263 : i32 to index
        %get3A_274 = arith.constant 16 : index
        %get3A_275 = tpu.vector_load %arg7[%get3A_273, %get3A_274] {strides = array<i32>} : memref<128x32xf32, #tpu.memory_space<vmem>>, vector<1x16xf32>,
        %get3A_276 = vector.shape_cast %get3A_275 : vector<1x16xf32> to vector<16xf32>
        %swap3A_277 = arith.constant 1 : i32
        %swap3A_278 = arith.index_cast %add3A_263 : i32 to index
        %swap3A_279 = arith.index_cast %swap3A_277 : i32 to index
        %swap3A_280 = arith.constant 0 : index
        %swap3A_281 = tpu.vector_load %arg11[%swap3A_278, %swap3A_279, %swap3A_280] {strides = array<i32>} : memref<128x2x16xf32, #tpu.memory_space<vmem>>, vector<1x1x16xf32>,
        %swap3A_282 = vector.shape_cast %swap3A_281 : vector<1x1x16xf32> to vector<16xf32>
        %swap3A_283 = vector.shape_cast %get3A_276 : vector<16xf32> to vector<1x1x16xf32>
        tpu.vector_store %arg11[%swap3A_278, %swap3A_279, %swap3A_280], %swap3A_283 {add = true, strides = array<i32>} : memref<128x2x16xf32, #tpu.memory_space<vmem>>, vector<1x1x16xf32>,
        %mul3A_284 = arith.constant 8 : i32
        %mul3A_285 = arith.muli %scan3A_259, %mul3A_284 : i32
        %add3A_286 = arith.constant 1 : i32
        %add3A_287 = arith.addi %mul3A_285, %add3A_286 : i32
        %get3A_288 = arith.index_cast %add3A_287 : i32 to index
        %get3A_289 = arith.constant 0 : index
        %get3A_290 = tpu.vector_load %arg7[%get3A_288, %get3A_289] {strides = array<i32>} : memref<128x32xf32, #tpu.memory_space<vmem>>, vector<1x16xf32>,
        %get3A_291 = vector.shape_cast %get3A_290 : vector<1x16xf32> to vector<16xf32>
        %swap3A_292 = arith.constant 0 : i32
        %swap3A_293 = arith.index_cast %add3A_287 : i32 to index
        %swap3A_294 = arith.index_cast %swap3A_292 : i32 to index
        %swap3A_295 = arith.constant 0 : index
        %swap3A_296 = tpu.vector_load %arg11[%swap3A_293, %swap3A_294, %swap3A_295] {strides = array<i32>} : memref<128x2x16xf32, #tpu.memory_space<vmem>>, vector<1x1x16xf32>,
        %swap3A_297 = vector.shape_cast %swap3A_296 : vector<1x1x16xf32> to vector<16xf32>
        %swap3A_298 = vector.shape_cast %get3A_291 : vector<16xf32> to vector<1x1x16xf32>
        tpu.vector_store %arg11[%swap3A_293, %swap3A_294, %swap3A_295], %swap3A_298 {add = true, strides = array<i32>} : memref<128x2x16xf32, #tpu.memory_space<vmem>>, vector<1x1x16xf32>,
        %get3A_299 = arith.index_cast %add3A_287 : i32 to index
        %get3A_300 = arith.constant 16 : index
        %get3A_301 = tpu.vector_load %arg7[%get3A_299, %get3A_300] {strides = array<i32>} : memref<128x32xf32, #tpu.memory_space<vmem>>, vector<1x16xf32>,
        %get3A_302 = vector.shape_cast %get3A_301 : vector<1x16xf32> to vector<16xf32>
        %swap3A_303 = arith.constant 1 : i32
        %swap3A_304 = arith.index_cast %add3A_287 : i32 to index
        %swap3A_305 = arith.index_cast %swap3A_303 : i32 to index
        %swap3A_306 = arith.constant 0 : index
        %swap3A_307 = tpu.vector_load %arg11[%swap3A_304, %swap3A_305, %swap3A_306] {strides = array<i32>} : memref<128x2x16xf32, #tpu.memory_space<vmem>>, vector<1x1x16xf32>,
        %swap3A_308 = vector.shape_cast %swap3A_307 : vector<1x1x16xf32> to vector<16xf32>
        %swap3A_309 = vector.shape_cast %get3A_302 : vector<16xf32> to vector<1x1x16xf32>
        tpu.vector_store %arg11[%swap3A_304, %swap3A_305, %swap3A_306], %swap3A_309 {add = true, strides = array<i32>} : memref<128x2x16xf32, #tpu.memory_space<vmem>>, vector<1x1x16xf32>,
        %mul3A_310 = arith.constant 8 : i32
        %mul3A_311 = arith.muli %scan3A_259, %mul3A_310 : i32
        %add3A_312 = arith.constant 2 : i32
        %add3A_313 = arith.addi %mul3A_311, %add3A_312 : i32
        %get3A_314 = arith.index_cast %add3A_313 : i32 to index
        %get3A_315 = arith.constant 0 : index
        %get3A_316 = tpu.vector_load %arg7[%get3A_314, %get3A_315] {strides = array<i32>} : memref<128x32xf32, #tpu.memory_space<vmem>>, vector<1x16xf32>,
        %get3A_317 = vector.shape_cast %get3A_316 : vector<1x16xf32> to vector<16xf32>
        %swap3A_318 = arith.constant 0 : i32
        %swap3A_319 = arith.index_cast %add3A_313 : i32 to index
        %swap3A_320 = arith.index_cast %swap3A_318 : i32 to index
        %swap3A_321 = arith.constant 0 : index
        %swap3A_322 = tpu.vector_load %arg11[%swap3A_319, %swap3A_320, %swap3A_321] {strides = array<i32>} : memref<128x2x16xf32, #tpu.memory_space<vmem>>, vector<1x1x16xf32>,
        %swap3A_323 = vector.shape_cast %swap3A_322 : vector<1x1x16xf32> to vector<16xf32>
        %swap3A_324 = vector.shape_cast %get3A_317 : vector<16xf32> to vector<1x1x16xf32>
        tpu.vector_store %arg11[%swap3A_319, %swap3A_320, %swap3A_321], %swap3A_324 {add = true, strides = array<i32>} : memref<128x2x16xf32, #tpu.memory_space<vmem>>, vector<1x1x16xf32>,
        %get3A_325 = arith.index_cast %add3A_313 : i32 to index
        %get3A_326 = arith.constant 16 : index
        %get3A_327 = tpu.vector_load %arg7[%get3A_325, %get3A_326] {strides = array<i32>} : memref<128x32xf32, #tpu.memory_space<vmem>>, vector<1x16xf32>,
        %get3A_328 = vector.shape_cast %get3A_327 : vector<1x16xf32> to vector<16xf32>
        %swap3A_329 = arith.constant 1 : i32
        %swap3A_330 = arith.index_cast %add3A_313 : i32 to index
        %swap3A_331 = arith.index_cast %swap3A_329 : i32 to index
        %swap3A_332 = arith.constant 0 : index
        %swap3A_333 = tpu.vector_load %arg11[%swap3A_330, %swap3A_331, %swap3A_332] {strides = array<i32>} : memref<128x2x16xf32, #tpu.memory_space<vmem>>, vector<1x1x16xf32>,
        %swap3A_334 = vector.shape_cast %swap3A_333 : vector<1x1x16xf32> to vector<16xf32>
        %swap3A_335 = vector.shape_cast %get3A_328 : vector<16xf32> to vector<1x1x16xf32>
        tpu.vector_store %arg11[%swap3A_330, %swap3A_331, %swap3A_332], %swap3A_335 {add = true, strides = array<i32>} : memref<128x2x16xf32, #tpu.memory_space<vmem>>, vector<1x1x16xf32>,
        %mul3A_336 = arith.constant 8 : i32
        %mul3A_337 = arith.muli %scan3A_259, %mul3A_336 : i32
        %add3A_338 = arith.constant 3 : i32
        %add3A_339 = arith.addi %mul3A_337, %add3A_338 : i32
        %get3A_340 = arith.index_cast %add3A_339 : i32 to index
        %get3A_341 = arith.constant 0 : index
        %get3A_342 = tpu.vector_load %arg7[%get3A_340, %get3A_341] {strides = array<i32>} : memref<128x32xf32, #tpu.memory_space<vmem>>, vector<1x16xf32>,
        %get3A_343 = vector.shape_cast %get3A_342 : vector<1x16xf32> to vector<16xf32>
        %swap3A_344 = arith.constant 0 : i32
        %swap3A_345 = arith.index_cast %add3A_339 : i32 to index
        %swap3A_346 = arith.index_cast %swap3A_344 : i32 to index
        %swap3A_347 = arith.constant 0 : index
        %swap3A_348 = tpu.vector_load %arg11[%swap3A_345, %swap3A_346, %swap3A_347] {strides = array<i32>} : memref<128x2x16xf32, #tpu.memory_space<vmem>>, vector<1x1x16xf32>,
        %swap3A_349 = vector.shape_cast %swap3A_348 : vector<1x1x16xf32> to vector<16xf32>
        %swap3A_350 = vector.shape_cast %get3A_343 : vector<16xf32> to vector<1x1x16xf32>
        tpu.vector_store %arg11[%swap3A_345, %swap3A_346, %swap3A_347], %swap3A_350 {add = true, strides = array<i32>} : memref<128x2x16xf32, #tpu.memory_space<vmem>>, vector<1x1x16xf32>,
        %get3A_351 = arith.index_cast %add3A_339 : i32 to index
        %get3A_352 = arith.constant 16 : index
        %get3A_353 = tpu.vector_load %arg7[%get3A_351, %get3A_352] {strides = array<i32>} : memref<128x32xf32, #tpu.memory_space<vmem>>, vector<1x16xf32>,
        %get3A_354 = vector.shape_cast %get3A_353 : vector<1x16xf32> to vector<16xf32>
        %swap3A_355 = arith.constant 1 : i32
        %swap3A_356 = arith.index_cast %add3A_339 : i32 to index
        %swap3A_357 = arith.index_cast %swap3A_355 : i32 to index
        %swap3A_358 = arith.constant 0 : index
        %swap3A_359 = tpu.vector_load %arg11[%swap3A_356, %swap3A_357, %swap3A_358] {strides = array<i32>} : memref<128x2x16xf32, #tpu.memory_space<vmem>>, vector<1x1x16xf32>,
        %swap3A_360 = vector.shape_cast %swap3A_359 : vector<1x1x16xf32> to vector<16xf32>
        %swap3A_361 = vector.shape_cast %get3A_354 : vector<16xf32> to vector<1x1x16xf32>
        tpu.vector_store %arg11[%swap3A_356, %swap3A_357, %swap3A_358], %swap3A_361 {add = true, strides = array<i32>} : memref<128x2x16xf32, #tpu.memory_space<vmem>>, vector<1x1x16xf32>,
        %mul3A_362 = arith.constant 8 : i32
        %mul3A_363 = arith.muli %scan3A_259, %mul3A_362 : i32
        %add3A_364 = arith.constant 4 : i32
        %add3A_365 = arith.addi %mul3A_363, %add3A_364 : i32
        %get3A_366 = arith.index_cast %add3A_365 : i32 to index
        %get3A_367 = arith.constant 0 : index
        %get3A_368 = tpu.vector_load %arg7[%get3A_366, %get3A_367] {strides = array<i32>} : memref<128x32xf32, #tpu.memory_space<vmem>>, vector<1x16xf32>,
        %get3A_369 = vector.shape_cast %get3A_368 : vector<1x16xf32> to vector<16xf32>
        %swap3A_370 = arith.constant 0 : i32
        %swap3A_371 = arith.index_cast %add3A_365 : i32 to index
        %swap3A_372 = arith.index_cast %swap3A_370 : i32 to index
        %swap3A_373 = arith.constant 0 : index
        %swap3A_374 = tpu.vector_load %arg11[%swap3A_371, %swap3A_372, %swap3A_373] {strides = array<i32>} : memref<128x2x16xf32, #tpu.memory_space<vmem>>, vector<1x1x16xf32>,
        %swap3A_375 = vector.shape_cast %swap3A_374 : vector<1x1x16xf32> to vector<16xf32>
        %swap3A_376 = vector.shape_cast %get3A_369 : vector<16xf32> to vector<1x1x16xf32>
        tpu.vector_store %arg11[%swap3A_371, %swap3A_372, %swap3A_373], %swap3A_376 {add = true, strides = array<i32>} : memref<128x2x16xf32, #tpu.memory_space<vmem>>, vector<1x1x16xf32>,
        %get3A_377 = arith.index_cast %add3A_365 : i32 to index
        %get3A_378 = arith.constant 16 : index
        %get3A_379 = tpu.vector_load %arg7[%get3A_377, %get3A_378] {strides = array<i32>} : memref<128x32xf32, #tpu.memory_space<vmem>>, vector<1x16xf32>,
        %get3A_380 = vector.shape_cast %get3A_379 : vector<1x16xf32> to vector<16xf32>
        %swap3A_381 = arith.constant 1 : i32
        %swap3A_382 = arith.index_cast %add3A_365 : i32 to index
        %swap3A_383 = arith.index_cast %swap3A_381 : i32 to index
        %swap3A_384 = arith.constant 0 : index
        %swap3A_385 = tpu.vector_load %arg11[%swap3A_382, %swap3A_383, %swap3A_384] {strides = array<i32>} : memref<128x2x16xf32, #tpu.memory_space<vmem>>, vector<1x1x16xf32>,
        %swap3A_386 = vector.shape_cast %swap3A_385 : vector<1x1x16xf32> to vector<16xf32>
        %swap3A_387 = vector.shape_cast %get3A_380 : vector<16xf32> to vector<1x1x16xf32>
        tpu.vector_store %arg11[%swap3A_382, %swap3A_383, %swap3A_384], %swap3A_387 {add = true, strides = array<i32>} : memref<128x2x16xf32, #tpu.memory_space<vmem>>, vector<1x1x16xf32>,
        %mul3A_388 = arith.constant 8 : i32
        %mul3A_389 = arith.muli %scan3A_259, %mul3A_388 : i32
        %add3A_390 = arith.constant 5 : i32
        %add3A_391 = arith.addi %mul3A_389, %add3A_390 : i32
        %get3A_392 = arith.index_cast %add3A_391 : i32 to index
        %get3A_393 = arith.constant 0 : index
        %get3A_394 = tpu.vector_load %arg7[%get3A_392, %get3A_393] {strides = array<i32>} : memref<128x32xf32, #tpu.memory_space<vmem>>, vector<1x16xf32>,
        %get3A_395 = vector.shape_cast %get3A_394 : vector<1x16xf32> to vector<16xf32>
        %swap3A_396 = arith.constant 0 : i32
        %swap3A_397 = arith.index_cast %add3A_391 : i32 to index
        %swap3A_398 = arith.index_cast %swap3A_396 : i32 to index
        %swap3A_399 = arith.constant 0 : index
        %swap3A_400 = tpu.vector_load %arg11[%swap3A_397, %swap3A_398, %swap3A_399] {strides = array<i32>} : memref<128x2x16xf32, #tpu.memory_space<vmem>>, vector<1x1x16xf32>,
        %swap3A_401 = vector.shape_cast %swap3A_400 : vector<1x1x16xf32> to vector<16xf32>
        %swap3A_402 = vector.shape_cast %get3A_395 : vector<16xf32> to vector<1x1x16xf32>
        tpu.vector_store %arg11[%swap3A_397, %swap3A_398, %swap3A_399], %swap3A_402 {add = true, strides = array<i32>} : memref<128x2x16xf32, #tpu.memory_space<vmem>>, vector<1x1x16xf32>,
        %get3A_403 = arith.index_cast %add3A_391 : i32 to index
        %get3A_404 = arith.constant 16 : index
        %get3A_405 = tpu.vector_load %arg7[%get3A_403, %get3A_404] {strides = array<i32>} : memref<128x32xf32, #tpu.memory_space<vmem>>, vector<1x16xf32>,
        %get3A_406 = vector.shape_cast %get3A_405 : vector<1x16xf32> to vector<16xf32>
        %swap3A_407 = arith.constant 1 : i32
        %swap3A_408 = arith.index_cast %add3A_391 : i32 to index
        %swap3A_409 = arith.index_cast %swap3A_407 : i32 to index
        %swap3A_410 = arith.constant 0 : index
        %swap3A_411 = tpu.vector_load %arg11[%swap3A_408, %swap3A_409, %swap3A_410] {strides = array<i32>} : memref<128x2x16xf32, #tpu.memory_space<vmem>>, vector<1x1x16xf32>,
        %swap3A_412 = vector.shape_cast %swap3A_411 : vector<1x1x16xf32> to vector<16xf32>
        %swap3A_413 = vector.shape_cast %get3A_406 : vector<16xf32> to vector<1x1x16xf32>
        tpu.vector_store %arg11[%swap3A_408, %swap3A_409, %swap3A_410], %swap3A_413 {add = true, strides = array<i32>} : memref<128x2x16xf32, #tpu.memory_space<vmem>>, vector<1x1x16xf32>,
        %mul3A_414 = arith.constant 8 : i32
        %mul3A_415 = arith.muli %scan3A_259, %mul3A_414 : i32
        %add3A_416 = arith.constant 6 : i32
        %add3A_417 = arith.addi %mul3A_415, %add3A_416 : i32
        %get3A_418 = arith.index_cast %add3A_417 : i32 to index
        %get3A_419 = arith.constant 0 : index
        %get3A_420 = tpu.vector_load %arg7[%get3A_418, %get3A_419] {strides = array<i32>} : memref<128x32xf32, #tpu.memory_space<vmem>>, vector<1x16xf32>,
        %get3A_421 = vector.shape_cast %get3A_420 : vector<1x16xf32> to vector<16xf32>
        %swap3A_422 = arith.constant 0 : i32
        %swap3A_423 = arith.index_cast %add3A_417 : i32 to index
        %swap3A_424 = arith.index_cast %swap3A_422 : i32 to index
        %swap3A_425 = arith.constant 0 : index
        %swap3A_426 = tpu.vector_load %arg11[%swap3A_423, %swap3A_424, %swap3A_425] {strides = array<i32>} : memref<128x2x16xf32, #tpu.memory_space<vmem>>, vector<1x1x16xf32>,
        %swap3A_427 = vector.shape_cast %swap3A_426 : vector<1x1x16xf32> to vector<16xf32>
        %swap3A_428 = vector.shape_cast %get3A_421 : vector<16xf32> to vector<1x1x16xf32>
        tpu.vector_store %arg11[%swap3A_423, %swap3A_424, %swap3A_425], %swap3A_428 {add = true, strides = array<i32>} : memref<128x2x16xf32, #tpu.memory_space<vmem>>, vector<1x1x16xf32>,
        %get3A_429 = arith.index_cast %add3A_417 : i32 to index
        %get3A_430 = arith.constant 16 : index
        %get3A_431 = tpu.vector_load %arg7[%get3A_429, %get3A_430] {strides = array<i32>} : memref<128x32xf32, #tpu.memory_space<vmem>>, vector<1x16xf32>,
        %get3A_432 = vector.shape_cast %get3A_431 : vector<1x16xf32> to vector<16xf32>
        %swap3A_433 = arith.constant 1 : i32
        %swap3A_434 = arith.index_cast %add3A_417 : i32 to index
        %swap3A_435 = arith.index_cast %swap3A_433 : i32 to index
        %swap3A_436 = arith.constant 0 : index
        %swap3A_437 = tpu.vector_load %arg11[%swap3A_434, %swap3A_435, %swap3A_436] {strides = array<i32>} : memref<128x2x16xf32, #tpu.memory_space<vmem>>, vector<1x1x16xf32>,
        %swap3A_438 = vector.shape_cast %swap3A_437 : vector<1x1x16xf32> to vector<16xf32>
        %swap3A_439 = vector.shape_cast %get3A_432 : vector<16xf32> to vector<1x1x16xf32>
        tpu.vector_store %arg11[%swap3A_434, %swap3A_435, %swap3A_436], %swap3A_439 {add = true, strides = array<i32>} : memref<128x2x16xf32, #tpu.memory_space<vmem>>, vector<1x1x16xf32>,
        %mul3A_440 = arith.constant 8 : i32
        %mul3A_441 = arith.muli %scan3A_259, %mul3A_440 : i32
        %add3A_442 = arith.constant 7 : i32
        %add3A_443 = arith.addi %mul3A_441, %add3A_442 : i32
        %get3A_444 = arith.index_cast %add3A_443 : i32 to index
        %get3A_445 = arith.constant 0 : index
        %get3A_446 = tpu.vector_load %arg7[%get3A_444, %get3A_445] {strides = array<i32>} : memref<128x32xf32, #tpu.memory_space<vmem>>, vector<1x16xf32>,
        %get3A_447 = vector.shape_cast %get3A_446 : vector<1x16xf32> to vector<16xf32>
        %swap3A_448 = arith.constant 0 : i32
        %swap3A_449 = arith.index_cast %add3A_443 : i32 to index
        %swap3A_450 = arith.index_cast %swap3A_448 : i32 to index
        %swap3A_451 = arith.constant 0 : index
        %swap3A_452 = tpu.vector_load %arg11[%swap3A_449, %swap3A_450, %swap3A_451] {strides = array<i32>} : memref<128x2x16xf32, #tpu.memory_space<vmem>>, vector<1x1x16xf32>,
        %swap3A_453 = vector.shape_cast %swap3A_452 : vector<1x1x16xf32> to vector<16xf32>
        %swap3A_454 = vector.shape_cast %get3A_447 : vector<16xf32> to vector<1x1x16xf32>
        tpu.vector_store %arg11[%swap3A_449, %swap3A_450, %swap3A_451], %swap3A_454 {add = true, strides = array<i32>} : memref<128x2x16xf32, #tpu.memory_space<vmem>>, vector<1x1x16xf32>,
        %get3A_455 = arith.index_cast %add3A_443 : i32 to index
        %get3A_456 = arith.constant 16 : index
        %get3A_457 = tpu.vector_load %arg7[%get3A_455, %get3A_456] {strides = array<i32>} : memref<128x32xf32, #tpu.memory_space<vmem>>, vector<1x16xf32>,
        %get3A_458 = vector.shape_cast %get3A_457 : vector<1x16xf32> to vector<16xf32>
        %swap3A_459 = arith.constant 1 : i32
        %swap3A_460 = arith.index_cast %add3A_443 : i32 to index
        %swap3A_461 = arith.index_cast %swap3A_459 : i32 to index
        %swap3A_462 = arith.constant 0 : index
        %swap3A_463 = tpu.vector_load %arg11[%swap3A_460, %swap3A_461, %swap3A_462] {strides = array<i32>} : memref<128x2x16xf32, #tpu.memory_space<vmem>>, vector<1x1x16xf32>,
        %swap3A_464 = vector.shape_cast %swap3A_463 : vector<1x1x16xf32> to vector<16xf32>
        %swap3A_465 = vector.shape_cast %get3A_458 : vector<16xf32> to vector<1x1x16xf32>
        tpu.vector_store %arg11[%swap3A_460, %swap3A_461, %swap3A_462], %swap3A_465 {add = true, strides = array<i32>} : memref<128x2x16xf32, #tpu.memory_space<vmem>>, vector<1x1x16xf32>,
      }
      %scan3A_180 = arith.constant 16 : i32
      %mul3A_181 = arith.constant 5 : i32
      %mul3A_182 = arith.muli %mul3A_181, %scan3A_132 : i32
      %add3A_183 = arith.constant 2 : i32
      %add3A_184 = arith.addi %mul3A_182, %add3A_183 : i32
      %dma_wait3A_185 = arith.constant 0 : i32
      %dma_wait3A_186 = arith.constant 0 : i32
      %dma_wait3A_187 = tpu.memref_slice %arg5[%dma_wait3A_185, %dma_wait3A_186] : memref<50x128xi32, #tpu.memory_space<vmem>> -> memref<1x128xi32, #tpu.memory_space<vmem>>
      %dma_wait3A_188 = tpu.memref_squeeze %dma_wait3A_187 : memref<1x128xi32, #tpu.memory_space<vmem>> -> memref<128xi32, #tpu.memory_space<vmem>>
      %dma_wait3A_189 = arith.constant 0 : i32
      %dma_wait3A_190 = arith.constant 0 : i32
      %dma_wait3A_191 = tpu.memref_slice %arg2[%dma_wait3A_189, %dma_wait3A_190] : memref<49152x32xf32, #tpu.memory_space<hbm>> -> memref<49152x32xf32, #tpu.memory_space<hbm>>
      tpu.wait_indirect_dma semaphore(%arg14 : memref<!tpu.dma_semaphore, #tpu.memory_space<semaphore_mem>>) src(%dma_wait3A_191 : memref<49152x32xf32, #tpu.memory_space<hbm>>) dst(%arg8 : memref<128x32xf32, #tpu.memory_space<vmem>>)
      %add3A_192 = arith.constant 5 : i32
      %add3A_193 = arith.addi %add3A_184, %add3A_192 : i32
      %sub3A_194 = arith.constant 1 : i32
      %sub3A_195 = arith.subi %add3A_193, %sub3A_194 : i32
      %lt3A_196 = arith.constant 50 : i32
      %lt3A_197 = arith.cmpi slt, %sub3A_195, %lt3A_196 : i32
      %convert_element_type3A_198 = arith.extui %lt3A_197 : i1 to i32
      %cond3A_199 = arith.constant 0 : i32
      %cond3A_200 = arith.cmpi ne, %convert_element_type3A_198, %cond3A_199 : i32
      scf.if %cond3A_200 {
        %add3A_259 = arith.constant 5 : i32
        %add3A_260 = arith.addi %add3A_184, %add3A_259 : i32
        %sub3A_261 = arith.constant 1 : i32
        %sub3A_262 = arith.subi %add3A_260, %sub3A_261 : i32
        %dma_start3A_263 = arith.constant 0 : i32
        %dma_start3A_264 = tpu.memref_slice %arg5[%sub3A_262, %dma_start3A_263] : memref<50x128xi32, #tpu.memory_space<vmem>> -> memref<1x128xi32, #tpu.memory_space<vmem>>
        %dma_start3A_265 = tpu.memref_squeeze %dma_start3A_264 : memref<1x128xi32, #tpu.memory_space<vmem>> -> memref<128xi32, #tpu.memory_space<vmem>>
        %dma_start3A_266 = arith.constant 0 : i32
        %dma_start3A_267 = arith.constant 0 : i32
        %dma_start3A_268 = tpu.memref_slice %arg2[%dma_start3A_266, %dma_start3A_267] : memref<49152x32xf32, #tpu.memory_space<hbm>> -> memref<49152x32xf32, #tpu.memory_space<hbm>>
        tpu.enqueue_indirect_dma source(%dma_start3A_268 : memref<49152x32xf32, #tpu.memory_space<hbm>>) target(%arg7 : memref<128x32xf32, #tpu.memory_space<vmem>>) offsets(%dma_start3A_265 : memref<128xi32, #tpu.memory_space<vmem>>) semaphore(%arg13 : memref<!tpu.dma_semaphore, #tpu.memory_space<semaphore_mem>>)
      } else {
      }
      %scan3A_201 = arith.constant 0 : i32
      %scan3A_202 = arith.constant 0 : i32
      %scan3A_203 = arith.constant 16 : i32
      %scan3A_204 = arith.addi %scan3A_202, %scan3A_203 : i32
      %scan3A_205 = arith.constant 1 : i32
      scf.for %scan3A_259 = %scan3A_202 to %scan3A_204 step %scan3A_205  : i32 {
        %mul3A_260 = arith.constant 8 : i32
        %mul3A_261 = arith.muli %scan3A_259, %mul3A_260 : i32
        %add3A_262 = arith.constant 0 : i32
        %add3A_263 = arith.addi %mul3A_261, %add3A_262 : i32
        %get3A = arith.index_cast %add3A_263 : i32 to index
        %get3A_264 = arith.constant 0 : index
        %get3A_265 = tpu.vector_load %arg8[%get3A, %get3A_264] {strides = array<i32>} : memref<128x32xf32, #tpu.memory_space<vmem>>, vector<1x16xf32>,
        %get3A_266 = vector.shape_cast %get3A_265 : vector<1x16xf32> to vector<16xf32>
        %swap3A = arith.constant 0 : i32
        %swap3A_267 = arith.index_cast %add3A_263 : i32 to index
        %swap3A_268 = arith.index_cast %swap3A : i32 to index
        %swap3A_269 = arith.constant 0 : index
        %swap3A_270 = tpu.vector_load %arg11[%swap3A_267, %swap3A_268, %swap3A_269] {strides = array<i32>} : memref<128x2x16xf32, #tpu.memory_space<vmem>>, vector<1x1x16xf32>,
        %swap3A_271 = vector.shape_cast %swap3A_270 : vector<1x1x16xf32> to vector<16xf32>
        %swap3A_272 = vector.shape_cast %get3A_266 : vector<16xf32> to vector<1x1x16xf32>
        tpu.vector_store %arg11[%swap3A_267, %swap3A_268, %swap3A_269], %swap3A_272 {add = true, strides = array<i32>} : memref<128x2x16xf32, #tpu.memory_space<vmem>>, vector<1x1x16xf32>,
        %get3A_273 = arith.index_cast %add3A_263 : i32 to index
        %get3A_274 = arith.constant 16 : index
        %get3A_275 = tpu.vector_load %arg8[%get3A_273, %get3A_274] {strides = array<i32>} : memref<128x32xf32, #tpu.memory_space<vmem>>, vector<1x16xf32>,
        %get3A_276 = vector.shape_cast %get3A_275 : vector<1x16xf32> to vector<16xf32>
        %swap3A_277 = arith.constant 1 : i32
        %swap3A_278 = arith.index_cast %add3A_263 : i32 to index
        %swap3A_279 = arith.index_cast %swap3A_277 : i32 to index
        %swap3A_280 = arith.constant 0 : index
        %swap3A_281 = tpu.vector_load %arg11[%swap3A_278, %swap3A_279, %swap3A_280] {strides = array<i32>} : memref<128x2x16xf32, #tpu.memory_space<vmem>>, vector<1x1x16xf32>,
        %swap3A_282 = vector.shape_cast %swap3A_281 : vector<1x1x16xf32> to vector<16xf32>
        %swap3A_283 = vector.shape_cast %get3A_276 : vector<16xf32> to vector<1x1x16xf32>
        tpu.vector_store %arg11[%swap3A_278, %swap3A_279, %swap3A_280], %swap3A_283 {add = true, strides = array<i32>} : memref<128x2x16xf32, #tpu.memory_space<vmem>>, vector<1x1x16xf32>,
        %mul3A_284 = arith.constant 8 : i32
        %mul3A_285 = arith.muli %scan3A_259, %mul3A_284 : i32
        %add3A_286 = arith.constant 1 : i32
        %add3A_287 = arith.addi %mul3A_285, %add3A_286 : i32
        %get3A_288 = arith.index_cast %add3A_287 : i32 to index
        %get3A_289 = arith.constant 0 : index
        %get3A_290 = tpu.vector_load %arg8[%get3A_288, %get3A_289] {strides = array<i32>} : memref<128x32xf32, #tpu.memory_space<vmem>>, vector<1x16xf32>,
        %get3A_291 = vector.shape_cast %get3A_290 : vector<1x16xf32> to vector<16xf32>
        %swap3A_292 = arith.constant 0 : i32
        %swap3A_293 = arith.index_cast %add3A_287 : i32 to index
        %swap3A_294 = arith.index_cast %swap3A_292 : i32 to index
        %swap3A_295 = arith.constant 0 : index
        %swap3A_296 = tpu.vector_load %arg11[%swap3A_293, %swap3A_294, %swap3A_295] {strides = array<i32>} : memref<128x2x16xf32, #tpu.memory_space<vmem>>, vector<1x1x16xf32>,
        %swap3A_297 = vector.shape_cast %swap3A_296 : vector<1x1x16xf32> to vector<16xf32>
        %swap3A_298 = vector.shape_cast %get3A_291 : vector<16xf32> to vector<1x1x16xf32>
        tpu.vector_store %arg11[%swap3A_293, %swap3A_294, %swap3A_295], %swap3A_298 {add = true, strides = array<i32>} : memref<128x2x16xf32, #tpu.memory_space<vmem>>, vector<1x1x16xf32>,
        %get3A_299 = arith.index_cast %add3A_287 : i32 to index
        %get3A_300 = arith.constant 16 : index
        %get3A_301 = tpu.vector_load %arg8[%get3A_299, %get3A_300] {strides = array<i32>} : memref<128x32xf32, #tpu.memory_space<vmem>>, vector<1x16xf32>,
        %get3A_302 = vector.shape_cast %get3A_301 : vector<1x16xf32> to vector<16xf32>
        %swap3A_303 = arith.constant 1 : i32
        %swap3A_304 = arith.index_cast %add3A_287 : i32 to index
        %swap3A_305 = arith.index_cast %swap3A_303 : i32 to index
        %swap3A_306 = arith.constant 0 : index
        %swap3A_307 = tpu.vector_load %arg11[%swap3A_304, %swap3A_305, %swap3A_306] {strides = array<i32>} : memref<128x2x16xf32, #tpu.memory_space<vmem>>, vector<1x1x16xf32>,
        %swap3A_308 = vector.shape_cast %swap3A_307 : vector<1x1x16xf32> to vector<16xf32>
        %swap3A_309 = vector.shape_cast %get3A_302 : vector<16xf32> to vector<1x1x16xf32>
        tpu.vector_store %arg11[%swap3A_304, %swap3A_305, %swap3A_306], %swap3A_309 {add = true, strides = array<i32>} : memref<128x2x16xf32, #tpu.memory_space<vmem>>, vector<1x1x16xf32>,
        %mul3A_310 = arith.constant 8 : i32
        %mul3A_311 = arith.muli %scan3A_259, %mul3A_310 : i32
        %add3A_312 = arith.constant 2 : i32
        %add3A_313 = arith.addi %mul3A_311, %add3A_312 : i32
        %get3A_314 = arith.index_cast %add3A_313 : i32 to index
        %get3A_315 = arith.constant 0 : index
        %get3A_316 = tpu.vector_load %arg8[%get3A_314, %get3A_315] {strides = array<i32>} : memref<128x32xf32, #tpu.memory_space<vmem>>, vector<1x16xf32>,
        %get3A_317 = vector.shape_cast %get3A_316 : vector<1x16xf32> to vector<16xf32>
        %swap3A_318 = arith.constant 0 : i32
        %swap3A_319 = arith.index_cast %add3A_313 : i32 to index
        %swap3A_320 = arith.index_cast %swap3A_318 : i32 to index
        %swap3A_321 = arith.constant 0 : index
        %swap3A_322 = tpu.vector_load %arg11[%swap3A_319, %swap3A_320, %swap3A_321] {strides = array<i32>} : memref<128x2x16xf32, #tpu.memory_space<vmem>>, vector<1x1x16xf32>,
        %swap3A_323 = vector.shape_cast %swap3A_322 : vector<1x1x16xf32> to vector<16xf32>
        %swap3A_324 = vector.shape_cast %get3A_317 : vector<16xf32> to vector<1x1x16xf32>
        tpu.vector_store %arg11[%swap3A_319, %swap3A_320, %swap3A_321], %swap3A_324 {add = true, strides = array<i32>} : memref<128x2x16xf32, #tpu.memory_space<vmem>>, vector<1x1x16xf32>,
        %get3A_325 = arith.index_cast %add3A_313 : i32 to index
        %get3A_326 = arith.constant 16 : index
        %get3A_327 = tpu.vector_load %arg8[%get3A_325, %get3A_326] {strides = array<i32>} : memref<128x32xf32, #tpu.memory_space<vmem>>, vector<1x16xf32>,
        %get3A_328 = vector.shape_cast %get3A_327 : vector<1x16xf32> to vector<16xf32>
        %swap3A_329 = arith.constant 1 : i32
        %swap3A_330 = arith.index_cast %add3A_313 : i32 to index
        %swap3A_331 = arith.index_cast %swap3A_329 : i32 to index
        %swap3A_332 = arith.constant 0 : index
        %swap3A_333 = tpu.vector_load %arg11[%swap3A_330, %swap3A_331, %swap3A_332] {strides = array<i32>} : memref<128x2x16xf32, #tpu.memory_space<vmem>>, vector<1x1x16xf32>,
        %swap3A_334 = vector.shape_cast %swap3A_333 : vector<1x1x16xf32> to vector<16xf32>
        %swap3A_335 = vector.shape_cast %get3A_328 : vector<16xf32> to vector<1x1x16xf32>
        tpu.vector_store %arg11[%swap3A_330, %swap3A_331, %swap3A_332], %swap3A_335 {add = true, strides = array<i32>} : memref<128x2x16xf32, #tpu.memory_space<vmem>>, vector<1x1x16xf32>,
        %mul3A_336 = arith.constant 8 : i32
        %mul3A_337 = arith.muli %scan3A_259, %mul3A_336 : i32
        %add3A_338 = arith.constant 3 : i32
        %add3A_339 = arith.addi %mul3A_337, %add3A_338 : i32
        %get3A_340 = arith.index_cast %add3A_339 : i32 to index
        %get3A_341 = arith.constant 0 : index
        %get3A_342 = tpu.vector_load %arg8[%get3A_340, %get3A_341] {strides = array<i32>} : memref<128x32xf32, #tpu.memory_space<vmem>>, vector<1x16xf32>,
        %get3A_343 = vector.shape_cast %get3A_342 : vector<1x16xf32> to vector<16xf32>
        %swap3A_344 = arith.constant 0 : i32
        %swap3A_345 = arith.index_cast %add3A_339 : i32 to index
        %swap3A_346 = arith.index_cast %swap3A_344 : i32 to index
        %swap3A_347 = arith.constant 0 : index
        %swap3A_348 = tpu.vector_load %arg11[%swap3A_345, %swap3A_346, %swap3A_347] {strides = array<i32>} : memref<128x2x16xf32, #tpu.memory_space<vmem>>, vector<1x1x16xf32>,
        %swap3A_349 = vector.shape_cast %swap3A_348 : vector<1x1x16xf32> to vector<16xf32>
        %swap3A_350 = vector.shape_cast %get3A_343 : vector<16xf32> to vector<1x1x16xf32>
        tpu.vector_store %arg11[%swap3A_345, %swap3A_346, %swap3A_347], %swap3A_350 {add = true, strides = array<i32>} : memref<128x2x16xf32, #tpu.memory_space<vmem>>, vector<1x1x16xf32>,
        %get3A_351 = arith.index_cast %add3A_339 : i32 to index
        %get3A_352 = arith.constant 16 : index
        %get3A_353 = tpu.vector_load %arg8[%get3A_351, %get3A_352] {strides = array<i32>} : memref<128x32xf32, #tpu.memory_space<vmem>>, vector<1x16xf32>,
        %get3A_354 = vector.shape_cast %get3A_353 : vector<1x16xf32> to vector<16xf32>
        %swap3A_355 = arith.constant 1 : i32
        %swap3A_356 = arith.index_cast %add3A_339 : i32 to index
        %swap3A_357 = arith.index_cast %swap3A_355 : i32 to index
        %swap3A_358 = arith.constant 0 : index
        %swap3A_359 = tpu.vector_load %arg11[%swap3A_356, %swap3A_357, %swap3A_358] {strides = array<i32>} : memref<128x2x16xf32, #tpu.memory_space<vmem>>, vector<1x1x16xf32>,
        %swap3A_360 = vector.shape_cast %swap3A_359 : vector<1x1x16xf32> to vector<16xf32>
        %swap3A_361 = vector.shape_cast %get3A_354 : vector<16xf32> to vector<1x1x16xf32>
        tpu.vector_store %arg11[%swap3A_356, %swap3A_357, %swap3A_358], %swap3A_361 {add = true, strides = array<i32>} : memref<128x2x16xf32, #tpu.memory_space<vmem>>, vector<1x1x16xf32>,
        %mul3A_362 = arith.constant 8 : i32
        %mul3A_363 = arith.muli %scan3A_259, %mul3A_362 : i32
        %add3A_364 = arith.constant 4 : i32
        %add3A_365 = arith.addi %mul3A_363, %add3A_364 : i32
        %get3A_366 = arith.index_cast %add3A_365 : i32 to index
        %get3A_367 = arith.constant 0 : index
        %get3A_368 = tpu.vector_load %arg8[%get3A_366, %get3A_367] {strides = array<i32>} : memref<128x32xf32, #tpu.memory_space<vmem>>, vector<1x16xf32>,
        %get3A_369 = vector.shape_cast %get3A_368 : vector<1x16xf32> to vector<16xf32>
        %swap3A_370 = arith.constant 0 : i32
        %swap3A_371 = arith.index_cast %add3A_365 : i32 to index
        %swap3A_372 = arith.index_cast %swap3A_370 : i32 to index
        %swap3A_373 = arith.constant 0 : index
        %swap3A_374 = tpu.vector_load %arg11[%swap3A_371, %swap3A_372, %swap3A_373] {strides = array<i32>} : memref<128x2x16xf32, #tpu.memory_space<vmem>>, vector<1x1x16xf32>,
        %swap3A_375 = vector.shape_cast %swap3A_374 : vector<1x1x16xf32> to vector<16xf32>
        %swap3A_376 = vector.shape_cast %get3A_369 : vector<16xf32> to vector<1x1x16xf32>
        tpu.vector_store %arg11[%swap3A_371, %swap3A_372, %swap3A_373], %swap3A_376 {add = true, strides = array<i32>} : memref<128x2x16xf32, #tpu.memory_space<vmem>>, vector<1x1x16xf32>,
        %get3A_377 = arith.index_cast %add3A_365 : i32 to index
        %get3A_378 = arith.constant 16 : index
        %get3A_379 = tpu.vector_load %arg8[%get3A_377, %get3A_378] {strides = array<i32>} : memref<128x32xf32, #tpu.memory_space<vmem>>, vector<1x16xf32>,
        %get3A_380 = vector.shape_cast %get3A_379 : vector<1x16xf32> to vector<16xf32>
        %swap3A_381 = arith.constant 1 : i32
        %swap3A_382 = arith.index_cast %add3A_365 : i32 to index
        %swap3A_383 = arith.index_cast %swap3A_381 : i32 to index
        %swap3A_384 = arith.constant 0 : index
        %swap3A_385 = tpu.vector_load %arg11[%swap3A_382, %swap3A_383, %swap3A_384] {strides = array<i32>} : memref<128x2x16xf32, #tpu.memory_space<vmem>>, vector<1x1x16xf32>,
        %swap3A_386 = vector.shape_cast %swap3A_385 : vector<1x1x16xf32> to vector<16xf32>
        %swap3A_387 = vector.shape_cast %get3A_380 : vector<16xf32> to vector<1x1x16xf32>
        tpu.vector_store %arg11[%swap3A_382, %swap3A_383, %swap3A_384], %swap3A_387 {add = true, strides = array<i32>} : memref<128x2x16xf32, #tpu.memory_space<vmem>>, vector<1x1x16xf32>,
        %mul3A_388 = arith.constant 8 : i32
        %mul3A_389 = arith.muli %scan3A_259, %mul3A_388 : i32
        %add3A_390 = arith.constant 5 : i32
        %add3A_391 = arith.addi %mul3A_389, %add3A_390 : i32
        %get3A_392 = arith.index_cast %add3A_391 : i32 to index
        %get3A_393 = arith.constant 0 : index
        %get3A_394 = tpu.vector_load %arg8[%get3A_392, %get3A_393] {strides = array<i32>} : memref<128x32xf32, #tpu.memory_space<vmem>>, vector<1x16xf32>,
        %get3A_395 = vector.shape_cast %get3A_394 : vector<1x16xf32> to vector<16xf32>
        %swap3A_396 = arith.constant 0 : i32
        %swap3A_397 = arith.index_cast %add3A_391 : i32 to index
        %swap3A_398 = arith.index_cast %swap3A_396 : i32 to index
        %swap3A_399 = arith.constant 0 : index
        %swap3A_400 = tpu.vector_load %arg11[%swap3A_397, %swap3A_398, %swap3A_399] {strides = array<i32>} : memref<128x2x16xf32, #tpu.memory_space<vmem>>, vector<1x1x16xf32>,
        %swap3A_401 = vector.shape_cast %swap3A_400 : vector<1x1x16xf32> to vector<16xf32>
        %swap3A_402 = vector.shape_cast %get3A_395 : vector<16xf32> to vector<1x1x16xf32>
        tpu.vector_store %arg11[%swap3A_397, %swap3A_398, %swap3A_399], %swap3A_402 {add = true, strides = array<i32>} : memref<128x2x16xf32, #tpu.memory_space<vmem>>, vector<1x1x16xf32>,
        %get3A_403 = arith.index_cast %add3A_391 : i32 to index
        %get3A_404 = arith.constant 16 : index
        %get3A_405 = tpu.vector_load %arg8[%get3A_403, %get3A_404] {strides = array<i32>} : memref<128x32xf32, #tpu.memory_space<vmem>>, vector<1x16xf32>,
        %get3A_406 = vector.shape_cast %get3A_405 : vector<1x16xf32> to vector<16xf32>
        %swap3A_407 = arith.constant 1 : i32
        %swap3A_408 = arith.index_cast %add3A_391 : i32 to index
        %swap3A_409 = arith.index_cast %swap3A_407 : i32 to index
        %swap3A_410 = arith.constant 0 : index
        %swap3A_411 = tpu.vector_load %arg11[%swap3A_408, %swap3A_409, %swap3A_410] {strides = array<i32>} : memref<128x2x16xf32, #tpu.memory_space<vmem>>, vector<1x1x16xf32>,
        %swap3A_412 = vector.shape_cast %swap3A_411 : vector<1x1x16xf32> to vector<16xf32>
        %swap3A_413 = vector.shape_cast %get3A_406 : vector<16xf32> to vector<1x1x16xf32>
        tpu.vector_store %arg11[%swap3A_408, %swap3A_409, %swap3A_410], %swap3A_413 {add = true, strides = array<i32>} : memref<128x2x16xf32, #tpu.memory_space<vmem>>, vector<1x1x16xf32>,
        %mul3A_414 = arith.constant 8 : i32
        %mul3A_415 = arith.muli %scan3A_259, %mul3A_414 : i32
        %add3A_416 = arith.constant 6 : i32
        %add3A_417 = arith.addi %mul3A_415, %add3A_416 : i32
        %get3A_418 = arith.index_cast %add3A_417 : i32 to index
        %get3A_419 = arith.constant 0 : index
        %get3A_420 = tpu.vector_load %arg8[%get3A_418, %get3A_419] {strides = array<i32>} : memref<128x32xf32, #tpu.memory_space<vmem>>, vector<1x16xf32>,
        %get3A_421 = vector.shape_cast %get3A_420 : vector<1x16xf32> to vector<16xf32>
        %swap3A_422 = arith.constant 0 : i32
        %swap3A_423 = arith.index_cast %add3A_417 : i32 to index
        %swap3A_424 = arith.index_cast %swap3A_422 : i32 to index
        %swap3A_425 = arith.constant 0 : index
        %swap3A_426 = tpu.vector_load %arg11[%swap3A_423, %swap3A_424, %swap3A_425] {strides = array<i32>} : memref<128x2x16xf32, #tpu.memory_space<vmem>>, vector<1x1x16xf32>,
        %swap3A_427 = vector.shape_cast %swap3A_426 : vector<1x1x16xf32> to vector<16xf32>
        %swap3A_428 = vector.shape_cast %get3A_421 : vector<16xf32> to vector<1x1x16xf32>
        tpu.vector_store %arg11[%swap3A_423, %swap3A_424, %swap3A_425], %swap3A_428 {add = true, strides = array<i32>} : memref<128x2x16xf32, #tpu.memory_space<vmem>>, vector<1x1x16xf32>,
        %get3A_429 = arith.index_cast %add3A_417 : i32 to index
        %get3A_430 = arith.constant 16 : index
        %get3A_431 = tpu.vector_load %arg8[%get3A_429, %get3A_430] {strides = array<i32>} : memref<128x32xf32, #tpu.memory_space<vmem>>, vector<1x16xf32>,
        %get3A_432 = vector.shape_cast %get3A_431 : vector<1x16xf32> to vector<16xf32>
        %swap3A_433 = arith.constant 1 : i32
        %swap3A_434 = arith.index_cast %add3A_417 : i32 to index
        %swap3A_435 = arith.index_cast %swap3A_433 : i32 to index
        %swap3A_436 = arith.constant 0 : index
        %swap3A_437 = tpu.vector_load %arg11[%swap3A_434, %swap3A_435, %swap3A_436] {strides = array<i32>} : memref<128x2x16xf32, #tpu.memory_space<vmem>>, vector<1x1x16xf32>,
        %swap3A_438 = vector.shape_cast %swap3A_437 : vector<1x1x16xf32> to vector<16xf32>
        %swap3A_439 = vector.shape_cast %get3A_432 : vector<16xf32> to vector<1x1x16xf32>
        tpu.vector_store %arg11[%swap3A_434, %swap3A_435, %swap3A_436], %swap3A_439 {add = true, strides = array<i32>} : memref<128x2x16xf32, #tpu.memory_space<vmem>>, vector<1x1x16xf32>,
        %mul3A_440 = arith.constant 8 : i32
        %mul3A_441 = arith.muli %scan3A_259, %mul3A_440 : i32
        %add3A_442 = arith.constant 7 : i32
        %add3A_443 = arith.addi %mul3A_441, %add3A_442 : i32
        %get3A_444 = arith.index_cast %add3A_443 : i32 to index
        %get3A_445 = arith.constant 0 : index
        %get3A_446 = tpu.vector_load %arg8[%get3A_444, %get3A_445] {strides = array<i32>} : memref<128x32xf32, #tpu.memory_space<vmem>>, vector<1x16xf32>,
        %get3A_447 = vector.shape_cast %get3A_446 : vector<1x16xf32> to vector<16xf32>
        %swap3A_448 = arith.constant 0 : i32
        %swap3A_449 = arith.index_cast %add3A_443 : i32 to index
        %swap3A_450 = arith.index_cast %swap3A_448 : i32 to index
        %swap3A_451 = arith.constant 0 : index
        %swap3A_452 = tpu.vector_load %arg11[%swap3A_449, %swap3A_450, %swap3A_451] {strides = array<i32>} : memref<128x2x16xf32, #tpu.memory_space<vmem>>, vector<1x1x16xf32>,
        %swap3A_453 = vector.shape_cast %swap3A_452 : vector<1x1x16xf32> to vector<16xf32>
        %swap3A_454 = vector.shape_cast %get3A_447 : vector<16xf32> to vector<1x1x16xf32>
        tpu.vector_store %arg11[%swap3A_449, %swap3A_450, %swap3A_451], %swap3A_454 {add = true, strides = array<i32>} : memref<128x2x16xf32, #tpu.memory_space<vmem>>, vector<1x1x16xf32>,
        %get3A_455 = arith.index_cast %add3A_443 : i32 to index
        %get3A_456 = arith.constant 16 : index
        %get3A_457 = tpu.vector_load %arg8[%get3A_455, %get3A_456] {strides = array<i32>} : memref<128x32xf32, #tpu.memory_space<vmem>>, vector<1x16xf32>,
        %get3A_458 = vector.shape_cast %get3A_457 : vector<1x16xf32> to vector<16xf32>
        %swap3A_459 = arith.constant 1 : i32
        %swap3A_460 = arith.index_cast %add3A_443 : i32 to index
        %swap3A_461 = arith.index_cast %swap3A_459 : i32 to index
        %swap3A_462 = arith.constant 0 : index
        %swap3A_463 = tpu.vector_load %arg11[%swap3A_460, %swap3A_461, %swap3A_462] {strides = array<i32>} : memref<128x2x16xf32, #tpu.memory_space<vmem>>, vector<1x1x16xf32>,
        %swap3A_464 = vector.shape_cast %swap3A_463 : vector<1x1x16xf32> to vector<16xf32>
        %swap3A_465 = vector.shape_cast %get3A_458 : vector<16xf32> to vector<1x1x16xf32>
        tpu.vector_store %arg11[%swap3A_460, %swap3A_461, %swap3A_462], %swap3A_465 {add = true, strides = array<i32>} : memref<128x2x16xf32, #tpu.memory_space<vmem>>, vector<1x1x16xf32>,
      }
      %scan3A_206 = arith.constant 16 : i32
      %mul3A_207 = arith.constant 5 : i32
      %mul3A_208 = arith.muli %mul3A_207, %scan3A_132 : i32
      %add3A_209 = arith.constant 3 : i32
      %add3A_210 = arith.addi %mul3A_208, %add3A_209 : i32
      %dma_wait3A_211 = arith.constant 0 : i32
      %dma_wait3A_212 = arith.constant 0 : i32
      %dma_wait3A_213 = tpu.memref_slice %arg5[%dma_wait3A_211, %dma_wait3A_212] : memref<50x128xi32, #tpu.memory_space<vmem>> -> memref<1x128xi32, #tpu.memory_space<vmem>>
      %dma_wait3A_214 = tpu.memref_squeeze %dma_wait3A_213 : memref<1x128xi32, #tpu.memory_space<vmem>> -> memref<128xi32, #tpu.memory_space<vmem>>
      %dma_wait3A_215 = arith.constant 0 : i32
      %dma_wait3A_216 = arith.constant 0 : i32
      %dma_wait3A_217 = tpu.memref_slice %arg2[%dma_wait3A_215, %dma_wait3A_216] : memref<49152x32xf32, #tpu.memory_space<hbm>> -> memref<49152x32xf32, #tpu.memory_space<hbm>>
      tpu.wait_indirect_dma semaphore(%arg15 : memref<!tpu.dma_semaphore, #tpu.memory_space<semaphore_mem>>) src(%dma_wait3A_217 : memref<49152x32xf32, #tpu.memory_space<hbm>>) dst(%arg9 : memref<128x32xf32, #tpu.memory_space<vmem>>)
      %add3A_218 = arith.constant 5 : i32
      %add3A_219 = arith.addi %add3A_210, %add3A_218 : i32
      %sub3A_220 = arith.constant 1 : i32
      %sub3A_221 = arith.subi %add3A_219, %sub3A_220 : i32
      %lt3A_222 = arith.constant 50 : i32
      %lt3A_223 = arith.cmpi slt, %sub3A_221, %lt3A_222 : i32
      %convert_element_type3A_224 = arith.extui %lt3A_223 : i1 to i32
      %cond3A_225 = arith.constant 0 : i32
      %cond3A_226 = arith.cmpi ne, %convert_element_type3A_224, %cond3A_225 : i32
      scf.if %cond3A_226 {
        %add3A_259 = arith.constant 5 : i32
        %add3A_260 = arith.addi %add3A_210, %add3A_259 : i32
        %sub3A_261 = arith.constant 1 : i32
        %sub3A_262 = arith.subi %add3A_260, %sub3A_261 : i32
        %dma_start3A_263 = arith.constant 0 : i32
        %dma_start3A_264 = tpu.memref_slice %arg5[%sub3A_262, %dma_start3A_263] : memref<50x128xi32, #tpu.memory_space<vmem>> -> memref<1x128xi32, #tpu.memory_space<vmem>>
        %dma_start3A_265 = tpu.memref_squeeze %dma_start3A_264 : memref<1x128xi32, #tpu.memory_space<vmem>> -> memref<128xi32, #tpu.memory_space<vmem>>
        %dma_start3A_266 = arith.constant 0 : i32
        %dma_start3A_267 = arith.constant 0 : i32
        %dma_start3A_268 = tpu.memref_slice %arg2[%dma_start3A_266, %dma_start3A_267] : memref<49152x32xf32, #tpu.memory_space<hbm>> -> memref<49152x32xf32, #tpu.memory_space<hbm>>
        tpu.enqueue_indirect_dma source(%dma_start3A_268 : memref<49152x32xf32, #tpu.memory_space<hbm>>) target(%arg8 : memref<128x32xf32, #tpu.memory_space<vmem>>) offsets(%dma_start3A_265 : memref<128xi32, #tpu.memory_space<vmem>>) semaphore(%arg14 : memref<!tpu.dma_semaphore, #tpu.memory_space<semaphore_mem>>)
      } else {
      }
      %scan3A_227 = arith.constant 0 : i32
      %scan3A_228 = arith.constant 0 : i32
      %scan3A_229 = arith.constant 16 : i32
      %scan3A_230 = arith.addi %scan3A_228, %scan3A_229 : i32
      %scan3A_231 = arith.constant 1 : i32
      scf.for %scan3A_259 = %scan3A_228 to %scan3A_230 step %scan3A_231  : i32 {
        %mul3A_260 = arith.constant 8 : i32
        %mul3A_261 = arith.muli %scan3A_259, %mul3A_260 : i32
        %add3A_262 = arith.constant 0 : i32
        %add3A_263 = arith.addi %mul3A_261, %add3A_262 : i32
        %get3A = arith.index_cast %add3A_263 : i32 to index
        %get3A_264 = arith.constant 0 : index
        %get3A_265 = tpu.vector_load %arg9[%get3A, %get3A_264] {strides = array<i32>} : memref<128x32xf32, #tpu.memory_space<vmem>>, vector<1x16xf32>,
        %get3A_266 = vector.shape_cast %get3A_265 : vector<1x16xf32> to vector<16xf32>
        %swap3A = arith.constant 0 : i32
        %swap3A_267 = arith.index_cast %add3A_263 : i32 to index
        %swap3A_268 = arith.index_cast %swap3A : i32 to index
        %swap3A_269 = arith.constant 0 : index
        %swap3A_270 = tpu.vector_load %arg11[%swap3A_267, %swap3A_268, %swap3A_269] {strides = array<i32>} : memref<128x2x16xf32, #tpu.memory_space<vmem>>, vector<1x1x16xf32>,
        %swap3A_271 = vector.shape_cast %swap3A_270 : vector<1x1x16xf32> to vector<16xf32>
        %swap3A_272 = vector.shape_cast %get3A_266 : vector<16xf32> to vector<1x1x16xf32>
        tpu.vector_store %arg11[%swap3A_267, %swap3A_268, %swap3A_269], %swap3A_272 {add = true, strides = array<i32>} : memref<128x2x16xf32, #tpu.memory_space<vmem>>, vector<1x1x16xf32>,
        %get3A_273 = arith.index_cast %add3A_263 : i32 to index
        %get3A_274 = arith.constant 16 : index
        %get3A_275 = tpu.vector_load %arg9[%get3A_273, %get3A_274] {strides = array<i32>} : memref<128x32xf32, #tpu.memory_space<vmem>>, vector<1x16xf32>,
        %get3A_276 = vector.shape_cast %get3A_275 : vector<1x16xf32> to vector<16xf32>
        %swap3A_277 = arith.constant 1 : i32
        %swap3A_278 = arith.index_cast %add3A_263 : i32 to index
        %swap3A_279 = arith.index_cast %swap3A_277 : i32 to index
        %swap3A_280 = arith.constant 0 : index
        %swap3A_281 = tpu.vector_load %arg11[%swap3A_278, %swap3A_279, %swap3A_280] {strides = array<i32>} : memref<128x2x16xf32, #tpu.memory_space<vmem>>, vector<1x1x16xf32>,
        %swap3A_282 = vector.shape_cast %swap3A_281 : vector<1x1x16xf32> to vector<16xf32>
        %swap3A_283 = vector.shape_cast %get3A_276 : vector<16xf32> to vector<1x1x16xf32>
        tpu.vector_store %arg11[%swap3A_278, %swap3A_279, %swap3A_280], %swap3A_283 {add = true, strides = array<i32>} : memref<128x2x16xf32, #tpu.memory_space<vmem>>, vector<1x1x16xf32>,
        %mul3A_284 = arith.constant 8 : i32
        %mul3A_285 = arith.muli %scan3A_259, %mul3A_284 : i32
        %add3A_286 = arith.constant 1 : i32
        %add3A_287 = arith.addi %mul3A_285, %add3A_286 : i32
        %get3A_288 = arith.index_cast %add3A_287 : i32 to index
        %get3A_289 = arith.constant 0 : index
        %get3A_290 = tpu.vector_load %arg9[%get3A_288, %get3A_289] {strides = array<i32>} : memref<128x32xf32, #tpu.memory_space<vmem>>, vector<1x16xf32>,
        %get3A_291 = vector.shape_cast %get3A_290 : vector<1x16xf32> to vector<16xf32>
        %swap3A_292 = arith.constant 0 : i32
        %swap3A_293 = arith.index_cast %add3A_287 : i32 to index
        %swap3A_294 = arith.index_cast %swap3A_292 : i32 to index
        %swap3A_295 = arith.constant 0 : index
        %swap3A_296 = tpu.vector_load %arg11[%swap3A_293, %swap3A_294, %swap3A_295] {strides = array<i32>} : memref<128x2x16xf32, #tpu.memory_space<vmem>>, vector<1x1x16xf32>,
        %swap3A_297 = vector.shape_cast %swap3A_296 : vector<1x1x16xf32> to vector<16xf32>
        %swap3A_298 = vector.shape_cast %get3A_291 : vector<16xf32> to vector<1x1x16xf32>
        tpu.vector_store %arg11[%swap3A_293, %swap3A_294, %swap3A_295], %swap3A_298 {add = true, strides = array<i32>} : memref<128x2x16xf32, #tpu.memory_space<vmem>>, vector<1x1x16xf32>,
        %get3A_299 = arith.index_cast %add3A_287 : i32 to index
        %get3A_300 = arith.constant 16 : index
        %get3A_301 = tpu.vector_load %arg9[%get3A_299, %get3A_300] {strides = array<i32>} : memref<128x32xf32, #tpu.memory_space<vmem>>, vector<1x16xf32>,
        %get3A_302 = vector.shape_cast %get3A_301 : vector<1x16xf32> to vector<16xf32>
        %swap3A_303 = arith.constant 1 : i32
        %swap3A_304 = arith.index_cast %add3A_287 : i32 to index
        %swap3A_305 = arith.index_cast %swap3A_303 : i32 to index
        %swap3A_306 = arith.constant 0 : index
        %swap3A_307 = tpu.vector_load %arg11[%swap3A_304, %swap3A_305, %swap3A_306] {strides = array<i32>} : memref<128x2x16xf32, #tpu.memory_space<vmem>>, vector<1x1x16xf32>,
        %swap3A_308 = vector.shape_cast %swap3A_307 : vector<1x1x16xf32> to vector<16xf32>
        %swap3A_309 = vector.shape_cast %get3A_302 : vector<16xf32> to vector<1x1x16xf32>
        tpu.vector_store %arg11[%swap3A_304, %swap3A_305, %swap3A_306], %swap3A_309 {add = true, strides = array<i32>} : memref<128x2x16xf32, #tpu.memory_space<vmem>>, vector<1x1x16xf32>,
        %mul3A_310 = arith.constant 8 : i32
        %mul3A_311 = arith.muli %scan3A_259, %mul3A_310 : i32
        %add3A_312 = arith.constant 2 : i32
        %add3A_313 = arith.addi %mul3A_311, %add3A_312 : i32
        %get3A_314 = arith.index_cast %add3A_313 : i32 to index
        %get3A_315 = arith.constant 0 : index
        %get3A_316 = tpu.vector_load %arg9[%get3A_314, %get3A_315] {strides = array<i32>} : memref<128x32xf32, #tpu.memory_space<vmem>>, vector<1x16xf32>,
        %get3A_317 = vector.shape_cast %get3A_316 : vector<1x16xf32> to vector<16xf32>
        %swap3A_318 = arith.constant 0 : i32
        %swap3A_319 = arith.index_cast %add3A_313 : i32 to index
        %swap3A_320 = arith.index_cast %swap3A_318 : i32 to index
        %swap3A_321 = arith.constant 0 : index
        %swap3A_322 = tpu.vector_load %arg11[%swap3A_319, %swap3A_320, %swap3A_321] {strides = array<i32>} : memref<128x2x16xf32, #tpu.memory_space<vmem>>, vector<1x1x16xf32>,
        %swap3A_323 = vector.shape_cast %swap3A_322 : vector<1x1x16xf32> to vector<16xf32>
        %swap3A_324 = vector.shape_cast %get3A_317 : vector<16xf32> to vector<1x1x16xf32>
        tpu.vector_store %arg11[%swap3A_319, %swap3A_320, %swap3A_321], %swap3A_324 {add = true, strides = array<i32>} : memref<128x2x16xf32, #tpu.memory_space<vmem>>, vector<1x1x16xf32>,
        %get3A_325 = arith.index_cast %add3A_313 : i32 to index
        %get3A_326 = arith.constant 16 : index
        %get3A_327 = tpu.vector_load %arg9[%get3A_325, %get3A_326] {strides = array<i32>} : memref<128x32xf32, #tpu.memory_space<vmem>>, vector<1x16xf32>,
        %get3A_328 = vector.shape_cast %get3A_327 : vector<1x16xf32> to vector<16xf32>
        %swap3A_329 = arith.constant 1 : i32
        %swap3A_330 = arith.index_cast %add3A_313 : i32 to index
        %swap3A_331 = arith.index_cast %swap3A_329 : i32 to index
        %swap3A_332 = arith.constant 0 : index
        %swap3A_333 = tpu.vector_load %arg11[%swap3A_330, %swap3A_331, %swap3A_332] {strides = array<i32>} : memref<128x2x16xf32, #tpu.memory_space<vmem>>, vector<1x1x16xf32>,
        %swap3A_334 = vector.shape_cast %swap3A_333 : vector<1x1x16xf32> to vector<16xf32>
        %swap3A_335 = vector.shape_cast %get3A_328 : vector<16xf32> to vector<1x1x16xf32>
        tpu.vector_store %arg11[%swap3A_330, %swap3A_331, %swap3A_332], %swap3A_335 {add = true, strides = array<i32>} : memref<128x2x16xf32, #tpu.memory_space<vmem>>, vector<1x1x16xf32>,
        %mul3A_336 = arith.constant 8 : i32
        %mul3A_337 = arith.muli %scan3A_259, %mul3A_336 : i32
        %add3A_338 = arith.constant 3 : i32
        %add3A_339 = arith.addi %mul3A_337, %add3A_338 : i32
        %get3A_340 = arith.index_cast %add3A_339 : i32 to index
        %get3A_341 = arith.constant 0 : index
        %get3A_342 = tpu.vector_load %arg9[%get3A_340, %get3A_341] {strides = array<i32>} : memref<128x32xf32, #tpu.memory_space<vmem>>, vector<1x16xf32>,
        %get3A_343 = vector.shape_cast %get3A_342 : vector<1x16xf32> to vector<16xf32>
        %swap3A_344 = arith.constant 0 : i32
        %swap3A_345 = arith.index_cast %add3A_339 : i32 to index
        %swap3A_346 = arith.index_cast %swap3A_344 : i32 to index
        %swap3A_347 = arith.constant 0 : index
        %swap3A_348 = tpu.vector_load %arg11[%swap3A_345, %swap3A_346, %swap3A_347] {strides = array<i32>} : memref<128x2x16xf32, #tpu.memory_space<vmem>>, vector<1x1x16xf32>,
        %swap3A_349 = vector.shape_cast %swap3A_348 : vector<1x1x16xf32> to vector<16xf32>
        %swap3A_350 = vector.shape_cast %get3A_343 : vector<16xf32> to vector<1x1x16xf32>
        tpu.vector_store %arg11[%swap3A_345, %swap3A_346, %swap3A_347], %swap3A_350 {add = true, strides = array<i32>} : memref<128x2x16xf32, #tpu.memory_space<vmem>>, vector<1x1x16xf32>,
        %get3A_351 = arith.index_cast %add3A_339 : i32 to index
        %get3A_352 = arith.constant 16 : index
        %get3A_353 = tpu.vector_load %arg9[%get3A_351, %get3A_352] {strides = array<i32>} : memref<128x32xf32, #tpu.memory_space<vmem>>, vector<1x16xf32>,
        %get3A_354 = vector.shape_cast %get3A_353 : vector<1x16xf32> to vector<16xf32>
        %swap3A_355 = arith.constant 1 : i32
        %swap3A_356 = arith.index_cast %add3A_339 : i32 to index
        %swap3A_357 = arith.index_cast %swap3A_355 : i32 to index
        %swap3A_358 = arith.constant 0 : index
        %swap3A_359 = tpu.vector_load %arg11[%swap3A_356, %swap3A_357, %swap3A_358] {strides = array<i32>} : memref<128x2x16xf32, #tpu.memory_space<vmem>>, vector<1x1x16xf32>,
        %swap3A_360 = vector.shape_cast %swap3A_359 : vector<1x1x16xf32> to vector<16xf32>
        %swap3A_361 = vector.shape_cast %get3A_354 : vector<16xf32> to vector<1x1x16xf32>
        tpu.vector_store %arg11[%swap3A_356, %swap3A_357, %swap3A_358], %swap3A_361 {add = true, strides = array<i32>} : memref<128x2x16xf32, #tpu.memory_space<vmem>>, vector<1x1x16xf32>,
        %mul3A_362 = arith.constant 8 : i32
        %mul3A_363 = arith.muli %scan3A_259, %mul3A_362 : i32
        %add3A_364 = arith.constant 4 : i32
        %add3A_365 = arith.addi %mul3A_363, %add3A_364 : i32
        %get3A_366 = arith.index_cast %add3A_365 : i32 to index
        %get3A_367 = arith.constant 0 : index
        %get3A_368 = tpu.vector_load %arg9[%get3A_366, %get3A_367] {strides = array<i32>} : memref<128x32xf32, #tpu.memory_space<vmem>>, vector<1x16xf32>,
        %get3A_369 = vector.shape_cast %get3A_368 : vector<1x16xf32> to vector<16xf32>
        %swap3A_370 = arith.constant 0 : i32
        %swap3A_371 = arith.index_cast %add3A_365 : i32 to index
        %swap3A_372 = arith.index_cast %swap3A_370 : i32 to index
        %swap3A_373 = arith.constant 0 : index
        %swap3A_374 = tpu.vector_load %arg11[%swap3A_371, %swap3A_372, %swap3A_373] {strides = array<i32>} : memref<128x2x16xf32, #tpu.memory_space<vmem>>, vector<1x1x16xf32>,
        %swap3A_375 = vector.shape_cast %swap3A_374 : vector<1x1x16xf32> to vector<16xf32>
        %swap3A_376 = vector.shape_cast %get3A_369 : vector<16xf32> to vector<1x1x16xf32>
        tpu.vector_store %arg11[%swap3A_371, %swap3A_372, %swap3A_373], %swap3A_376 {add = true, strides = array<i32>} : memref<128x2x16xf32, #tpu.memory_space<vmem>>, vector<1x1x16xf32>,
        %get3A_377 = arith.index_cast %add3A_365 : i32 to index
        %get3A_378 = arith.constant 16 : index
        %get3A_379 = tpu.vector_load %arg9[%get3A_377, %get3A_378] {strides = array<i32>} : memref<128x32xf32, #tpu.memory_space<vmem>>, vector<1x16xf32>,
        %get3A_380 = vector.shape_cast %get3A_379 : vector<1x16xf32> to vector<16xf32>
        %swap3A_381 = arith.constant 1 : i32
        %swap3A_382 = arith.index_cast %add3A_365 : i32 to index
        %swap3A_383 = arith.index_cast %swap3A_381 : i32 to index
        %swap3A_384 = arith.constant 0 : index
        %swap3A_385 = tpu.vector_load %arg11[%swap3A_382, %swap3A_383, %swap3A_384] {strides = array<i32>} : memref<128x2x16xf32, #tpu.memory_space<vmem>>, vector<1x1x16xf32>,
        %swap3A_386 = vector.shape_cast %swap3A_385 : vector<1x1x16xf32> to vector<16xf32>
        %swap3A_387 = vector.shape_cast %get3A_380 : vector<16xf32> to vector<1x1x16xf32>
        tpu.vector_store %arg11[%swap3A_382, %swap3A_383, %swap3A_384], %swap3A_387 {add = true, strides = array<i32>} : memref<128x2x16xf32, #tpu.memory_space<vmem>>, vector<1x1x16xf32>,
        %mul3A_388 = arith.constant 8 : i32
        %mul3A_389 = arith.muli %scan3A_259, %mul3A_388 : i32
        %add3A_390 = arith.constant 5 : i32
        %add3A_391 = arith.addi %mul3A_389, %add3A_390 : i32
        %get3A_392 = arith.index_cast %add3A_391 : i32 to index
        %get3A_393 = arith.constant 0 : index
        %get3A_394 = tpu.vector_load %arg9[%get3A_392, %get3A_393] {strides = array<i32>} : memref<128x32xf32, #tpu.memory_space<vmem>>, vector<1x16xf32>,
        %get3A_395 = vector.shape_cast %get3A_394 : vector<1x16xf32> to vector<16xf32>
        %swap3A_396 = arith.constant 0 : i32
        %swap3A_397 = arith.index_cast %add3A_391 : i32 to index
        %swap3A_398 = arith.index_cast %swap3A_396 : i32 to index
        %swap3A_399 = arith.constant 0 : index
        %swap3A_400 = tpu.vector_load %arg11[%swap3A_397, %swap3A_398, %swap3A_399] {strides = array<i32>} : memref<128x2x16xf32, #tpu.memory_space<vmem>>, vector<1x1x16xf32>,
        %swap3A_401 = vector.shape_cast %swap3A_400 : vector<1x1x16xf32> to vector<16xf32>
        %swap3A_402 = vector.shape_cast %get3A_395 : vector<16xf32> to vector<1x1x16xf32>
        tpu.vector_store %arg11[%swap3A_397, %swap3A_398, %swap3A_399], %swap3A_402 {add = true, strides = array<i32>} : memref<128x2x16xf32, #tpu.memory_space<vmem>>, vector<1x1x16xf32>,
        %get3A_403 = arith.index_cast %add3A_391 : i32 to index
        %get3A_404 = arith.constant 16 : index
        %get3A_405 = tpu.vector_load %arg9[%get3A_403, %get3A_404] {strides = array<i32>} : memref<128x32xf32, #tpu.memory_space<vmem>>, vector<1x16xf32>,
        %get3A_406 = vector.shape_cast %get3A_405 : vector<1x16xf32> to vector<16xf32>
        %swap3A_407 = arith.constant 1 : i32
        %swap3A_408 = arith.index_cast %add3A_391 : i32 to index
        %swap3A_409 = arith.index_cast %swap3A_407 : i32 to index
        %swap3A_410 = arith.constant 0 : index
        %swap3A_411 = tpu.vector_load %arg11[%swap3A_408, %swap3A_409, %swap3A_410] {strides = array<i32>} : memref<128x2x16xf32, #tpu.memory_space<vmem>>, vector<1x1x16xf32>,
        %swap3A_412 = vector.shape_cast %swap3A_411 : vector<1x1x16xf32> to vector<16xf32>
        %swap3A_413 = vector.shape_cast %get3A_406 : vector<16xf32> to vector<1x1x16xf32>
        tpu.vector_store %arg11[%swap3A_408, %swap3A_409, %swap3A_410], %swap3A_413 {add = true, strides = array<i32>} : memref<128x2x16xf32, #tpu.memory_space<vmem>>, vector<1x1x16xf32>,
        %mul3A_414 = arith.constant 8 : i32
        %mul3A_415 = arith.muli %scan3A_259, %mul3A_414 : i32
        %add3A_416 = arith.constant 6 : i32
        %add3A_417 = arith.addi %mul3A_415, %add3A_416 : i32
        %get3A_418 = arith.index_cast %add3A_417 : i32 to index
        %get3A_419 = arith.constant 0 : index
        %get3A_420 = tpu.vector_load %arg9[%get3A_418, %get3A_419] {strides = array<i32>} : memref<128x32xf32, #tpu.memory_space<vmem>>, vector<1x16xf32>,
        %get3A_421 = vector.shape_cast %get3A_420 : vector<1x16xf32> to vector<16xf32>
        %swap3A_422 = arith.constant 0 : i32
        %swap3A_423 = arith.index_cast %add3A_417 : i32 to index
        %swap3A_424 = arith.index_cast %swap3A_422 : i32 to index
        %swap3A_425 = arith.constant 0 : index
        %swap3A_426 = tpu.vector_load %arg11[%swap3A_423, %swap3A_424, %swap3A_425] {strides = array<i32>} : memref<128x2x16xf32, #tpu.memory_space<vmem>>, vector<1x1x16xf32>,
        %swap3A_427 = vector.shape_cast %swap3A_426 : vector<1x1x16xf32> to vector<16xf32>
        %swap3A_428 = vector.shape_cast %get3A_421 : vector<16xf32> to vector<1x1x16xf32>
        tpu.vector_store %arg11[%swap3A_423, %swap3A_424, %swap3A_425], %swap3A_428 {add = true, strides = array<i32>} : memref<128x2x16xf32, #tpu.memory_space<vmem>>, vector<1x1x16xf32>,
        %get3A_429 = arith.index_cast %add3A_417 : i32 to index
        %get3A_430 = arith.constant 16 : index
        %get3A_431 = tpu.vector_load %arg9[%get3A_429, %get3A_430] {strides = array<i32>} : memref<128x32xf32, #tpu.memory_space<vmem>>, vector<1x16xf32>,
        %get3A_432 = vector.shape_cast %get3A_431 : vector<1x16xf32> to vector<16xf32>
        %swap3A_433 = arith.constant 1 : i32
        %swap3A_434 = arith.index_cast %add3A_417 : i32 to index
        %swap3A_435 = arith.index_cast %swap3A_433 : i32 to index
        %swap3A_436 = arith.constant 0 : index
        %swap3A_437 = tpu.vector_load %arg11[%swap3A_434, %swap3A_435, %swap3A_436] {strides = array<i32>} : memref<128x2x16xf32, #tpu.memory_space<vmem>>, vector<1x1x16xf32>,
        %swap3A_438 = vector.shape_cast %swap3A_437 : vector<1x1x16xf32> to vector<16xf32>
        %swap3A_439 = vector.shape_cast %get3A_432 : vector<16xf32> to vector<1x1x16xf32>
        tpu.vector_store %arg11[%swap3A_434, %swap3A_435, %swap3A_436], %swap3A_439 {add = true, strides = array<i32>} : memref<128x2x16xf32, #tpu.memory_space<vmem>>, vector<1x1x16xf32>,
        %mul3A_440 = arith.constant 8 : i32
        %mul3A_441 = arith.muli %scan3A_259, %mul3A_440 : i32
        %add3A_442 = arith.constant 7 : i32
        %add3A_443 = arith.addi %mul3A_441, %add3A_442 : i32
        %get3A_444 = arith.index_cast %add3A_443 : i32 to index
        %get3A_445 = arith.constant 0 : index
        %get3A_446 = tpu.vector_load %arg9[%get3A_444, %get3A_445] {strides = array<i32>} : memref<128x32xf32, #tpu.memory_space<vmem>>, vector<1x16xf32>,
        %get3A_447 = vector.shape_cast %get3A_446 : vector<1x16xf32> to vector<16xf32>
        %swap3A_448 = arith.constant 0 : i32
        %swap3A_449 = arith.index_cast %add3A_443 : i32 to index
        %swap3A_450 = arith.index_cast %swap3A_448 : i32 to index
        %swap3A_451 = arith.constant 0 : index
        %swap3A_452 = tpu.vector_load %arg11[%swap3A_449, %swap3A_450, %swap3A_451] {strides = array<i32>} : memref<128x2x16xf32, #tpu.memory_space<vmem>>, vector<1x1x16xf32>,
        %swap3A_453 = vector.shape_cast %swap3A_452 : vector<1x1x16xf32> to vector<16xf32>
        %swap3A_454 = vector.shape_cast %get3A_447 : vector<16xf32> to vector<1x1x16xf32>
        tpu.vector_store %arg11[%swap3A_449, %swap3A_450, %swap3A_451], %swap3A_454 {add = true, strides = array<i32>} : memref<128x2x16xf32, #tpu.memory_space<vmem>>, vector<1x1x16xf32>,
        %get3A_455 = arith.index_cast %add3A_443 : i32 to index
        %get3A_456 = arith.constant 16 : index
        %get3A_457 = tpu.vector_load %arg9[%get3A_455, %get3A_456] {strides = array<i32>} : memref<128x32xf32, #tpu.memory_space<vmem>>, vector<1x16xf32>,
        %get3A_458 = vector.shape_cast %get3A_457 : vector<1x16xf32> to vector<16xf32>
        %swap3A_459 = arith.constant 1 : i32
        %swap3A_460 = arith.index_cast %add3A_443 : i32 to index
        %swap3A_461 = arith.index_cast %swap3A_459 : i32 to index
        %swap3A_462 = arith.constant 0 : index
        %swap3A_463 = tpu.vector_load %arg11[%swap3A_460, %swap3A_461, %swap3A_462] {strides = array<i32>} : memref<128x2x16xf32, #tpu.memory_space<vmem>>, vector<1x1x16xf32>,
        %swap3A_464 = vector.shape_cast %swap3A_463 : vector<1x1x16xf32> to vector<16xf32>
        %swap3A_465 = vector.shape_cast %get3A_458 : vector<16xf32> to vector<1x1x16xf32>
        tpu.vector_store %arg11[%swap3A_460, %swap3A_461, %swap3A_462], %swap3A_465 {add = true, strides = array<i32>} : memref<128x2x16xf32, #tpu.memory_space<vmem>>, vector<1x1x16xf32>,
      }
      %scan3A_232 = arith.constant 16 : i32
      %mul3A_233 = arith.constant 5 : i32
      %mul3A_234 = arith.muli %mul3A_233, %scan3A_132 : i32
      %add3A_235 = arith.constant 4 : i32
      %add3A_236 = arith.addi %mul3A_234, %add3A_235 : i32
      %dma_wait3A_237 = arith.constant 0 : i32
      %dma_wait3A_238 = arith.constant 0 : i32
      %dma_wait3A_239 = tpu.memref_slice %arg5[%dma_wait3A_237, %dma_wait3A_238] : memref<50x128xi32, #tpu.memory_space<vmem>> -> memref<1x128xi32, #tpu.memory_space<vmem>>
      %dma_wait3A_240 = tpu.memref_squeeze %dma_wait3A_239 : memref<1x128xi32, #tpu.memory_space<vmem>> -> memref<128xi32, #tpu.memory_space<vmem>>
      %dma_wait3A_241 = arith.constant 0 : i32
      %dma_wait3A_242 = arith.constant 0 : i32
      %dma_wait3A_243 = tpu.memref_slice %arg2[%dma_wait3A_241, %dma_wait3A_242] : memref<49152x32xf32, #tpu.memory_space<hbm>> -> memref<49152x32xf32, #tpu.memory_space<hbm>>
      tpu.wait_indirect_dma semaphore(%arg16 : memref<!tpu.dma_semaphore, #tpu.memory_space<semaphore_mem>>) src(%dma_wait3A_243 : memref<49152x32xf32, #tpu.memory_space<hbm>>) dst(%arg10 : memref<128x32xf32, #tpu.memory_space<vmem>>)
      %add3A_244 = arith.constant 5 : i32
      %add3A_245 = arith.addi %add3A_236, %add3A_244 : i32
      %sub3A_246 = arith.constant 1 : i32
      %sub3A_247 = arith.subi %add3A_245, %sub3A_246 : i32
      %lt3A_248 = arith.constant 50 : i32
      %lt3A_249 = arith.cmpi slt, %sub3A_247, %lt3A_248 : i32
      %convert_element_type3A_250 = arith.extui %lt3A_249 : i1 to i32
      %cond3A_251 = arith.constant 0 : i32
      %cond3A_252 = arith.cmpi ne, %convert_element_type3A_250, %cond3A_251 : i32
      scf.if %cond3A_252 {
        %add3A_259 = arith.constant 5 : i32
        %add3A_260 = arith.addi %add3A_236, %add3A_259 : i32
        %sub3A_261 = arith.constant 1 : i32
        %sub3A_262 = arith.subi %add3A_260, %sub3A_261 : i32
        %dma_start3A_263 = arith.constant 0 : i32
        %dma_start3A_264 = tpu.memref_slice %arg5[%sub3A_262, %dma_start3A_263] : memref<50x128xi32, #tpu.memory_space<vmem>> -> memref<1x128xi32, #tpu.memory_space<vmem>>
        %dma_start3A_265 = tpu.memref_squeeze %dma_start3A_264 : memref<1x128xi32, #tpu.memory_space<vmem>> -> memref<128xi32, #tpu.memory_space<vmem>>
        %dma_start3A_266 = arith.constant 0 : i32
        %dma_start3A_267 = arith.constant 0 : i32
        %dma_start3A_268 = tpu.memref_slice %arg2[%dma_start3A_266, %dma_start3A_267] : memref<49152x32xf32, #tpu.memory_space<hbm>> -> memref<49152x32xf32, #tpu.memory_space<hbm>>
        tpu.enqueue_indirect_dma source(%dma_start3A_268 : memref<49152x32xf32, #tpu.memory_space<hbm>>) target(%arg9 : memref<128x32xf32, #tpu.memory_space<vmem>>) offsets(%dma_start3A_265 : memref<128xi32, #tpu.memory_space<vmem>>) semaphore(%arg15 : memref<!tpu.dma_semaphore, #tpu.memory_space<semaphore_mem>>)
      } else {
      }
      %scan3A_253 = arith.constant 0 : i32
      %scan3A_254 = arith.constant 0 : i32
      %scan3A_255 = arith.constant 16 : i32
      %scan3A_256 = arith.addi %scan3A_254, %scan3A_255 : i32
      %scan3A_257 = arith.constant 1 : i32
      scf.for %scan3A_259 = %scan3A_254 to %scan3A_256 step %scan3A_257  : i32 {
        %mul3A_260 = arith.constant 8 : i32
        %mul3A_261 = arith.muli %scan3A_259, %mul3A_260 : i32
        %add3A_262 = arith.constant 0 : i32
        %add3A_263 = arith.addi %mul3A_261, %add3A_262 : i32
        %get3A = arith.index_cast %add3A_263 : i32 to index
        %get3A_264 = arith.constant 0 : index
        %get3A_265 = tpu.vector_load %arg10[%get3A, %get3A_264] {strides = array<i32>} : memref<128x32xf32, #tpu.memory_space<vmem>>, vector<1x16xf32>,
        %get3A_266 = vector.shape_cast %get3A_265 : vector<1x16xf32> to vector<16xf32>
        %swap3A = arith.constant 0 : i32
        %swap3A_267 = arith.index_cast %add3A_263 : i32 to index
        %swap3A_268 = arith.index_cast %swap3A : i32 to index
        %swap3A_269 = arith.constant 0 : index
        %swap3A_270 = tpu.vector_load %arg11[%swap3A_267, %swap3A_268, %swap3A_269] {strides = array<i32>} : memref<128x2x16xf32, #tpu.memory_space<vmem>>, vector<1x1x16xf32>,
        %swap3A_271 = vector.shape_cast %swap3A_270 : vector<1x1x16xf32> to vector<16xf32>
        %swap3A_272 = vector.shape_cast %get3A_266 : vector<16xf32> to vector<1x1x16xf32>
        tpu.vector_store %arg11[%swap3A_267, %swap3A_268, %swap3A_269], %swap3A_272 {add = true, strides = array<i32>} : memref<128x2x16xf32, #tpu.memory_space<vmem>>, vector<1x1x16xf32>,
        %get3A_273 = arith.index_cast %add3A_263 : i32 to index
        %get3A_274 = arith.constant 16 : index
        %get3A_275 = tpu.vector_load %arg10[%get3A_273, %get3A_274] {strides = array<i32>} : memref<128x32xf32, #tpu.memory_space<vmem>>, vector<1x16xf32>,
        %get3A_276 = vector.shape_cast %get3A_275 : vector<1x16xf32> to vector<16xf32>
        %swap3A_277 = arith.constant 1 : i32
        %swap3A_278 = arith.index_cast %add3A_263 : i32 to index
        %swap3A_279 = arith.index_cast %swap3A_277 : i32 to index
        %swap3A_280 = arith.constant 0 : index
        %swap3A_281 = tpu.vector_load %arg11[%swap3A_278, %swap3A_279, %swap3A_280] {strides = array<i32>} : memref<128x2x16xf32, #tpu.memory_space<vmem>>, vector<1x1x16xf32>,
        %swap3A_282 = vector.shape_cast %swap3A_281 : vector<1x1x16xf32> to vector<16xf32>
        %swap3A_283 = vector.shape_cast %get3A_276 : vector<16xf32> to vector<1x1x16xf32>
        tpu.vector_store %arg11[%swap3A_278, %swap3A_279, %swap3A_280], %swap3A_283 {add = true, strides = array<i32>} : memref<128x2x16xf32, #tpu.memory_space<vmem>>, vector<1x1x16xf32>,
        %mul3A_284 = arith.constant 8 : i32
        %mul3A_285 = arith.muli %scan3A_259, %mul3A_284 : i32
        %add3A_286 = arith.constant 1 : i32
        %add3A_287 = arith.addi %mul3A_285, %add3A_286 : i32
        %get3A_288 = arith.index_cast %add3A_287 : i32 to index
        %get3A_289 = arith.constant 0 : index
        %get3A_290 = tpu.vector_load %arg10[%get3A_288, %get3A_289] {strides = array<i32>} : memref<128x32xf32, #tpu.memory_space<vmem>>, vector<1x16xf32>,
        %get3A_291 = vector.shape_cast %get3A_290 : vector<1x16xf32> to vector<16xf32>
        %swap3A_292 = arith.constant 0 : i32
        %swap3A_293 = arith.index_cast %add3A_287 : i32 to index
        %swap3A_294 = arith.index_cast %swap3A_292 : i32 to index
        %swap3A_295 = arith.constant 0 : index
        %swap3A_296 = tpu.vector_load %arg11[%swap3A_293, %swap3A_294, %swap3A_295] {strides = array<i32>} : memref<128x2x16xf32, #tpu.memory_space<vmem>>, vector<1x1x16xf32>,
        %swap3A_297 = vector.shape_cast %swap3A_296 : vector<1x1x16xf32> to vector<16xf32>
        %swap3A_298 = vector.shape_cast %get3A_291 : vector<16xf32> to vector<1x1x16xf32>
        tpu.vector_store %arg11[%swap3A_293, %swap3A_294, %swap3A_295], %swap3A_298 {add = true, strides = array<i32>} : memref<128x2x16xf32, #tpu.memory_space<vmem>>, vector<1x1x16xf32>,
        %get3A_299 = arith.index_cast %add3A_287 : i32 to index
        %get3A_300 = arith.constant 16 : index
        %get3A_301 = tpu.vector_load %arg10[%get3A_299, %get3A_300] {strides = array<i32>} : memref<128x32xf32, #tpu.memory_space<vmem>>, vector<1x16xf32>,
        %get3A_302 = vector.shape_cast %get3A_301 : vector<1x16xf32> to vector<16xf32>
        %swap3A_303 = arith.constant 1 : i32
        %swap3A_304 = arith.index_cast %add3A_287 : i32 to index
        %swap3A_305 = arith.index_cast %swap3A_303 : i32 to index
        %swap3A_306 = arith.constant 0 : index
        %swap3A_307 = tpu.vector_load %arg11[%swap3A_304, %swap3A_305, %swap3A_306] {strides = array<i32>} : memref<128x2x16xf32, #tpu.memory_space<vmem>>, vector<1x1x16xf32>,
        %swap3A_308 = vector.shape_cast %swap3A_307 : vector<1x1x16xf32> to vector<16xf32>
        %swap3A_309 = vector.shape_cast %get3A_302 : vector<16xf32> to vector<1x1x16xf32>
        tpu.vector_store %arg11[%swap3A_304, %swap3A_305, %swap3A_306], %swap3A_309 {add = true, strides = array<i32>} : memref<128x2x16xf32, #tpu.memory_space<vmem>>, vector<1x1x16xf32>,
        %mul3A_310 = arith.constant 8 : i32
        %mul3A_311 = arith.muli %scan3A_259, %mul3A_310 : i32
        %add3A_312 = arith.constant 2 : i32
        %add3A_313 = arith.addi %mul3A_311, %add3A_312 : i32
        %get3A_314 = arith.index_cast %add3A_313 : i32 to index
        %get3A_315 = arith.constant 0 : index
        %get3A_316 = tpu.vector_load %arg10[%get3A_314, %get3A_315] {strides = array<i32>} : memref<128x32xf32, #tpu.memory_space<vmem>>, vector<1x16xf32>,
        %get3A_317 = vector.shape_cast %get3A_316 : vector<1x16xf32> to vector<16xf32>
        %swap3A_318 = arith.constant 0 : i32
        %swap3A_319 = arith.index_cast %add3A_313 : i32 to index
        %swap3A_320 = arith.index_cast %swap3A_318 : i32 to index
        %swap3A_321 = arith.constant 0 : index
        %swap3A_322 = tpu.vector_load %arg11[%swap3A_319, %swap3A_320, %swap3A_321] {strides = array<i32>} : memref<128x2x16xf32, #tpu.memory_space<vmem>>, vector<1x1x16xf32>,
        %swap3A_323 = vector.shape_cast %swap3A_322 : vector<1x1x16xf32> to vector<16xf32>
        %swap3A_324 = vector.shape_cast %get3A_317 : vector<16xf32> to vector<1x1x16xf32>
        tpu.vector_store %arg11[%swap3A_319, %swap3A_320, %swap3A_321], %swap3A_324 {add = true, strides = array<i32>} : memref<128x2x16xf32, #tpu.memory_space<vmem>>, vector<1x1x16xf32>,
        %get3A_325 = arith.index_cast %add3A_313 : i32 to index
        %get3A_326 = arith.constant 16 : index
        %get3A_327 = tpu.vector_load %arg10[%get3A_325, %get3A_326] {strides = array<i32>} : memref<128x32xf32, #tpu.memory_space<vmem>>, vector<1x16xf32>,
        %get3A_328 = vector.shape_cast %get3A_327 : vector<1x16xf32> to vector<16xf32>
        %swap3A_329 = arith.constant 1 : i32
        %swap3A_330 = arith.index_cast %add3A_313 : i32 to index
        %swap3A_331 = arith.index_cast %swap3A_329 : i32 to index
        %swap3A_332 = arith.constant 0 : index
        %swap3A_333 = tpu.vector_load %arg11[%swap3A_330, %swap3A_331, %swap3A_332] {strides = array<i32>} : memref<128x2x16xf32, #tpu.memory_space<vmem>>, vector<1x1x16xf32>,
        %swap3A_334 = vector.shape_cast %swap3A_333 : vector<1x1x16xf32> to vector<16xf32>
        %swap3A_335 = vector.shape_cast %get3A_328 : vector<16xf32> to vector<1x1x16xf32>
        tpu.vector_store %arg11[%swap3A_330, %swap3A_331, %swap3A_332], %swap3A_335 {add = true, strides = array<i32>} : memref<128x2x16xf32, #tpu.memory_space<vmem>>, vector<1x1x16xf32>,
        %mul3A_336 = arith.constant 8 : i32
        %mul3A_337 = arith.muli %scan3A_259, %mul3A_336 : i32
        %add3A_338 = arith.constant 3 : i32
        %add3A_339 = arith.addi %mul3A_337, %add3A_338 : i32
        %get3A_340 = arith.index_cast %add3A_339 : i32 to index
        %get3A_341 = arith.constant 0 : index
        %get3A_342 = tpu.vector_load %arg10[%get3A_340, %get3A_341] {strides = array<i32>} : memref<128x32xf32, #tpu.memory_space<vmem>>, vector<1x16xf32>,
        %get3A_343 = vector.shape_cast %get3A_342 : vector<1x16xf32> to vector<16xf32>
        %swap3A_344 = arith.constant 0 : i32
        %swap3A_345 = arith.index_cast %add3A_339 : i32 to index
        %swap3A_346 = arith.index_cast %swap3A_344 : i32 to index
        %swap3A_347 = arith.constant 0 : index
        %swap3A_348 = tpu.vector_load %arg11[%swap3A_345, %swap3A_346, %swap3A_347] {strides = array<i32>} : memref<128x2x16xf32, #tpu.memory_space<vmem>>, vector<1x1x16xf32>,
        %swap3A_349 = vector.shape_cast %swap3A_348 : vector<1x1x16xf32> to vector<16xf32>
        %swap3A_350 = vector.shape_cast %get3A_343 : vector<16xf32> to vector<1x1x16xf32>
        tpu.vector_store %arg11[%swap3A_345, %swap3A_346, %swap3A_347], %swap3A_350 {add = true, strides = array<i32>} : memref<128x2x16xf32, #tpu.memory_space<vmem>>, vector<1x1x16xf32>,
        %get3A_351 = arith.index_cast %add3A_339 : i32 to index
        %get3A_352 = arith.constant 16 : index
        %get3A_353 = tpu.vector_load %arg10[%get3A_351, %get3A_352] {strides = array<i32>} : memref<128x32xf32, #tpu.memory_space<vmem>>, vector<1x16xf32>,
        %get3A_354 = vector.shape_cast %get3A_353 : vector<1x16xf32> to vector<16xf32>
        %swap3A_355 = arith.constant 1 : i32
        %swap3A_356 = arith.index_cast %add3A_339 : i32 to index
        %swap3A_357 = arith.index_cast %swap3A_355 : i32 to index
        %swap3A_358 = arith.constant 0 : index
        %swap3A_359 = tpu.vector_load %arg11[%swap3A_356, %swap3A_357, %swap3A_358] {strides = array<i32>} : memref<128x2x16xf32, #tpu.memory_space<vmem>>, vector<1x1x16xf32>,
        %swap3A_360 = vector.shape_cast %swap3A_359 : vector<1x1x16xf32> to vector<16xf32>
        %swap3A_361 = vector.shape_cast %get3A_354 : vector<16xf32> to vector<1x1x16xf32>
        tpu.vector_store %arg11[%swap3A_356, %swap3A_357, %swap3A_358], %swap3A_361 {add = true, strides = array<i32>} : memref<128x2x16xf32, #tpu.memory_space<vmem>>, vector<1x1x16xf32>,
        %mul3A_362 = arith.constant 8 : i32
        %mul3A_363 = arith.muli %scan3A_259, %mul3A_362 : i32
        %add3A_364 = arith.constant 4 : i32
        %add3A_365 = arith.addi %mul3A_363, %add3A_364 : i32
        %get3A_366 = arith.index_cast %add3A_365 : i32 to index
        %get3A_367 = arith.constant 0 : index
        %get3A_368 = tpu.vector_load %arg10[%get3A_366, %get3A_367] {strides = array<i32>} : memref<128x32xf32, #tpu.memory_space<vmem>>, vector<1x16xf32>,
        %get3A_369 = vector.shape_cast %get3A_368 : vector<1x16xf32> to vector<16xf32>
        %swap3A_370 = arith.constant 0 : i32
        %swap3A_371 = arith.index_cast %add3A_365 : i32 to index
        %swap3A_372 = arith.index_cast %swap3A_370 : i32 to index
        %swap3A_373 = arith.constant 0 : index
        %swap3A_374 = tpu.vector_load %arg11[%swap3A_371, %swap3A_372, %swap3A_373] {strides = array<i32>} : memref<128x2x16xf32, #tpu.memory_space<vmem>>, vector<1x1x16xf32>,
        %swap3A_375 = vector.shape_cast %swap3A_374 : vector<1x1x16xf32> to vector<16xf32>
        %swap3A_376 = vector.shape_cast %get3A_369 : vector<16xf32> to vector<1x1x16xf32>
        tpu.vector_store %arg11[%swap3A_371, %swap3A_372, %swap3A_373], %swap3A_376 {add = true, strides = array<i32>} : memref<128x2x16xf32, #tpu.memory_space<vmem>>, vector<1x1x16xf32>,
        %get3A_377 = arith.index_cast %add3A_365 : i32 to index
        %get3A_378 = arith.constant 16 : index
        %get3A_379 = tpu.vector_load %arg10[%get3A_377, %get3A_378] {strides = array<i32>} : memref<128x32xf32, #tpu.memory_space<vmem>>, vector<1x16xf32>,
        %get3A_380 = vector.shape_cast %get3A_379 : vector<1x16xf32> to vector<16xf32>
        %swap3A_381 = arith.constant 1 : i32
        %swap3A_382 = arith.index_cast %add3A_365 : i32 to index
        %swap3A_383 = arith.index_cast %swap3A_381 : i32 to index
        %swap3A_384 = arith.constant 0 : index
        %swap3A_385 = tpu.vector_load %arg11[%swap3A_382, %swap3A_383, %swap3A_384] {strides = array<i32>} : memref<128x2x16xf32, #tpu.memory_space<vmem>>, vector<1x1x16xf32>,
        %swap3A_386 = vector.shape_cast %swap3A_385 : vector<1x1x16xf32> to vector<16xf32>
        %swap3A_387 = vector.shape_cast %get3A_380 : vector<16xf32> to vector<1x1x16xf32>
        tpu.vector_store %arg11[%swap3A_382, %swap3A_383, %swap3A_384], %swap3A_387 {add = true, strides = array<i32>} : memref<128x2x16xf32, #tpu.memory_space<vmem>>, vector<1x1x16xf32>,
        %mul3A_388 = arith.constant 8 : i32
        %mul3A_389 = arith.muli %scan3A_259, %mul3A_388 : i32
        %add3A_390 = arith.constant 5 : i32
        %add3A_391 = arith.addi %mul3A_389, %add3A_390 : i32
        %get3A_392 = arith.index_cast %add3A_391 : i32 to index
        %get3A_393 = arith.constant 0 : index
        %get3A_394 = tpu.vector_load %arg10[%get3A_392, %get3A_393] {strides = array<i32>} : memref<128x32xf32, #tpu.memory_space<vmem>>, vector<1x16xf32>,
        %get3A_395 = vector.shape_cast %get3A_394 : vector<1x16xf32> to vector<16xf32>
        %swap3A_396 = arith.constant 0 : i32
        %swap3A_397 = arith.index_cast %add3A_391 : i32 to index
        %swap3A_398 = arith.index_cast %swap3A_396 : i32 to index
        %swap3A_399 = arith.constant 0 : index
        %swap3A_400 = tpu.vector_load %arg11[%swap3A_397, %swap3A_398, %swap3A_399] {strides = array<i32>} : memref<128x2x16xf32, #tpu.memory_space<vmem>>, vector<1x1x16xf32>,
        %swap3A_401 = vector.shape_cast %swap3A_400 : vector<1x1x16xf32> to vector<16xf32>
        %swap3A_402 = vector.shape_cast %get3A_395 : vector<16xf32> to vector<1x1x16xf32>
        tpu.vector_store %arg11[%swap3A_397, %swap3A_398, %swap3A_399], %swap3A_402 {add = true, strides = array<i32>} : memref<128x2x16xf32, #tpu.memory_space<vmem>>, vector<1x1x16xf32>,
        %get3A_403 = arith.index_cast %add3A_391 : i32 to index
        %get3A_404 = arith.constant 16 : index
        %get3A_405 = tpu.vector_load %arg10[%get3A_403, %get3A_404] {strides = array<i32>} : memref<128x32xf32, #tpu.memory_space<vmem>>, vector<1x16xf32>,
        %get3A_406 = vector.shape_cast %get3A_405 : vector<1x16xf32> to vector<16xf32>
        %swap3A_407 = arith.constant 1 : i32
        %swap3A_408 = arith.index_cast %add3A_391 : i32 to index
        %swap3A_409 = arith.index_cast %swap3A_407 : i32 to index
        %swap3A_410 = arith.constant 0 : index
        %swap3A_411 = tpu.vector_load %arg11[%swap3A_408, %swap3A_409, %swap3A_410] {strides = array<i32>} : memref<128x2x16xf32, #tpu.memory_space<vmem>>, vector<1x1x16xf32>,
        %swap3A_412 = vector.shape_cast %swap3A_411 : vector<1x1x16xf32> to vector<16xf32>
        %swap3A_413 = vector.shape_cast %get3A_406 : vector<16xf32> to vector<1x1x16xf32>
        tpu.vector_store %arg11[%swap3A_408, %swap3A_409, %swap3A_410], %swap3A_413 {add = true, strides = array<i32>} : memref<128x2x16xf32, #tpu.memory_space<vmem>>, vector<1x1x16xf32>,
        %mul3A_414 = arith.constant 8 : i32
        %mul3A_415 = arith.muli %scan3A_259, %mul3A_414 : i32
        %add3A_416 = arith.constant 6 : i32
        %add3A_417 = arith.addi %mul3A_415, %add3A_416 : i32
        %get3A_418 = arith.index_cast %add3A_417 : i32 to index
        %get3A_419 = arith.constant 0 : index
        %get3A_420 = tpu.vector_load %arg10[%get3A_418, %get3A_419] {strides = array<i32>} : memref<128x32xf32, #tpu.memory_space<vmem>>, vector<1x16xf32>,
        %get3A_421 = vector.shape_cast %get3A_420 : vector<1x16xf32> to vector<16xf32>
        %swap3A_422 = arith.constant 0 : i32
        %swap3A_423 = arith.index_cast %add3A_417 : i32 to index
        %swap3A_424 = arith.index_cast %swap3A_422 : i32 to index
        %swap3A_425 = arith.constant 0 : index
        %swap3A_426 = tpu.vector_load %arg11[%swap3A_423, %swap3A_424, %swap3A_425] {strides = array<i32>} : memref<128x2x16xf32, #tpu.memory_space<vmem>>, vector<1x1x16xf32>,
        %swap3A_427 = vector.shape_cast %swap3A_426 : vector<1x1x16xf32> to vector<16xf32>
        %swap3A_428 = vector.shape_cast %get3A_421 : vector<16xf32> to vector<1x1x16xf32>
        tpu.vector_store %arg11[%swap3A_423, %swap3A_424, %swap3A_425], %swap3A_428 {add = true, strides = array<i32>} : memref<128x2x16xf32, #tpu.memory_space<vmem>>, vector<1x1x16xf32>,
        %get3A_429 = arith.index_cast %add3A_417 : i32 to index
        %get3A_430 = arith.constant 16 : index
        %get3A_431 = tpu.vector_load %arg10[%get3A_429, %get3A_430] {strides = array<i32>} : memref<128x32xf32, #tpu.memory_space<vmem>>, vector<1x16xf32>,
        %get3A_432 = vector.shape_cast %get3A_431 : vector<1x16xf32> to vector<16xf32>
        %swap3A_433 = arith.constant 1 : i32
        %swap3A_434 = arith.index_cast %add3A_417 : i32 to index
        %swap3A_435 = arith.index_cast %swap3A_433 : i32 to index
        %swap3A_436 = arith.constant 0 : index
        %swap3A_437 = tpu.vector_load %arg11[%swap3A_434, %swap3A_435, %swap3A_436] {strides = array<i32>} : memref<128x2x16xf32, #tpu.memory_space<vmem>>, vector<1x1x16xf32>,
        %swap3A_438 = vector.shape_cast %swap3A_437 : vector<1x1x16xf32> to vector<16xf32>
        %swap3A_439 = vector.shape_cast %get3A_432 : vector<16xf32> to vector<1x1x16xf32>
        tpu.vector_store %arg11[%swap3A_434, %swap3A_435, %swap3A_436], %swap3A_439 {add = true, strides = array<i32>} : memref<128x2x16xf32, #tpu.memory_space<vmem>>, vector<1x1x16xf32>,
        %mul3A_440 = arith.constant 8 : i32
        %mul3A_441 = arith.muli %scan3A_259, %mul3A_440 : i32
        %add3A_442 = arith.constant 7 : i32
        %add3A_443 = arith.addi %mul3A_441, %add3A_442 : i32
        %get3A_444 = arith.index_cast %add3A_443 : i32 to index
        %get3A_445 = arith.constant 0 : index
        %get3A_446 = tpu.vector_load %arg10[%get3A_444, %get3A_445] {strides = array<i32>} : memref<128x32xf32, #tpu.memory_space<vmem>>, vector<1x16xf32>,
        %get3A_447 = vector.shape_cast %get3A_446 : vector<1x16xf32> to vector<16xf32>
        %swap3A_448 = arith.constant 0 : i32
        %swap3A_449 = arith.index_cast %add3A_443 : i32 to index
        %swap3A_450 = arith.index_cast %swap3A_448 : i32 to index
        %swap3A_451 = arith.constant 0 : index
        %swap3A_452 = tpu.vector_load %arg11[%swap3A_449, %swap3A_450, %swap3A_451] {strides = array<i32>} : memref<128x2x16xf32, #tpu.memory_space<vmem>>, vector<1x1x16xf32>,
        %swap3A_453 = vector.shape_cast %swap3A_452 : vector<1x1x16xf32> to vector<16xf32>
        %swap3A_454 = vector.shape_cast %get3A_447 : vector<16xf32> to vector<1x1x16xf32>
        tpu.vector_store %arg11[%swap3A_449, %swap3A_450, %swap3A_451], %swap3A_454 {add = true, strides = array<i32>} : memref<128x2x16xf32, #tpu.memory_space<vmem>>, vector<1x1x16xf32>,
        %get3A_455 = arith.index_cast %add3A_443 : i32 to index
        %get3A_456 = arith.constant 16 : index
        %get3A_457 = tpu.vector_load %arg10[%get3A_455, %get3A_456] {strides = array<i32>} : memref<128x32xf32, #tpu.memory_space<vmem>>, vector<1x16xf32>,
        %get3A_458 = vector.shape_cast %get3A_457 : vector<1x16xf32> to vector<16xf32>
        %swap3A_459 = arith.constant 1 : i32
        %swap3A_460 = arith.index_cast %add3A_443 : i32 to index
        %swap3A_461 = arith.index_cast %swap3A_459 : i32 to index
        %swap3A_462 = arith.constant 0 : index
        %swap3A_463 = tpu.vector_load %arg11[%swap3A_460, %swap3A_461, %swap3A_462] {strides = array<i32>} : memref<128x2x16xf32, #tpu.memory_space<vmem>>, vector<1x1x16xf32>,
        %swap3A_464 = vector.shape_cast %swap3A_463 : vector<1x1x16xf32> to vector<16xf32>
        %swap3A_465 = vector.shape_cast %get3A_458 : vector<16xf32> to vector<1x1x16xf32>
        tpu.vector_store %arg11[%swap3A_460, %swap3A_461, %swap3A_462], %swap3A_465 {add = true, strides = array<i32>} : memref<128x2x16xf32, #tpu.memory_space<vmem>>, vector<1x1x16xf32>,
      }
      %scan3A_258 = arith.constant 16 : i32
    }
    %scan3A_131 = arith.constant 9 : i32
    "tpu.region"() ({
      %run_scoped3A = tpu.sem_alloc : memref<!tpu.dma_semaphore, #tpu.memory_space<semaphore_mem>>
      %dma_start3A_132 = arith.constant 0 : i32
      %dma_start3A_133 = arith.constant 0 : i32
      %dma_start3A_134 = arith.constant 0 : i32
      %dma_start3A_135 = tpu.memref_slice %arg4[%add3A, %dma_start3A_132, %dma_start3A_133, %dma_start3A_134] : memref<32x128x2x16xf32, #tpu.memory_space<hbm>> -> memref<1x128x2x16xf32, #tpu.memory_space<hbm>>
      %dma_start3A_136 = tpu.memref_squeeze %dma_start3A_135 : memref<1x128x2x16xf32, #tpu.memory_space<hbm>> -> memref<128x2x16xf32, #tpu.memory_space<hbm>>
      %dma_start3A_137 = arith.constant 0 : i32
      %dma_start3A_138 = arith.constant 0 : i32
      %dma_start3A_139 = arith.constant 0 : i32
      %dma_start3A_140 = tpu.memref_slice %arg4[%add3A, %dma_start3A_137, %dma_start3A_138, %dma_start3A_139] : memref<32x128x2x16xf32, #tpu.memory_space<hbm>> -> memref<1x128x2x16xf32, #tpu.memory_space<hbm>>
      %dma_start3A_141 = tpu.memref_squeeze %dma_start3A_140 : memref<1x128x2x16xf32, #tpu.memory_space<hbm>> -> memref<128x2x16xf32, #tpu.memory_space<hbm>>
      tpu.enqueue_dma source(%arg11 : memref<128x2x16xf32, #tpu.memory_space<vmem>>) target(%dma_start3A_141 : memref<128x2x16xf32, #tpu.memory_space<hbm>>) target_semaphore(%run_scoped3A : memref<!tpu.dma_semaphore, #tpu.memory_space<semaphore_mem>>)
      %dma_wait3A_142 = arith.constant 0 : i32
      %dma_wait3A_143 = arith.constant 0 : i32
      %dma_wait3A_144 = arith.constant 0 : i32
      %dma_wait3A_145 = tpu.memref_slice %arg4[%add3A, %dma_wait3A_142, %dma_wait3A_143, %dma_wait3A_144] : memref<32x128x2x16xf32, #tpu.memory_space<hbm>> -> memref<1x128x2x16xf32, #tpu.memory_space<hbm>>
      %dma_wait3A_146 = tpu.memref_squeeze %dma_wait3A_145 : memref<1x128x2x16xf32, #tpu.memory_space<hbm>> -> memref<128x2x16xf32, #tpu.memory_space<hbm>>
      %dma_wait3A_147 = arith.constant 0 : i32
      %dma_wait3A_148 = arith.constant 0 : i32
      %dma_wait3A_149 = arith.constant 0 : i32
      %dma_wait3A_150 = tpu.memref_slice %arg4[%add3A, %dma_wait3A_147, %dma_wait3A_148, %dma_wait3A_149] : memref<32x128x2x16xf32, #tpu.memory_space<hbm>> -> memref<1x128x2x16xf32, #tpu.memory_space<hbm>>
      %dma_wait3A_151 = tpu.memref_squeeze %dma_wait3A_150 : memref<1x128x2x16xf32, #tpu.memory_space<hbm>> -> memref<128x2x16xf32, #tpu.memory_space<hbm>>
      tpu.wait_dma2 semaphore(%run_scoped3A : memref<!tpu.dma_semaphore, #tpu.memory_space<semaphore_mem>>) src(%arg11 : memref<128x2x16xf32, #tpu.memory_space<vmem>>) dst(%dma_wait3A_151 : memref<128x2x16xf32, #tpu.memory_space<hbm>>)
      tpu.yield
    }) : () -> ()
    return
  }
}

module attributes {stable_mosaic.version = 14 : i64} {
  func.func @_proj_body(%arg0: i32, %arg1: memref<2048x256xf32, #tpu.memory_space<vmem>>, %arg2: memref<2048x256xf32, #tpu.memory_space<vmem>>, %arg3: memref<2048x256xf32, #tpu.memory_space<vmem>>, %arg4: memref<2048x256xf32, #tpu.memory_space<vmem>>, %arg5: memref<4x256x128xf32, #tpu.memory_space<vmem>>, %arg6: memref<2048x128xf32, #tpu.memory_space<vmem>>) attributes {dimension_semantics = [#tpu.dimension_semantics<arbitrary>], iteration_bounds = array<i64: 6>, scalar_prefetch = 0 : i64, scratch_operands = 0 : i64, tpu.core_type = #tpu.core_type<tc>, window_params = [{transform_indices = @transform_0, window_bounds = array<i64: 2048, 256>}, {transform_indices = @transform_1, window_bounds = array<i64: 2048, 256>}, {transform_indices = @transform_2, window_bounds = array<i64: 2048, 256>}, {transform_indices = @transform_3, window_bounds = array<i64: 2048, 256>}, {pipeline_mode = #tpu.pipeline_mode<synchronous>, transform_indices = @transform_4, window_bounds = array<i64: 4, 256, 128>}, {transform_indices = @transform_5, window_bounds = array<i64: 2048, 128>}]} {
    %get3A = arith.constant 0 : index
    %get3A_0 = arith.constant 0 : index
    %get3A_1 = vector.load %arg1[%get3A, %get3A_0] : memref<2048x256xf32, #tpu.memory_space<vmem>>, vector<2048x256xf32>
    %get3A_2 = arith.constant 0 : index
    %get3A_3 = arith.constant 0 : index
    %get3A_4 = arith.constant 0 : index
    %get3A_5 = vector.load %arg5[%get3A_2, %get3A_3, %get3A_4] : memref<4x256x128xf32, #tpu.memory_space<vmem>>, vector<1x256x128xf32>
    %get3A_6 = vector.shape_cast %get3A_5 : vector<1x256x128xf32> to vector<256x128xf32>
    %dot_general3A = arith.constant dense<0.000000e+00> : vector<2048x128xf32>
    %dot_general3A_7 = tpu.matmul %get3A_1, %get3A_6, %dot_general3A {dimension_numbers = #tpu.dot_dimension_numbers<[1], [0], [0], [1], [0, 0, 1, 1], [], []>, transpose_lhs_hint = false} : vector<2048x256xf32>, vector<256x128xf32>, vector<2048x128xf32> -> vector<2048x128xf32>
    %get3A_8 = arith.constant 0 : index
    %get3A_9 = arith.constant 0 : index
    %get3A_10 = vector.load %arg2[%get3A_8, %get3A_9] : memref<2048x256xf32, #tpu.memory_space<vmem>>, vector<2048x256xf32>
    %get3A_11 = arith.constant 1 : index
    %get3A_12 = arith.constant 0 : index
    %get3A_13 = arith.constant 0 : index
    %get3A_14 = vector.load %arg5[%get3A_11, %get3A_12, %get3A_13] : memref<4x256x128xf32, #tpu.memory_space<vmem>>, vector<1x256x128xf32>
    %get3A_15 = vector.shape_cast %get3A_14 : vector<1x256x128xf32> to vector<256x128xf32>
    %dot_general3A_16 = arith.constant dense<0.000000e+00> : vector<2048x128xf32>
    %dot_general3A_17 = tpu.matmul %get3A_10, %get3A_15, %dot_general3A_16 {dimension_numbers = #tpu.dot_dimension_numbers<[1], [0], [0], [1], [0, 0, 1, 1], [], []>, transpose_lhs_hint = false} : vector<2048x256xf32>, vector<256x128xf32>, vector<2048x128xf32> -> vector<2048x128xf32>
    %add3A = arith.addf %dot_general3A_7, %dot_general3A_17 : vector<2048x128xf32>
    %get3A_18 = arith.constant 0 : index
    %get3A_19 = arith.constant 0 : index
    %get3A_20 = vector.load %arg3[%get3A_18, %get3A_19] : memref<2048x256xf32, #tpu.memory_space<vmem>>, vector<2048x256xf32>
    %get3A_21 = arith.constant 2 : index
    %get3A_22 = arith.constant 0 : index
    %get3A_23 = arith.constant 0 : index
    %get3A_24 = vector.load %arg5[%get3A_21, %get3A_22, %get3A_23] : memref<4x256x128xf32, #tpu.memory_space<vmem>>, vector<1x256x128xf32>
    %get3A_25 = vector.shape_cast %get3A_24 : vector<1x256x128xf32> to vector<256x128xf32>
    %dot_general3A_26 = arith.constant dense<0.000000e+00> : vector<2048x128xf32>
    %dot_general3A_27 = tpu.matmul %get3A_20, %get3A_25, %dot_general3A_26 {dimension_numbers = #tpu.dot_dimension_numbers<[1], [0], [0], [1], [0, 0, 1, 1], [], []>, transpose_lhs_hint = false} : vector<2048x256xf32>, vector<256x128xf32>, vector<2048x128xf32> -> vector<2048x128xf32>
    %add3A_28 = arith.addf %add3A, %dot_general3A_27 : vector<2048x128xf32>
    %get3A_29 = arith.constant 0 : index
    %get3A_30 = arith.constant 0 : index
    %get3A_31 = vector.load %arg4[%get3A_29, %get3A_30] : memref<2048x256xf32, #tpu.memory_space<vmem>>, vector<2048x256xf32>
    %get3A_32 = arith.constant 3 : index
    %get3A_33 = arith.constant 0 : index
    %get3A_34 = arith.constant 0 : index
    %get3A_35 = vector.load %arg5[%get3A_32, %get3A_33, %get3A_34] : memref<4x256x128xf32, #tpu.memory_space<vmem>>, vector<1x256x128xf32>
    %get3A_36 = vector.shape_cast %get3A_35 : vector<1x256x128xf32> to vector<256x128xf32>
    %dot_general3A_37 = arith.constant dense<0.000000e+00> : vector<2048x128xf32>
    %dot_general3A_38 = tpu.matmul %get3A_31, %get3A_36, %dot_general3A_37 {dimension_numbers = #tpu.dot_dimension_numbers<[1], [0], [0], [1], [0, 0, 1, 1], [], []>, transpose_lhs_hint = false} : vector<2048x256xf32>, vector<256x128xf32>, vector<2048x128xf32> -> vector<2048x128xf32>
    %add3A_39 = arith.addf %add3A_28, %dot_general3A_38 : vector<2048x128xf32>
    %swap3A = arith.constant 0 : index
    %swap3A_40 = arith.constant 0 : index
    %swap3A_41 = vector.load %arg6[%swap3A, %swap3A_40] : memref<2048x128xf32, #tpu.memory_space<vmem>>, vector<2048x128xf32>
    tpu.vector_store %arg6[%swap3A, %swap3A_40], %add3A_39 {strides = array<i32>} : memref<2048x128xf32, #tpu.memory_space<vmem>>, vector<2048x128xf32>,
    return
  }
  func.func @transform_0(%arg0: i32) -> (i32, i32) {
    %c0_i32 = arith.constant 0 : i32
    %c0_i32_0 = arith.constant 0 : i32
    return %arg0, %c0_i32 : i32, i32
  }
  func.func @transform_1(%arg0: i32) -> (i32, i32) {
    %add3A = arith.constant 6 : i32
    %add3A_0 = arith.addi %arg0, %add3A : i32
    %c0_i32 = arith.constant 0 : i32
    %c0_i32_1 = arith.constant 0 : i32
    return %add3A_0, %c0_i32 : i32, i32
  }
  func.func @transform_2(%arg0: i32) -> (i32, i32) {
    %add3A = arith.constant 12 : i32
    %add3A_0 = arith.addi %arg0, %add3A : i32
    %c0_i32 = arith.constant 0 : i32
    %c0_i32_1 = arith.constant 0 : i32
    return %add3A_0, %c0_i32 : i32, i32
  }
  func.func @transform_3(%arg0: i32) -> (i32, i32) {
    %add3A = arith.constant 18 : i32
    %add3A_0 = arith.addi %arg0, %add3A : i32
    %c0_i32 = arith.constant 0 : i32
    %c0_i32_1 = arith.constant 0 : i32
    return %add3A_0, %c0_i32 : i32, i32
  }
  func.func @transform_4(%arg0: i32) -> (i32, i32, i32) {
    %c0_i32 = arith.constant 0 : i32
    %c0_i32_0 = arith.constant 0 : i32
    %c0_i32_1 = arith.constant 0 : i32
    %c0_i32_2 = arith.constant 0 : i32
    return %c0_i32, %c0_i32_0, %c0_i32_1 : i32, i32, i32
  }
  func.func @transform_5(%arg0: i32) -> (i32, i32) {
    %c0_i32 = arith.constant 0 : i32
    %c0_i32_0 = arith.constant 0 : i32
    return %arg0, %c0_i32 : i32, i32
  }
}

module attributes {stable_mosaic.version = 14 : i64} {
  func.func @_mlp_body(%arg0: memref<4096x32xf32, #tpu.memory_space<vmem>>, %arg1: memref<1x32xf32, #tpu.memory_space<vmem>>, %arg2: memref<32x32xf32, #tpu.memory_space<vmem>>, %arg3: memref<1x32xf32, #tpu.memory_space<vmem>>, %arg4: memref<32x1xf32, #tpu.memory_space<vmem>>, %arg5: memref<1x1xf32, #tpu.memory_space<vmem>>, %arg6: memref<4096x1xf32, #tpu.memory_space<vmem>>) attributes {dimension_semantics = [], scalar_prefetch = 0 : i64, scratch_operands = 0 : i64, tpu.core_type = #tpu.core_type<tc>} {
    %get3A = arith.constant 0 : index
    %get3A_0 = arith.constant 0 : index
    %get3A_1 = vector.load %arg0[%get3A, %get3A_0] : memref<4096x32xf32, #tpu.memory_space<vmem>>, vector<4096x32xf32>
    %get3A_2 = arith.constant 0 : index
    %get3A_3 = arith.constant 0 : index
    %get3A_4 = vector.load %arg1[%get3A_2, %get3A_3] : memref<1x32xf32, #tpu.memory_space<vmem>>, vector<1x32xf32>
    %add3A = vector.broadcast %get3A_4 : vector<1x32xf32> to vector<4096x32xf32>
    %add3A_5 = arith.addf %get3A_1, %add3A : vector<4096x32xf32>
    %max3A = arith.constant 0.000000e+00 : f32
    %max3A_6 = vector.broadcast %max3A : f32 to vector<4096x32xf32>
    %max3A_7 = arith.maximumf %add3A_5, %max3A_6 : vector<4096x32xf32>
    %get3A_8 = arith.constant 0 : index
    %get3A_9 = arith.constant 0 : index
    %get3A_10 = vector.load %arg2[%get3A_8, %get3A_9] : memref<32x32xf32, #tpu.memory_space<vmem>>, vector<32x32xf32>
    %dot_general3A = arith.constant dense<0.000000e+00> : vector<4096x32xf32>
    %dot_general3A_11 = tpu.matmul %max3A_7, %get3A_10, %dot_general3A {dimension_numbers = #tpu.dot_dimension_numbers<[1], [0], [0], [1], [0, 0, 1, 1], [], []>, transpose_lhs_hint = false} : vector<4096x32xf32>, vector<32x32xf32>, vector<4096x32xf32> -> vector<4096x32xf32>
    %get3A_12 = arith.constant 0 : index
    %get3A_13 = arith.constant 0 : index
    %get3A_14 = vector.load %arg3[%get3A_12, %get3A_13] : memref<1x32xf32, #tpu.memory_space<vmem>>, vector<1x32xf32>
    %add3A_15 = vector.broadcast %get3A_14 : vector<1x32xf32> to vector<4096x32xf32>
    %add3A_16 = arith.addf %dot_general3A_11, %add3A_15 : vector<4096x32xf32>
    %max3A_17 = arith.constant 0.000000e+00 : f32
    %max3A_18 = vector.broadcast %max3A_17 : f32 to vector<4096x32xf32>
    %max3A_19 = arith.maximumf %add3A_16, %max3A_18 : vector<4096x32xf32>
    %get3A_20 = arith.constant 0 : index
    %get3A_21 = arith.constant 0 : index
    %get3A_22 = vector.load %arg4[%get3A_20, %get3A_21] : memref<32x1xf32, #tpu.memory_space<vmem>>, vector<32x1xf32>
    %dot_general3A_23 = arith.constant dense<0.000000e+00> : vector<4096x1xf32>
    %dot_general3A_24 = tpu.matmul %max3A_19, %get3A_22, %dot_general3A_23 {dimension_numbers = #tpu.dot_dimension_numbers<[1], [0], [0], [1], [0, 0, 1, 1], [], []>, transpose_lhs_hint = false} : vector<4096x32xf32>, vector<32x1xf32>, vector<4096x1xf32> -> vector<4096x1xf32>
    %get3A_25 = arith.constant 0 : index
    %get3A_26 = arith.constant 0 : index
    %get3A_27 = vector.load %arg5[%get3A_25, %get3A_26] : memref<1x1xf32, #tpu.memory_space<vmem>>, vector<1x1xf32>
    %add3A_28 = vector.broadcast %get3A_27 : vector<1x1xf32> to vector<4096x1xf32>
    %add3A_29 = arith.addf %dot_general3A_24, %add3A_28 : vector<4096x1xf32>
    %swap3A = arith.constant 0 : index
    %swap3A_30 = arith.constant 0 : index
    %swap3A_31 = vector.load %arg6[%swap3A, %swap3A_30] : memref<4096x1xf32, #tpu.memory_space<vmem>>, vector<4096x1xf32>
    tpu.vector_store %arg6[%swap3A, %swap3A_30], %add3A_29 {strides = array<i32>} : memref<4096x1xf32, #tpu.memory_space<vmem>>, vector<4096x1xf32>,
    return
  }
}

</mosaic_0001>

<sc_bundles>
// kernel: kernel.5.cloned.1.call-start
scs
__scs_entry_jumppad:
0x0: {  	(pc) =	sbr.rel $0x88, $3  }
0x1: {  	(tag) =	ssettag $0x0;
	lr =	simm.s32 $0x1  }
0x2: {  	[smem:$0x3F99] =	sst lr;
	_ =	strace $0xD0000000  }
0x3: {  	_ = 	snop  }
0x4: {  	_ = 	snop  }
0x5: {  	_ = 	snop  }
0x6: {  	_ = 	snop  }
0x7: {  	_ = 	snop  }
__scs_overlays_trampoline_lowered:
0x8: {  	[smem:$0x3FA8] =	sst s0  }
0x9: {  	[smem:$0x3FA9] =	sst s1  }
0xa: {  	[smem:$0x3FAA] =	sst s2  }
0xb: {  	[smem:$0x3FAB] =	sst s3  }
0xc: {  	[smem:$0x3FAC] =	sst s4  }
0xd: {  	[smem:$0x3FAD] =	sst s5  }
0xe: {  	[smem:$0x3FAE] =	sst s6  }
0xf: {  	[smem:$0x3FAF] =	sst s7  }
0x10: {  	[smem:$0x3FB0] =	sst s8  }
0x11: {  	[smem:$0x3FB1] =	sst s9;
	s0 =	simm.s32 @!p0 $0x0  }
0x12: {  	s1 =	sld [smem:$0x3F97];
	s0 =	simm.s32 @p0 $0x1  }
0x13: {  	[smem:$0x3FB2] =	sst s0;
	s0 =	simm.s32 @!p1 $0x0  }
0x14: {  	s2 =	sld [smem:$0x3F96];
	s0 =	simm.s32 @p1 $0x1  }
0x15: {  	[smem:$0x3FB3] =	sst s0;
	s0 =	simm.s32 @!p2 $0x0  }
0x16: {  	s3 =	sld [smem:$0x3FDB];
	s0 =	simm.s32 @p2 $0x1  }
0x17: {  	s4 =	simm.s32 $0x1BF5;
	[smem:$0x3FB5] =	sst s0  }
0x18: {  	s0 =	sld [smem:$0x3F98];
	_ =	swait.ge [sflag:s4], $0x0  }
0x19: {  	s7 =	sld [smem:$0x3F99]  }
0x1a: {  	s8 =	sadd.s32 $0xFFFFE003, lr  }
0x1b: {  	s9 =	sadd.s32 $0xFFFFFEF7, lr;
	s5 =	simm.s32 $0xFFFFFFFF;
	p2 =	slt.u32 s8, $0xFFFFF086  }
0x1c: {  	p1 =	slt.u32 s9, $0xF7A;
	s5 =	simm.s32 @!p2 $0x0  }
0x1d: {  	s5 =	simm.s32 @p1 $0x1;
	p0 =	seq.s32 s7, s2  }
0x1e: {  	s7 =	smul.u32 @!p0 $0xF7A, s2;
	p2 =	seq.s32 @!p0 s5, $0x0  }
0x1f: {  	s9 =	smul.u32 $0xF7A, s1;
	s8 =	simm.s32 @!p0 $0x1BF5;
	p2 =	por !p2, p0  }
0x20: {  	[sflag:s8] =	ssyncset.s32 @!p0 $0xFFFFF086;
	s6 =	sadd.s32 @!p0 s3, s7;
	s7 =	simm.s32 @!p0 $0x108  }
0x21: {  	s3 =	sadd.s32 s3, s9;
	s6 =	sadd.s32 @!p0 $0x88, s6;
	s7 =	simm.s32 @p2 $0x1082  }
0x22: {  	[simem:s7], [sflag:s8] =	dma.local @!p0 [hbm:s6], $0xF7A  }
0x23: {  	s9 =	sor.u32 $0xD0000000, s2;
	s6 =	simm.s32 $0x108;
	_ =	swait.ge @!p0 [sflag:s8], $0x0  }
0x24: {  	s3 =	sadd.s32 $0x88, s3;
	s6 =	simm.s32 @!p1 $0x1082;
	[sflag:s4] =	ssyncset.s32 $0xFFFFF086  }
0x25: {  	[simem:s6], [sflag:s4] =	dma.local [hbm:s3], $0xF7A  }
0x26: {  	[smem:$0x3F99] =	sst s1;
	(tag) =	ssettag s2;
	_ =	strace s9  }
0x27: {  	s1 =	sld [smem:$0x3FA9]  }
0x28: {  	s2 =	sld [smem:$0x3FAA]  }
0x29: {  	s4 =	sld [smem:$0x3FAC]  }
0x2a: {  	p0 =	seq.s32 s5, $0x0;
	s5 =	sld [smem:$0x3FAD]  }
0x2b: {  	s6 =	sld [smem:$0x3FAE]  }
0x2c: {  	s7 =	sld [smem:$0x3FAF]  }
0x2d: {  	s3 =	simm.s32 $0x108;
	s8 =	sld [smem:$0x3FB0]  }
0x2e: {  	s3 =	simm.s32 @!p0 $0x1082;
	s9 =	sld [smem:$0x3FB1]  }
0x2f: {  	lr =	sadd.s32 s0, s3;
	s0 =	sld [smem:$0x3FA8]  }
0x30: {  	s3 =	sld [smem:$0x3FAB]  }
0x31: {  	[smem:$0x3FB4] =	sst s10  }
0x32: {  	s10 =	sld [smem:$0x3FB2];
	_ =	sdelay $0x3  }
0x33: {  	p0 =	seq.s32 s10, $0x1;
	s10 =	sld [smem:$0x3FB4];
	_ =	sdelay $0x3  }
0x34: {  	[smem:$0x3FB4] =	sst s10  }
0x35: {  	s10 =	sld [smem:$0x3FB3];
	_ =	sdelay $0x3  }
0x36: {  	p1 =	seq.s32 s10, $0x1;
	s10 =	sld [smem:$0x3FB4];
	_ =	sdelay $0x3  }
0x37: {  	[smem:$0x3FB4] =	sst s10  }
0x38: {  	s10 =	sld [smem:$0x3FB5]  }
0x39: {  	_ = 	snop;
	(pc) =	sbr.ind lr, $3  }
0x3a: {  	_ = 	snop  }
0x3b: {  	_ = 	snop  }
0x3c: {  	p2 =	seq.s32 s10, $0x1;
	s10 =	sld [smem:$0x3FB4]  }
0x3d: {  	_ =	shalt  }
0x3e: {  	_ =	shalt  }
0x3f: {  	_ =	shalt  }
0x40: {  	_ =	shalt  }
0x41: {  	_ =	shalt  }
0x42: {  	_ =	shalt  }
0x43: {  	_ =	shalt  }
0x44: {  	_ =	shalt  }
0x45: {  	_ =	shalt  }
0x46: {  	_ =	shalt  }
0x47: {  	_ =	shalt  }
0x48: {  	_ =	shalt  }
0x49: {  	_ =	shalt  }
0x4a: {  	_ =	shalt  }
0x4b: {  	_ =	shalt  }
0x4c: {  	_ =	shalt  }
0x4d: {  	_ =	shalt  }
0x4e: {  	_ =	shalt  }
0x4f: {  	_ =	shalt  }
0x50: {  	_ =	shalt  }
0x51: {  	_ =	shalt  }
0x52: {  	_ =	shalt  }
0x53: {  	_ =	shalt  }
0x54: {  	_ =	shalt  }
0x55: {  	_ =	shalt  }
0x56: {  	_ =	shalt  }
0x57: {  	_ =	shalt  }
0x58: {  	_ =	shalt  }
0x59: {  	_ =	shalt  }
0x5a: {  	_ =	shalt  }
0x5b: {  	_ =	shalt  }
0x5c: {  	_ =	shalt  }
0x5d: {  	_ =	shalt  }
0x5e: {  	_ =	shalt  }
0x5f: {  	_ =	shalt  }
0x60: {  	_ =	shalt  }
0x61: {  	_ =	shalt  }
0x62: {  	_ =	shalt  }
0x63: {  	_ =	shalt  }
0x64: {  	_ =	shalt  }
0x65: {  	_ =	shalt  }
0x66: {  	_ =	shalt  }
0x67: {  	_ =	shalt  }
0x68: {  	_ =	shalt  }
0x69: {  	_ =	shalt  }
0x6a: {  	_ =	shalt  }
0x6b: {  	_ =	shalt  }
0x6c: {  	_ =	shalt  }
0x6d: {  	_ =	shalt  }
0x6e: {  	_ =	shalt  }
0x6f: {  	_ =	shalt  }
0x70: {  	_ =	shalt  }
0x71: {  	_ =	shalt  }
0x72: {  	_ =	shalt  }
0x73: {  	_ =	shalt  }
0x74: {  	_ =	shalt  }
0x75: {  	_ =	shalt  }
0x76: {  	_ =	shalt  }
0x77: {  	_ =	shalt  }
0x78: {  	_ =	shalt  }
0x79: {  	_ =	shalt  }
0x7a: {  	_ =	shalt  }
0x7b: {  	_ =	shalt  }
0x7c: {  	_ =	shalt  }
0x7d: {  	_ =	shalt  }
0x7e: {  	_ =	shalt  }
0x7f: {  	_ =	shalt  }
0x80: {  	_ =	shalt  }
0x81: {  	_ =	shalt  }
0x82: {  	_ =	shalt  }
0x83: {  	_ =	shalt  }
0x84: {  	_ =	shalt  }
0x85: {  	_ =	shalt  }
0x86: {  	_ =	shalt  }
0x87: {  	_ =	shalt  }
.Lfunc_end0:
.L_simem_size_0:
called_computation_lowered:
.L_overlay_start_0:
0x88: {  	s2 =	sld [smem:$0x3FD9]  }
0x89: {  	s3 =	sld [smem:$0x3FFE];
	_ =	sdelay $0x1  }
0x8a: {  	s1 =	srdreg.scid  }
0x8b: {  	s0 =	sand.u32 $0x1, s1  }
0x8c: {  	s16 =	sshll.u32 s0, $0xA;
	s2 =	sadd.s32 s3, s2  }
0x8d: {  	s2 =	sadd.s32 s2, s16  }
0x8e: {  	[smem:$0x3FC0] =	sst s2  }
0x8f: {  	_ = 	snop  }
0x90: {  	(tm) =	ssettm $0x1  }
0x91: {  	s17 =	sld [smem:$0x3FFB];
	_ =	sdelay $0x3  }
0x92: {  	_ =	strace s17  }
0x93: {  	s2 =	sld [smem:$0x3FFC];
	_ =	sdelay $0x3  }
0x94: {  	_ =	strace s2  }
0x95: {  	s2 =	sld [smem:$0x3FFD];
	_ =	sdelay $0x3  }
0x96: {  	_ =	strace s2  }
0x97: {  	_ =	strace $0x8FFFFFFF  }
0x98: {  	s18 =	sld [smem:$0x3FDB];
	_ =	sdelay $0x1  }
0x99: {  	s19 =	simm.s32 $_scs_section_size  }
0x9a: {  	s4 =	simm.s32 $_size__tile_overlayer_lowered;
	s5 =	simm.s32 $_tile_overlayer_lowered  }
0x9b: {  	s22 =	simm.s32 $0x1BFF;
	s21 =	sshll.u32 s5, $0x1;
	s2 =	sadd.s32 s19, s18  }
0x9c: {  	s6 =	simm.s32 $0x0;
	s20 =	sshll.u32 s4, $0x1;
	s4 =	sadd.s32 s21, s2  }
0x9d: {  	[timem:s6], [sflag:s22] =	dma.local [hbm:s4], s20  }
0x9e: {  	_ =	swait.ge [sflag:s22], s20  }
0x9f: {  	s3 =	ssub.s32 $0x0, s20;
	[sflag:s22] =	ssyncset.done $0x0  }
0xa0: {  	[sflag:s22] =	ssyncadd.s32 s3;
	_ =	sdelay $0x1  }
0xa1: {  	s23 =	simm.s32 $0x1B8B  }
0xa2: {  	_ =	swait.ge [sflag:s23], $0x1  }
0xa3: {  	[sflag:s23] =	ssyncset.done $0x0  }
0xa4: {  	s25 =	simm.s32 $0x1B8E;
	s24 =	sld [smem:$0x3FFE];
	[sflag:s23] =	ssyncadd.s32 $0xFFFFFFFF  }
0xa5: {  	s26 =	simm.s32 $execute0_lowered;
	[smem:$0x3FD2] =	sst s25  }
0xa6: {  	s4 =	sshll.u32 s26, $0x1;
	_ =	strace $0x80000046;
	[dreg:$0x1] =	wrdreg $0xFFFFFFFF  }
0xa7: {  	s28 =	simm.s32 $_size_execute0_lowered;
	s2 =	sadd.s32 s2, s4;
	[dreg:$0x0] =	wrdreg $0x0  }
0xa8: {  	s4 =	sshll.u32 s28, $0x1;
	[dreg:$0x2] =	wrdreg s2  }
0xa9: {  	[dreg:$0x3] =	wrdreg s4  }
0xaa: {  	[dreg:$0x4] =	wrdreg $0xC0  }
0xab: {  	_ =	task [dreg:s6], $0x5FFFF  }
0xac: {  	[dreg:$0x1] =	wrdreg $0xFFFFFFFF  }
0xad: {  	[dreg:$0x0] =	wrdreg $0x60  }
0xae: {  	[dreg:$0x2] =	wrdreg s24  }
0xaf: {  	[dreg:$0x3] =	wrdreg $0x9  }
0xb0: {  	_ =	task.clear_ibuf [dreg:s6], $0x4FFFF;
	_ =	strace $0x90000046  }
0xb1: {  	s29 =	simm.s32 $0x9;
	_ =	strace $0x80000048  }
0xb2: {  	_ =	swait.ge [sflag:s29], $0x1  }
0xb3: {  	[sflag:s29] =	ssyncadd.s32 $0xFFFFFFFF  }
0xb4: {  	_ =	strace $0x90000048  }
0xb5: {  	_ =	sfence  }
0xb6: {  	s30 =	sld [smem:$0x0];
	_ =	sdelay $0x2  }
0xb7: {  	s31 =	sshll.u32 s1, $0xD;
	s1 =	sshrl.u32 s1, $0x2  }
0xb8: {  	s3 =	sand.u32 $0x4000, s31;
	s1 =	sadd.s32 s1, s30  }
0xb9: {  	s0 =	sor.u32 s3, s0;
	s1 =	sshll.u32 s1, $0x11  }
0xba: {  	s0 =	sor.u32 s1, s0  }
0xbb: {  	s0 =	sadd.s32 $0x8F2B, s0  }
0xbc: {  	[sflag:s0] =	ssyncadd.remote.s32 $0x1  }
0xbd: {  	_ =	sfence.sel $0xFFFF  }
0xbe: {  	[dreg:$0x0] =	wrdreg $0xFFFFFFFF;
	(pc) =	sbr.abs _section_cstart, $3  }
0xbf: {  	[dreg:$0x1] =	wrdreg $0xFFFFFFFF  }
0xc0: {  	_ =	task.clear_ibuf [dreg:s6], $0x2FFFF;
	_ =	strace $0x9FFFFFFF  }
0xc1: {  	(tm) =	ssettm $0x7FFFFFFF  }
tec
execute0_lowered:
.L_overlay_start_1:
0x0: {  	(tag) =	ssettag $0x1  }
0x1: {  	s0 =	rddreg [dreg:$0x0];
	s3 =	srdreg.scid  }
0x2: {  	s1 =	stileid.u32;
	s2 =	simm.s32 $0x0;
	s8 =	simm.s32 $0x80  }
0x3: {  	s9 =	simm.s32 $0x1900;
	s10 =	simm.s32 $0x2900;
	s11 =	simm.s32 $0x100  }
0x4: {  	s12 =	simm.s32 $0x3900;
	s13 =	simm.s32 $0x180;
	s14 =	simm.s32 $0x4900  }
0x5: {  	s15 =	simm.s32 $0x1;
	s16 =	simm.s32 $0x200;
	s17 =	simm.s32 $0x5900  }
0x6: {  	s18 =	simm.s32 $0x2;
	s19 =	simm.s32 $0x280;
	s20 =	simm.s32 $0x3  }
0x7: {  	s21 =	simm.s32 $0x300;
	s22 =	simm.s32 $0x4;
	s23 =	simm.s32 $0x380  }
0x8: {  	s24 =	simm.s32 $0x5;
	s25 =	simm.s32 $0x400;
	s26 =	simm.s32 $0x6900  }
0x9: {  	s28 =	simm.s32 $0x0;
	s3 =	sand.u32 $0x1, s3;
	s4 =	sshll.u32 s1, $0x1  }
0xa: {  	[smem:$0x7FF] =	sst s2;
	s4 =	sor.u32 s3, s4;
	s6 =	ssub.s32 $0x2, s3  }
0xb: {  	_ =	strace $0x80000047;
	s5 =	smul.u32 $0x320, s4;
	s7 =	sshrl.u32 s6, $0x1  }
0xc: {  	s3 =	sadd.s32 $0x6E00, s0;
	s4 =	sshll.u32 s4, $0x9;
	s6 =	ssub.s32 s6, s7  }
0xd: {  	s7 =	simm.s32 $0x6;
	s5 =	sadd.s32 s5, s0;
	s0 =	sadd.s32 s4, s0  }
0xe: {  	s6 =	smax.u32 s6, $0x1;
	s4 =	sadd.s32 $0xA00, s5;
	s5 =	sadd.s32 $0x36E00, s0  }
.LBB2_1:
0xf: {  	[tilespmem:s2], [sflag:$0x6] =	stream.linear.gather [hbm4b:s4+s2], $0x1900, $0x38;
	[tilespmem:$0x7900] =	vst v63  }
0x10: {  	_ =	swait.ge [sflag:s7], $0x1900  }
0x11: {  	[sflag:s7] =	ssyncset.done $0x0  }
0x12: {  	[sflag:s7] =	ssyncadd.s32 $0xFFFFE700  }
0x13: {  	[tilespmem:s9], [sflag:$0x1] =	stream.indirect.gather [hbm4b:s3+s8], $0x20, s2, s8, $0xb8;
	[tilespmem:$0x7900] =	vst v63  }
0x14: {  	_ = 	snop  }
0x15: {  	[tilespmem:s10], [sflag:$0x2] =	stream.indirect.gather [hbm4b:s3+s8], $0x20, s8, s8, $0xb8;
	[tilespmem:$0x7900] =	vst v63  }
0x16: {  	_ = 	snop  }
0x17: {  	[tilespmem:s12], [sflag:$0x3] =	stream.indirect.gather [hbm4b:s3+s8], $0x20, s11, s8, $0xb8;
	[tilespmem:$0x7900] =	vst v63  }
0x18: {  	_ = 	snop  }
0x19: {  	[tilespmem:s14], [sflag:$0x4] =	stream.indirect.gather [hbm4b:s3+s8], $0x20, s13, s8, $0xb8;
	[tilespmem:$0x7900] =	vst v63  }
0x1a: {  	_ =	swait.ge [sflag:s15], $0x1000  }
0x1b: {  	[sflag:s15] =	ssyncset.done $0x0  }
0x1c: {  	s29 =	simm.s32 $0x0;
	[sflag:s15] =	ssyncadd.s32 $0xFFFFF000  }
0x1d: {  	[tilespmem:s17], [sflag:$0x5] =	stream.indirect.gather [hbm4b:s3+s8], $0x20, s16, s8, $0xb8;
	[tilespmem:$0x7900] =	vst v63  }
0x1e: {  	v0 =	vld [tilespmem:s29+$0x19F0]  }
0x1f: {  	v1 =	vld [tilespmem:s29+$0x1900]  }
0x20: {  	v2 =	vld [tilespmem:s29+$0x1910]  }
0x21: {  	v3 =	vld [tilespmem:s29+$0x1920]  }
0x22: {  	v4 =	vld [tilespmem:s29+$0x1930]  }
0x23: {  	v5 =	vld [tilespmem:s29+$0x1940];
	[tilespmem:s29+$0x69F0] =	vst v0  }
0x24: {  	[tilespmem:s29+$0x6900] =	vst v1;
	v0 =	vld [tilespmem:s29+$0x1950]  }
0x25: {  	[tilespmem:s29+$0x6910] =	vst v2;
	v1 =	vld [tilespmem:s29+$0x1960]  }
0x26: {  	[tilespmem:s29+$0x6920] =	vst v3;
	v2 =	vld [tilespmem:s29+$0x1970]  }
0x27: {  	[tilespmem:s29+$0x6930] =	vst v4;
	v3 =	vld [tilespmem:s29+$0x1980]  }
0x28: {  	[tilespmem:s29+$0x6940] =	vst v5;
	v4 =	vld [tilespmem:s29+$0x1990]  }
0x29: {  	[tilespmem:s29+$0x6950] =	vst v0;
	v0 =	vld [tilespmem:s29+$0x19A0]  }
0x2a: {  	[tilespmem:s29+$0x6960] =	vst v1;
	v1 =	vld [tilespmem:s29+$0x19B0]  }
0x2b: {  	[tilespmem:s29+$0x6970] =	vst v2;
	v2 =	vld [tilespmem:s29+$0x19C0]  }
0x2c: {  	[tilespmem:s29+$0x6980] =	vst v3;
	v3 =	vld [tilespmem:s29+$0x19D0]  }
0x2d: {  	s0 =	simm.s32 $0x100;
	s30 =	simm.s32 $0x800;
	[tilespmem:s29+$0x6990] =	vst v4;
	v4 =	vld [tilespmem:s29+$0x19E0]  }
.LBB2_2:
0x2e: {  	p0 =	sne.s32 s30, $0x3C00;
	v5 =	vld [tilespmem:s0+$0x19F0];
	[tilespmem:s29+$0x69A0] =	vst v0  }
0x2f: {  	v0 =	vld [tilespmem:s0+$0x1900];
	[tilespmem:s29+$0x69B0] =	vst v1  }
0x30: {  	v1 =	vld [tilespmem:s0+$0x1910];
	[tilespmem:s29+$0x69C0] =	vst v2  }
0x31: {  	v2 =	vld [tilespmem:s0+$0x1920];
	[tilespmem:s29+$0x69D0] =	vst v3  }
0x32: {  	v3 =	vld [tilespmem:s0+$0x1930];
	[tilespmem:s29+$0x69E0] =	vst v4;
	s29 =	smov.u32 s0  }
0x33: {  	v4 =	vld [tilespmem:s29+$0x1940];
	[tilespmem:s29+$0x69F0] =	vst v5  }
0x34: {  	[tilespmem:s29+$0x6900] =	vst v0;
	v0 =	vld [tilespmem:s29+$0x1950]  }
0x35: {  	[tilespmem:s29+$0x6910] =	vst v1;
	v1 =	vld [tilespmem:s29+$0x1960]  }
0x36: {  	[tilespmem:s29+$0x6920] =	vst v2;
	v2 =	vld [tilespmem:s29+$0x1970]  }
0x37: {  	[tilespmem:s29+$0x6930] =	vst v3;
	v3 =	vld [tilespmem:s29+$0x1980]  }
0x38: {  	[tilespmem:s29+$0x6940] =	vst v4;
	v4 =	vld [tilespmem:s29+$0x1990]  }
.Ltmp0:
0x39: {  	[tilespmem:s29+$0x6950] =	vst v0;
	v0 =	vld [tilespmem:s29+$0x19A0];
	(pc) =	sbr.rel @p0 .LBB2_2-.Ltmp0, $4  }
0x3a: {  	[tilespmem:s29+$0x6960] =	vst v1;
	v1 =	vld [tilespmem:s29+$0x19B0]  }
0x3b: {  	[tilespmem:s29+$0x6970] =	vst v2;
	v2 =	vld [tilespmem:s29+$0x19C0]  }
0x3c: {  	[tilespmem:s29+$0x6980] =	vst v3;
	v3 =	vld [tilespmem:s29+$0x19D0]  }
0x3d: {  	s0 =	sshra.s32 s30, $0x2;
	s30 =	sadd.s32 $0x400, s30;
	[tilespmem:s29+$0x6990] =	vst v4;
	v4 =	vld [tilespmem:s29+$0x19E0]  }
0x3e: {  	v5 =	vld [tilespmem:s0+$0x19F0];
	[tilespmem:s29+$0x69A0] =	vst v0  }
0x3f: {  	v0 =	vld [tilespmem:s0+$0x1900];
	[tilespmem:s29+$0x69B0] =	vst v1  }
0x40: {  	v1 =	vld [tilespmem:s0+$0x1910];
	[tilespmem:s29+$0x69C0] =	vst v2  }
0x41: {  	v2 =	vld [tilespmem:s0+$0x1920];
	[tilespmem:s29+$0x69D0] =	vst v3  }
0x42: {  	v3 =	vld [tilespmem:s0+$0x1930];
	[tilespmem:s29+$0x69E0] =	vst v4  }
0x43: {  	v4 =	vld [tilespmem:s0+$0x1940];
	[tilespmem:s0+$0x69F0] =	vst v5  }
0x44: {  	v54 =	vld [tilespmem:s0+$0x1950];
	[tilespmem:s0+$0x6900] =	vst v0  }
0x45: {  	v55 =	vld [tilespmem:s0+$0x1960];
	[tilespmem:s0+$0x6910] =	vst v1  }
0x46: {  	v56 =	vld [tilespmem:s0+$0x1970];
	[tilespmem:s0+$0x6920] =	vst v2  }
0x47: {  	v57 =	vld [tilespmem:s0+$0x1980];
	[tilespmem:s0+$0x6930] =	vst v3  }
0x48: {  	v58 =	vld [tilespmem:s0+$0x1990];
	[tilespmem:s0+$0x6940] =	vst v4  }
0x49: {  	v59 =	vld [tilespmem:s0+$0x19A0];
	[tilespmem:s0+$0x6950] =	vst v54  }
0x4a: {  	v60 =	vld [tilespmem:s0+$0x19B0];
	[tilespmem:s0+$0x6960] =	vst v55  }
0x4b: {  	v61 =	vld [tilespmem:s0+$0x19C0];
	[tilespmem:s0+$0x6970] =	vst v56  }
0x4c: {  	v62 =	vld [tilespmem:s0+$0x19D0];
	[tilespmem:s0+$0x6980] =	vst v57  }
0x4d: {  	v63 =	vld [tilespmem:s0+$0x19E0];
	[tilespmem:s0+$0x6990] =	vst v58  }
0x4e: {  	[tilespmem:s0+$0x69A0] =	vst v59  }
0x4f: {  	[tilespmem:s0+$0x69B0] =	vst v60  }
0x50: {  	[tilespmem:s0+$0x69C0] =	vst v61  }
0x51: {  	[tilespmem:s0+$0x69D0] =	vst v62  }
0x52: {  	[tilespmem:s0+$0x69E0] =	vst v63  }
0x53: {  	_ =	swait.ge [sflag:s18], $0x1000  }
0x54: {  	[sflag:s18] =	ssyncset.done $0x0  }
0x55: {  	s30 =	simm.s32 $0x400;
	s29 =	simm.s32 $0x0;
	[sflag:s18] =	ssyncadd.s32 $0xFFFFF000  }
0x56: {  	[tilespmem:s9], [sflag:$0x1] =	stream.indirect.gather [hbm4b:s3+s8], $0x20, s19, s8, $0xb8;
	[tilespmem:$0x7900] =	vst v63  }
.LBB2_4:
0x57: {  	p0 =	sne.s32 s30, $0x3C00;
	v0 =	vld [tilespmem:s29+$0x29F0]  }
0x58: {  	v1 =	vld [tilespmem:s29+$0x2900]  }
0x59: {  	v2 =	vld [tilespmem:s29+$0x2910]  }
0x5a: {  	v3 =	vld [tilespmem:s29+$0x2920]  }
0x5b: {  	v4 =	vld [tilespmem:s29+$0x2930]  }
0x5c: {  	[tilespmem:s29+$0x69F0] =	vst.add.f32.msk $0xffff, v0  }
0x5d: {  	v0 =	vld [tilespmem:s29+$0x2940]  }
0x5e: {  	v5 =	vld [tilespmem:s29+$0x2950]  }
0x5f: {  	v6 =	vld [tilespmem:s29+$0x2960]  }
0x60: {  	v7 =	vld [tilespmem:s29+$0x2970]  }
0x61: {  	v8 =	vld [tilespmem:s29+$0x2980]  }
0x62: {  	v9 =	vld [tilespmem:s29+$0x2990]  }
0x63: {  	v10 =	vld [tilespmem:s29+$0x29A0]  }
0x64: {  	v11 =	vld [tilespmem:s29+$0x29B0]  }
0x65: {  	v12 =	vld [tilespmem:s29+$0x29C0]  }
0x66: {  	v13 =	vld [tilespmem:s29+$0x29D0]  }
0x67: {  	v14 =	vld [tilespmem:s29+$0x29E0]  }
0x68: {  	[tilespmem:s29+$0x6900] =	vst.add.f32.msk $0xffff, v1  }
0x69: {  	[tilespmem:s29+$0x6910] =	vst.add.f32.msk $0xffff, v2  }
0x6a: {  	[tilespmem:s29+$0x6920] =	vst.add.f32.msk $0xffff, v3  }
0x6b: {  	[tilespmem:s29+$0x6930] =	vst.add.f32.msk $0xffff, v4  }
0x6c: {  	[tilespmem:s29+$0x6940] =	vst.add.f32.msk $0xffff, v0  }
0x6d: {  	[tilespmem:s29+$0x6950] =	vst.add.f32.msk $0xffff, v5  }
0x6e: {  	[tilespmem:s29+$0x6960] =	vst.add.f32.msk $0xffff, v6  }
0x6f: {  	[tilespmem:s29+$0x6970] =	vst.add.f32.msk $0xffff, v7  }
0x70: {  	[tilespmem:s29+$0x6980] =	vst.add.f32.msk $0xffff, v8  }
0x71: {  	[tilespmem:s29+$0x6990] =	vst.add.f32.msk $0xffff, v9  }
.Ltmp1:
0x72: {  	[tilespmem:s29+$0x69A0] =	vst.add.f32.msk $0xffff, v10;
	(pc) =	sbr.rel @p0 .LBB2_4-.Ltmp1, $4  }
0x73: {  	[tilespmem:s29+$0x69B0] =	vst.add.f32.msk $0xffff, v11  }
0x74: {  	[tilespmem:s29+$0x69C0] =	vst.add.f32.msk $0xffff, v12  }
0x75: {  	[tilespmem:s29+$0x69D0] =	vst.add.f32.msk $0xffff, v13  }
0x76: {  	[tilespmem:s29+$0x69E0] =	vst.add.f32.msk $0xffff, v14;
	s29 =	sshra.s32 s30, $0x2;
	s30 =	sadd.s32 $0x400, s30  }
0x77: {  	v0 =	vld [tilespmem:s29+$0x29F0]  }
0x78: {  	v1 =	vld [tilespmem:s29+$0x2900]  }
0x79: {  	v2 =	vld [tilespmem:s29+$0x2910]  }
0x7a: {  	v3 =	vld [tilespmem:s29+$0x2920]  }
0x7b: {  	v4 =	vld [tilespmem:s29+$0x2930]  }
0x7c: {  	v63 =	vld [tilespmem:s29+$0x2940]  }
0x7d: {  	v5 =	vld [tilespmem:s29+$0x2950]  }
0x7e: {  	v6 =	vld [tilespmem:s29+$0x2960]  }
0x7f: {  	v7 =	vld [tilespmem:s29+$0x2970]  }
0x80: {  	v8 =	vld [tilespmem:s29+$0x2980]  }
0x81: {  	v9 =	vld [tilespmem:s29+$0x2990]  }
0x82: {  	v10 =	vld [tilespmem:s29+$0x29A0]  }
0x83: {  	v11 =	vld [tilespmem:s29+$0x29B0]  }
0x84: {  	v12 =	vld [tilespmem:s29+$0x29C0]  }
0x85: {  	v13 =	vld [tilespmem:s29+$0x29D0]  }
0x86: {  	v14 =	vld [tilespmem:s29+$0x29E0]  }
0x87: {  	[tilespmem:s29+$0x69F0] =	vst.add.f32.msk $0xffff, v0  }
0x88: {  	[tilespmem:s29+$0x6900] =	vst.add.f32.msk $0xffff, v1  }
0x89: {  	[tilespmem:s29+$0x6910] =	vst.add.f32.msk $0xffff, v2  }
0x8a: {  	[tilespmem:s29+$0x6920] =	vst.add.f32.msk $0xffff, v3  }
0x8b: {  	[tilespmem:s29+$0x6930] =	vst.add.f32.msk $0xffff, v4  }
0x8c: {  	[tilespmem:s29+$0x6940] =	vst.add.f32.msk $0xffff, v63  }
0x8d: {  	[tilespmem:s29+$0x6950] =	vst.add.f32.msk $0xffff, v5  }
0x8e: {  	[tilespmem:s29+$0x6960] =	vst.add.f32.msk $0xffff, v6  }
0x8f: {  	[tilespmem:s29+$0x6970] =	vst.add.f32.msk $0xffff, v7  }
0x90: {  	[tilespmem:s29+$0x6980] =	vst.add.f32.msk $0xffff, v8  }
0x91: {  	[tilespmem:s29+$0x6990] =	vst.add.f32.msk $0xffff, v9  }
0x92: {  	[tilespmem:s29+$0x69A0] =	vst.add.f32.msk $0xffff, v10  }
0x93: {  	[tilespmem:s29+$0x69B0] =	vst.add.f32.msk $0xffff, v11  }
0x94: {  	[tilespmem:s29+$0x69C0] =	vst.add.f32.msk $0xffff, v12  }
0x95: {  	[tilespmem:s29+$0x69D0] =	vst.add.f32.msk $0xffff, v13  }
0x96: {  	[tilespmem:s29+$0x69E0] =	vst.add.f32.msk $0xffff, v14  }
0x97: {  	_ =	swait.ge [sflag:s20], $0x1000  }
0x98: {  	[sflag:s20] =	ssyncset.done $0x0  }
0x99: {  	s30 =	simm.s32 $0x400;
	s29 =	simm.s32 $0x0;
	[sflag:s20] =	ssyncadd.s32 $0xFFFFF000  }
0x9a: {  	[tilespmem:s10], [sflag:$0x2] =	stream.indirect.gather [hbm4b:s3+s8], $0x20, s21, s8, $0xb8;
	[tilespmem:$0x7900] =	vst v63  }
.LBB2_6:
0x9b: {  	p0 =	sne.s32 s30, $0x3C00;
	v0 =	vld [tilespmem:s29+$0x39F0]  }
0x9c: {  	v1 =	vld [tilespmem:s29+$0x3900]  }
0x9d: {  	v2 =	vld [tilespmem:s29+$0x3910]  }
0x9e: {  	v3 =	vld [tilespmem:s29+$0x3920]  }
0x9f: {  	v4 =	vld [tilespmem:s29+$0x3930]  }
0xa0: {  	[tilespmem:s29+$0x69F0] =	vst.add.f32.msk $0xffff, v0  }
0xa1: {  	v0 =	vld [tilespmem:s29+$0x3940]  }
0xa2: {  	v5 =	vld [tilespmem:s29+$0x3950]  }
0xa3: {  	v6 =	vld [tilespmem:s29+$0x3960]  }
0xa4: {  	v7 =	vld [tilespmem:s29+$0x3970]  }
0xa5: {  	v8 =	vld [tilespmem:s29+$0x3980]  }
0xa6: {  	v9 =	vld [tilespmem:s29+$0x3990]  }
0xa7: {  	v10 =	vld [tilespmem:s29+$0x39A0]  }
0xa8: {  	v11 =	vld [tilespmem:s29+$0x39B0]  }
0xa9: {  	v12 =	vld [tilespmem:s29+$0x39C0]  }
0xaa: {  	v13 =	vld [tilespmem:s29+$0x39D0]  }
0xab: {  	v14 =	vld [tilespmem:s29+$0x39E0]  }
0xac: {  	[tilespmem:s29+$0x6900] =	vst.add.f32.msk $0xffff, v1  }
0xad: {  	[tilespmem:s29+$0x6910] =	vst.add.f32.msk $0xffff, v2  }
0xae: {  	[tilespmem:s29+$0x6920] =	vst.add.f32.msk $0xffff, v3  }
0xaf: {  	[tilespmem:s29+$0x6930] =	vst.add.f32.msk $0xffff, v4  }
0xb0: {  	[tilespmem:s29+$0x6940] =	vst.add.f32.msk $0xffff, v0  }
0xb1: {  	[tilespmem:s29+$0x6950] =	vst.add.f32.msk $0xffff, v5  }
0xb2: {  	[tilespmem:s29+$0x6960] =	vst.add.f32.msk $0xffff, v6  }
0xb3: {  	[tilespmem:s29+$0x6970] =	vst.add.f32.msk $0xffff, v7  }
0xb4: {  	[tilespmem:s29+$0x6980] =	vst.add.f32.msk $0xffff, v8  }
0xb5: {  	[tilespmem:s29+$0x6990] =	vst.add.f32.msk $0xffff, v9  }
.Ltmp2:
0xb6: {  	[tilespmem:s29+$0x69A0] =	vst.add.f32.msk $0xffff, v10;
	(pc) =	sbr.rel @p0 .LBB2_6-.Ltmp2, $4  }
0xb7: {  	[tilespmem:s29+$0x69B0] =	vst.add.f32.msk $0xffff, v11  }
0xb8: {  	[tilespmem:s29+$0x69C0] =	vst.add.f32.msk $0xffff, v12  }
0xb9: {  	[tilespmem:s29+$0x69D0] =	vst.add.f32.msk $0xffff, v13  }
0xba: {  	[tilespmem:s29+$0x69E0] =	vst.add.f32.msk $0xffff, v14;
	s29 =	sshra.s32 s30, $0x2;
	s30 =	sadd.s32 $0x400, s30  }
0xbb: {  	v0 =	vld [tilespmem:s29+$0x39F0]  }
0xbc: {  	v1 =	vld [tilespmem:s29+$0x3900]  }
0xbd: {  	v2 =	vld [tilespmem:s29+$0x3910]  }
0xbe: {  	v3 =	vld [tilespmem:s29+$0x3920]  }
0xbf: {  	v4 =	vld [tilespmem:s29+$0x3930]  }
0xc0: {  	v63 =	vld [tilespmem:s29+$0x3940]  }
0xc1: {  	v5 =	vld [tilespmem:s29+$0x3950]  }
0xc2: {  	v6 =	vld [tilespmem:s29+$0x3960]  }
0xc3: {  	v7 =	vld [tilespmem:s29+$0x3970]  }
0xc4: {  	v8 =	vld [tilespmem:s29+$0x3980]  }
0xc5: {  	v9 =	vld [tilespmem:s29+$0x3990]  }
0xc6: {  	v10 =	vld [tilespmem:s29+$0x39A0]  }
0xc7: {  	v11 =	vld [tilespmem:s29+$0x39B0]  }
0xc8: {  	v12 =	vld [tilespmem:s29+$0x39C0]  }
0xc9: {  	v13 =	vld [tilespmem:s29+$0x39D0]  }
0xca: {  	v14 =	vld [tilespmem:s29+$0x39E0]  }
0xcb: {  	[tilespmem:s29+$0x69F0] =	vst.add.f32.msk $0xffff, v0  }
0xcc: {  	[tilespmem:s29+$0x6900] =	vst.add.f32.msk $0xffff, v1  }
0xcd: {  	[tilespmem:s29+$0x6910] =	vst.add.f32.msk $0xffff, v2  }
0xce: {  	[tilespmem:s29+$0x6920] =	vst.add.f32.msk $0xffff, v3  }
0xcf: {  	[tilespmem:s29+$0x6930] =	vst.add.f32.msk $0xffff, v4  }
0xd0: {  	[tilespmem:s29+$0x6940] =	vst.add.f32.msk $0xffff, v63  }
0xd1: {  	[tilespmem:s29+$0x6950] =	vst.add.f32.msk $0xffff, v5  }
0xd2: {  	[tilespmem:s29+$0x6960] =	vst.add.f32.msk $0xffff, v6  }
0xd3: {  	[tilespmem:s29+$0x6970] =	vst.add.f32.msk $0xffff, v7  }
0xd4: {  	[tilespmem:s29+$0x6980] =	vst.add.f32.msk $0xffff, v8  }
0xd5: {  	[tilespmem:s29+$0x6990] =	vst.add.f32.msk $0xffff, v9  }
0xd6: {  	[tilespmem:s29+$0x69A0] =	vst.add.f32.msk $0xffff, v10  }
0xd7: {  	[tilespmem:s29+$0x69B0] =	vst.add.f32.msk $0xffff, v11  }
0xd8: {  	[tilespmem:s29+$0x69C0] =	vst.add.f32.msk $0xffff, v12  }
0xd9: {  	[tilespmem:s29+$0x69D0] =	vst.add.f32.msk $0xffff, v13  }
0xda: {  	[tilespmem:s29+$0x69E0] =	vst.add.f32.msk $0xffff, v14  }
0xdb: {  	_ =	swait.ge [sflag:s22], $0x1000  }
0xdc: {  	[sflag:s22] =	ssyncset.done $0x0  }
0xdd: {  	s30 =	simm.s32 $0x400;
	s29 =	simm.s32 $0x0;
	[sflag:s22] =	ssyncadd.s32 $0xFFFFF000  }
0xde: {  	[tilespmem:s12], [sflag:$0x3] =	stream.indirect.gather [hbm4b:s3+s8], $0x20, s23, s8, $0xb8;
	[tilespmem:$0x7900] =	vst v63  }
.LBB2_8:
0xdf: {  	p0 =	sne.s32 s30, $0x3C00;
	v0 =	vld [tilespmem:s29+$0x49F0]  }
0xe0: {  	v1 =	vld [tilespmem:s29+$0x4900]  }
0xe1: {  	v2 =	vld [tilespmem:s29+$0x4910]  }
0xe2: {  	v3 =	vld [tilespmem:s29+$0x4920]  }
0xe3: {  	v4 =	vld [tilespmem:s29+$0x4930]  }
0xe4: {  	[tilespmem:s29+$0x69F0] =	vst.add.f32.msk $0xffff, v0  }
0xe5: {  	v0 =	vld [tilespmem:s29+$0x4940]  }
0xe6: {  	v5 =	vld [tilespmem:s29+$0x4950]  }
0xe7: {  	v6 =	vld [tilespmem:s29+$0x4960]  }
0xe8: {  	v7 =	vld [tilespmem:s29+$0x4970]  }
0xe9: {  	v8 =	vld [tilespmem:s29+$0x4980]  }
0xea: {  	v9 =	vld [tilespmem:s29+$0x4990]  }
0xeb: {  	v10 =	vld [tilespmem:s29+$0x49A0]  }
0xec: {  	v11 =	vld [tilespmem:s29+$0x49B0]  }
0xed: {  	v12 =	vld [tilespmem:s29+$0x49C0]  }
0xee: {  	v13 =	vld [tilespmem:s29+$0x49D0]  }
0xef: {  	v14 =	vld [tilespmem:s29+$0x49E0]  }
0xf0: {  	[tilespmem:s29+$0x6900] =	vst.add.f32.msk $0xffff, v1  }
0xf1: {  	[tilespmem:s29+$0x6910] =	vst.add.f32.msk $0xffff, v2  }
0xf2: {  	[tilespmem:s29+$0x6920] =	vst.add.f32.msk $0xffff, v3  }
0xf3: {  	[tilespmem:s29+$0x6930] =	vst.add.f32.msk $0xffff, v4  }
0xf4: {  	[tilespmem:s29+$0x6940] =	vst.add.f32.msk $0xffff, v0  }
0xf5: {  	[tilespmem:s29+$0x6950] =	vst.add.f32.msk $0xffff, v5  }
0xf6: {  	[tilespmem:s29+$0x6960] =	vst.add.f32.msk $0xffff, v6  }
0xf7: {  	[tilespmem:s29+$0x6970] =	vst.add.f32.msk $0xffff, v7  }
0xf8: {  	[tilespmem:s29+$0x6980] =	vst.add.f32.msk $0xffff, v8  }
0xf9: {  	[tilespmem:s29+$0x6990] =	vst.add.f32.msk $0xffff, v9  }
.Ltmp3:
0xfa: {  	[tilespmem:s29+$0x69A0] =	vst.add.f32.msk $0xffff, v10;
	(pc) =	sbr.rel @p0 .LBB2_8-.Ltmp3, $4  }
0xfb: {  	[tilespmem:s29+$0x69B0] =	vst.add.f32.msk $0xffff, v11  }
0xfc: {  	[tilespmem:s29+$0x69C0] =	vst.add.f32.msk $0xffff, v12  }
0xfd: {  	[tilespmem:s29+$0x69D0] =	vst.add.f32.msk $0xffff, v13  }
0xfe: {  	[tilespmem:s29+$0x69E0] =	vst.add.f32.msk $0xffff, v14;
	s29 =	sshra.s32 s30, $0x2;
	s30 =	sadd.s32 $0x400, s30  }
0xff: {  	v0 =	vld [tilespmem:s29+$0x49F0]  }
0x100: {  	v1 =	vld [tilespmem:s29+$0x4900]  }
0x101: {  	v2 =	vld [tilespmem:s29+$0x4910]  }
0x102: {  	v3 =	vld [tilespmem:s29+$0x4920]  }
0x103: {  	v4 =	vld [tilespmem:s29+$0x4930]  }
0x104: {  	v63 =	vld [tilespmem:s29+$0x4940]  }
0x105: {  	v5 =	vld [tilespmem:s29+$0x4950]  }
0x106: {  	v6 =	vld [tilespmem:s29+$0x4960]  }
0x107: {  	v7 =	vld [tilespmem:s29+$0x4970]  }
0x108: {  	v8 =	vld [tilespmem:s29+$0x4980]  }
0x109: {  	v9 =	vld [tilespmem:s29+$0x4990]  }
0x10a: {  	v10 =	vld [tilespmem:s29+$0x49A0]  }
0x10b: {  	v11 =	vld [tilespmem:s29+$0x49B0]  }
0x10c: {  	v12 =	vld [tilespmem:s29+$0x49C0]  }
0x10d: {  	v13 =	vld [tilespmem:s29+$0x49D0]  }
0x10e: {  	v14 =	vld [tilespmem:s29+$0x49E0]  }
0x10f: {  	[tilespmem:s29+$0x69F0] =	vst.add.f32.msk $0xffff, v0  }
0x110: {  	[tilespmem:s29+$0x6900] =	vst.add.f32.msk $0xffff, v1  }
0x111: {  	[tilespmem:s29+$0x6910] =	vst.add.f32.msk $0xffff, v2  }
0x112: {  	[tilespmem:s29+$0x6920] =	vst.add.f32.msk $0xffff, v3  }
0x113: {  	[tilespmem:s29+$0x6930] =	vst.add.f32.msk $0xffff, v4  }
0x114: {  	[tilespmem:s29+$0x6940] =	vst.add.f32.msk $0xffff, v63  }
0x115: {  	[tilespmem:s29+$0x6950] =	vst.add.f32.msk $0xffff, v5  }
0x116: {  	[tilespmem:s29+$0x6960] =	vst.add.f32.msk $0xffff, v6  }
0x117: {  	[tilespmem:s29+$0x6970] =	vst.add.f32.msk $0xffff, v7  }
0x118: {  	[tilespmem:s29+$0x6980] =	vst.add.f32.msk $0xffff, v8  }
0x119: {  	[tilespmem:s29+$0x6990] =	vst.add.f32.msk $0xffff, v9  }
0x11a: {  	[tilespmem:s29+$0x69A0] =	vst.add.f32.msk $0xffff, v10  }
0x11b: {  	[tilespmem:s29+$0x69B0] =	vst.add.f32.msk $0xffff, v11  }
0x11c: {  	[tilespmem:s29+$0x69C0] =	vst.add.f32.msk $0xffff, v12  }
0x11d: {  	[tilespmem:s29+$0x69D0] =	vst.add.f32.msk $0xffff, v13  }
0x11e: {  	[tilespmem:s29+$0x69E0] =	vst.add.f32.msk $0xffff, v14  }
0x11f: {  	_ =	swait.ge [sflag:s24], $0x1000  }
0x120: {  	[sflag:s24] =	ssyncset.done $0x0  }
0x121: {  	s0 =	simm.s32 $0x400;
	s29 =	simm.s32 $0x0;
	[sflag:s24] =	ssyncadd.s32 $0xFFFFF000  }
0x122: {  	[tilespmem:s14], [sflag:$0x4] =	stream.indirect.gather [hbm4b:s3+s8], $0x20, s25, s8, $0xb8;
	[tilespmem:$0x7900] =	vst v63  }
.LBB2_10:
0x123: {  	p0 =	sne.s32 s0, $0x3C00;
	v0 =	vld [tilespmem:s29+$0x59F0]  }
0x124: {  	v1 =	vld [tilespmem:s29+$0x5900]  }
0x125: {  	v2 =	vld [tilespmem:s29+$0x5910]  }
0x126: {  	v3 =	vld [tilespmem:s29+$0x5920]  }
0x127: {  	v4 =	vld [tilespmem:s29+$0x5930]  }
0x128: {  	[tilespmem:s29+$0x69F0] =	vst.add.f32.msk $0xffff, v0  }
0x129: {  	v0 =	vld [tilespmem:s29+$0x5940]  }
0x12a: {  	v5 =	vld [tilespmem:s29+$0x5950]  }
0x12b: {  	v6 =	vld [tilespmem:s29+$0x5960]  }
0x12c: {  	v7 =	vld [tilespmem:s29+$0x5970]  }
0x12d: {  	v8 =	vld [tilespmem:s29+$0x5980]  }
0x12e: {  	v9 =	vld [tilespmem:s29+$0x5990]  }
0x12f: {  	v10 =	vld [tilespmem:s29+$0x59A0]  }
0x130: {  	v11 =	vld [tilespmem:s29+$0x59B0]  }
0x131: {  	v12 =	vld [tilespmem:s29+$0x59C0]  }
0x132: {  	v13 =	vld [tilespmem:s29+$0x59D0]  }
0x133: {  	v14 =	vld [tilespmem:s29+$0x59E0]  }
0x134: {  	[tilespmem:s29+$0x6900] =	vst.add.f32.msk $0xffff, v1  }
0x135: {  	[tilespmem:s29+$0x6910] =	vst.add.f32.msk $0xffff, v2  }
0x136: {  	[tilespmem:s29+$0x6920] =	vst.add.f32.msk $0xffff, v3  }
0x137: {  	[tilespmem:s29+$0x6930] =	vst.add.f32.msk $0xffff, v4  }
0x138: {  	[tilespmem:s29+$0x6940] =	vst.add.f32.msk $0xffff, v0  }
0x139: {  	[tilespmem:s29+$0x6950] =	vst.add.f32.msk $0xffff, v5  }
0x13a: {  	[tilespmem:s29+$0x6960] =	vst.add.f32.msk $0xffff, v6  }
0x13b: {  	[tilespmem:s29+$0x6970] =	vst.add.f32.msk $0xffff, v7  }
0x13c: {  	[tilespmem:s29+$0x6980] =	vst.add.f32.msk $0xffff, v8  }
0x13d: {  	[tilespmem:s29+$0x6990] =	vst.add.f32.msk $0xffff, v9  }
.Ltmp4:
0x13e: {  	[tilespmem:s29+$0x69A0] =	vst.add.f32.msk $0xffff, v10;
	(pc) =	sbr.rel @p0 .LBB2_10-.Ltmp4, $4  }
0x13f: {  	[tilespmem:s29+$0x69B0] =	vst.add.f32.msk $0xffff, v11  }
0x140: {  	[tilespmem:s29+$0x69C0] =	vst.add.f32.msk $0xffff, v12  }
0x141: {  	[tilespmem:s29+$0x69D0] =	vst.add.f32.msk $0xffff, v13  }
0x142: {  	[tilespmem:s29+$0x69E0] =	vst.add.f32.msk $0xffff, v14;
	s29 =	sshra.s32 s0, $0x2;
	s0 =	sadd.s32 $0x400, s0  }
0x143: {  	v0 =	vld [tilespmem:s29+$0x59F0]  }
0x144: {  	v1 =	vld [tilespmem:s29+$0x5900]  }
0x145: {  	v2 =	vld [tilespmem:s29+$0x5910]  }
0x146: {  	v3 =	vld [tilespmem:s29+$0x5920]  }
0x147: {  	v4 =	vld [tilespmem:s29+$0x5930]  }
0x148: {  	v63 =	vld [tilespmem:s29+$0x5940]  }
0x149: {  	v5 =	vld [tilespmem:s29+$0x5950]  }
0x14a: {  	v6 =	vld [tilespmem:s29+$0x5960]  }
0x14b: {  	v7 =	vld [tilespmem:s29+$0x5970]  }
0x14c: {  	v8 =	vld [tilespmem:s29+$0x5980]  }
0x14d: {  	v9 =	vld [tilespmem:s29+$0x5990]  }
0x14e: {  	v10 =	vld [tilespmem:s29+$0x59A0]  }
0x14f: {  	v11 =	vld [tilespmem:s29+$0x59B0]  }
0x150: {  	v12 =	vld [tilespmem:s29+$0x59C0]  }
0x151: {  	v13 =	vld [tilespmem:s29+$0x59D0]  }
0x152: {  	v14 =	vld [tilespmem:s29+$0x59E0]  }
0x153: {  	[tilespmem:s29+$0x69F0] =	vst.add.f32.msk $0xffff, v0  }
0x154: {  	[tilespmem:s29+$0x6900] =	vst.add.f32.msk $0xffff, v1  }
0x155: {  	[tilespmem:s29+$0x6910] =	vst.add.f32.msk $0xffff, v2  }
0x156: {  	[tilespmem:s29+$0x6920] =	vst.add.f32.msk $0xffff, v3  }
0x157: {  	[tilespmem:s29+$0x6930] =	vst.add.f32.msk $0xffff, v4  }
0x158: {  	[tilespmem:s29+$0x6940] =	vst.add.f32.msk $0xffff, v63  }
0x159: {  	[tilespmem:s29+$0x6950] =	vst.add.f32.msk $0xffff, v5  }
0x15a: {  	[tilespmem:s29+$0x6960] =	vst.add.f32.msk $0xffff, v6  }
0x15b: {  	[tilespmem:s29+$0x6970] =	vst.add.f32.msk $0xffff, v7  }
0x15c: {  	[tilespmem:s29+$0x6980] =	vst.add.f32.msk $0xffff, v8  }
0x15d: {  	[tilespmem:s29+$0x6990] =	vst.add.f32.msk $0xffff, v9  }
0x15e: {  	[tilespmem:s29+$0x69A0] =	vst.add.f32.msk $0xffff, v10  }
0x15f: {  	[tilespmem:s29+$0x69B0] =	vst.add.f32.msk $0xffff, v11  }
0x160: {  	[tilespmem:s29+$0x69C0] =	vst.add.f32.msk $0xffff, v12  }
0x161: {  	[tilespmem:s29+$0x69D0] =	vst.add.f32.msk $0xffff, v13  }
0x162: {  	[tilespmem:s29+$0x69E0] =	vst.add.f32.msk $0xffff, v14;
	s29 =	simm.s32 $0x1  }
.LBB2_12:
0x163: {  	s0 =	smul.u32 $0xA00, s29  }
0x164: {  	_ =	swait.ge [sflag:s15], $0x1000  }
0x165: {  	[sflag:s15] =	ssyncset.done $0x0;
	s30 =	sshra.s32 s0, $0x2  }
0x166: {  	[sflag:s15] =	ssyncadd.s32 $0xFFFFF000;
	s0 =	sadd.s32 $0x200, s30  }
0x167: {  	[tilespmem:s17], [sflag:$0x5] =	stream.indirect.gather [hbm4b:s3+s8], $0x20, s0, s8, $0xb8;
	[tilespmem:$0x7900] =	vst v63  }
0x168: {  	s31 =	simm.s32 $0x0;
	s0 =	simm.s32 $0x400  }
.LBB2_13:
0x169: {  	p0 =	sne.s32 s0, $0x3C00;
	v0 =	vld [tilespmem:s31+$0x19F0]  }
0x16a: {  	v1 =	vld [tilespmem:s31+$0x1900]  }
0x16b: {  	v2 =	vld [tilespmem:s31+$0x1910]  }
0x16c: {  	v3 =	vld [tilespmem:s31+$0x1920]  }
0x16d: {  	v4 =	vld [tilespmem:s31+$0x1930]  }
0x16e: {  	[tilespmem:s31+$0x69F0] =	vst.add.f32.msk $0xffff, v0  }
0x16f: {  	v0 =	vld [tilespmem:s31+$0x1940]  }
0x170: {  	v5 =	vld [tilespmem:s31+$0x1950]  }
0x171: {  	v6 =	vld [tilespmem:s31+$0x1960]  }
0x172: {  	v7 =	vld [tilespmem:s31+$0x1970]  }
0x173: {  	v8 =	vld [tilespmem:s31+$0x1980]  }
0x174: {  	v9 =	vld [tilespmem:s31+$0x1990]  }
0x175: {  	v10 =	vld [tilespmem:s31+$0x19A0]  }
0x176: {  	v11 =	vld [tilespmem:s31+$0x19B0]  }
0x177: {  	v12 =	vld [tilespmem:s31+$0x19C0]  }
0x178: {  	v13 =	vld [tilespmem:s31+$0x19D0]  }
0x179: {  	v14 =	vld [tilespmem:s31+$0x19E0]  }
0x17a: {  	[tilespmem:s31+$0x6900] =	vst.add.f32.msk $0xffff, v1  }
0x17b: {  	[tilespmem:s31+$0x6910] =	vst.add.f32.msk $0xffff, v2  }
0x17c: {  	[tilespmem:s31+$0x6920] =	vst.add.f32.msk $0xffff, v3  }
0x17d: {  	[tilespmem:s31+$0x6930] =	vst.add.f32.msk $0xffff, v4  }
0x17e: {  	[tilespmem:s31+$0x6940] =	vst.add.f32.msk $0xffff, v0  }
0x17f: {  	[tilespmem:s31+$0x6950] =	vst.add.f32.msk $0xffff, v5  }
0x180: {  	[tilespmem:s31+$0x6960] =	vst.add.f32.msk $0xffff, v6  }
0x181: {  	[tilespmem:s31+$0x6970] =	vst.add.f32.msk $0xffff, v7  }
0x182: {  	[tilespmem:s31+$0x6980] =	vst.add.f32.msk $0xffff, v8  }
0x183: {  	[tilespmem:s31+$0x6990] =	vst.add.f32.msk $0xffff, v9  }
.Ltmp5:
0x184: {  	[tilespmem:s31+$0x69A0] =	vst.add.f32.msk $0xffff, v10;
	(pc) =	sbr.rel @p0 .LBB2_13-.Ltmp5, $4  }
0x185: {  	[tilespmem:s31+$0x69B0] =	vst.add.f32.msk $0xffff, v11  }
0x186: {  	[tilespmem:s31+$0x69C0] =	vst.add.f32.msk $0xffff, v12  }
0x187: {  	[tilespmem:s31+$0x69D0] =	vst.add.f32.msk $0xffff, v13  }
0x188: {  	[tilespmem:s31+$0x69E0] =	vst.add.f32.msk $0xffff, v14;
	s31 =	sshra.s32 s0, $0x2;
	s0 =	sadd.s32 $0x400, s0  }
0x189: {  	v0 =	vld [tilespmem:s31+$0x19F0]  }
0x18a: {  	v1 =	vld [tilespmem:s31+$0x1900]  }
0x18b: {  	v2 =	vld [tilespmem:s31+$0x1910]  }
0x18c: {  	v3 =	vld [tilespmem:s31+$0x1920]  }
0x18d: {  	v4 =	vld [tilespmem:s31+$0x1930]  }
0x18e: {  	v63 =	vld [tilespmem:s31+$0x1940]  }
0x18f: {  	v5 =	vld [tilespmem:s31+$0x1950]  }
0x190: {  	v6 =	vld [tilespmem:s31+$0x1960]  }
0x191: {  	v7 =	vld [tilespmem:s31+$0x1970]  }
0x192: {  	v8 =	vld [tilespmem:s31+$0x1980]  }
0x193: {  	v9 =	vld [tilespmem:s31+$0x1990]  }
0x194: {  	v10 =	vld [tilespmem:s31+$0x19A0]  }
0x195: {  	v11 =	vld [tilespmem:s31+$0x19B0]  }
0x196: {  	v12 =	vld [tilespmem:s31+$0x19C0]  }
0x197: {  	v13 =	vld [tilespmem:s31+$0x19D0]  }
0x198: {  	v14 =	vld [tilespmem:s31+$0x19E0]  }
0x199: {  	[tilespmem:s31+$0x69F0] =	vst.add.f32.msk $0xffff, v0  }
0x19a: {  	[tilespmem:s31+$0x6900] =	vst.add.f32.msk $0xffff, v1  }
0x19b: {  	[tilespmem:s31+$0x6910] =	vst.add.f32.msk $0xffff, v2  }
0x19c: {  	[tilespmem:s31+$0x6920] =	vst.add.f32.msk $0xffff, v3  }
0x19d: {  	[tilespmem:s31+$0x6930] =	vst.add.f32.msk $0xffff, v4  }
0x19e: {  	[tilespmem:s31+$0x6940] =	vst.add.f32.msk $0xffff, v63  }
0x19f: {  	[tilespmem:s31+$0x6950] =	vst.add.f32.msk $0xffff, v5  }
0x1a0: {  	[tilespmem:s31+$0x6960] =	vst.add.f32.msk $0xffff, v6  }
0x1a1: {  	[tilespmem:s31+$0x6970] =	vst.add.f32.msk $0xffff, v7  }
0x1a2: {  	[tilespmem:s31+$0x6980] =	vst.add.f32.msk $0xffff, v8  }
0x1a3: {  	[tilespmem:s31+$0x6990] =	vst.add.f32.msk $0xffff, v9  }
0x1a4: {  	[tilespmem:s31+$0x69A0] =	vst.add.f32.msk $0xffff, v10  }
0x1a5: {  	[tilespmem:s31+$0x69B0] =	vst.add.f32.msk $0xffff, v11  }
0x1a6: {  	[tilespmem:s31+$0x69C0] =	vst.add.f32.msk $0xffff, v12  }
0x1a7: {  	[tilespmem:s31+$0x69D0] =	vst.add.f32.msk $0xffff, v13  }
0x1a8: {  	[tilespmem:s31+$0x69E0] =	vst.add.f32.msk $0xffff, v14  }
0x1a9: {  	p0 =	seq.s32 s29, $0x9;
	_ =	swait.ge [sflag:s18], $0x1000  }
0x1aa: {  	s0 =	sadd.s32 @!p0 $0x280, s30;
	[sflag:s18] =	ssyncset.done $0x0  }
0x1ab: {  	s1 =	simm.s32 @!p0 $0x1900;
	s31 =	simm.s32 @!p0 $0x80;
	[sflag:s18] =	ssyncadd.s32 $0xFFFFF000  }
0x1ac: {  	[tilespmem:s1], [sflag:$0x1] =	stream.indirect.gather @!p0 [hbm4b:s3+s31], $0x20, s0, s31, $0xb8;
	[tilespmem:$0x7900] =	vst v63  }
0x1ad: {  	s31 =	simm.s32 $0x0;
	s0 =	simm.s32 $0x400  }
.LBB2_15:
0x1ae: {  	p1 =	sne.s32 s0, $0x3C00;
	v0 =	vld [tilespmem:s31+$0x29F0]  }
0x1af: {  	v1 =	vld [tilespmem:s31+$0x2900]  }
0x1b0: {  	v2 =	vld [tilespmem:s31+$0x2910]  }
0x1b1: {  	v3 =	vld [tilespmem:s31+$0x2920]  }
0x1b2: {  	v4 =	vld [tilespmem:s31+$0x2930]  }
0x1b3: {  	[tilespmem:s31+$0x69F0] =	vst.add.f32.msk $0xffff, v0  }
0x1b4: {  	v0 =	vld [tilespmem:s31+$0x2940]  }
0x1b5: {  	v5 =	vld [tilespmem:s31+$0x2950]  }
0x1b6: {  	v6 =	vld [tilespmem:s31+$0x2960]  }
0x1b7: {  	v7 =	vld [tilespmem:s31+$0x2970]  }
0x1b8: {  	v8 =	vld [tilespmem:s31+$0x2980]  }
0x1b9: {  	v9 =	vld [tilespmem:s31+$0x2990]  }
0x1ba: {  	v10 =	vld [tilespmem:s31+$0x29A0]  }
0x1bb: {  	v11 =	vld [tilespmem:s31+$0x29B0]  }
0x1bc: {  	v12 =	vld [tilespmem:s31+$0x29C0]  }
0x1bd: {  	v13 =	vld [tilespmem:s31+$0x29D0]  }
0x1be: {  	v14 =	vld [tilespmem:s31+$0x29E0]  }
0x1bf: {  	[tilespmem:s31+$0x6900] =	vst.add.f32.msk $0xffff, v1  }
0x1c0: {  	[tilespmem:s31+$0x6910] =	vst.add.f32.msk $0xffff, v2  }
0x1c1: {  	[tilespmem:s31+$0x6920] =	vst.add.f32.msk $0xffff, v3  }
0x1c2: {  	[tilespmem:s31+$0x6930] =	vst.add.f32.msk $0xffff, v4  }
0x1c3: {  	[tilespmem:s31+$0x6940] =	vst.add.f32.msk $0xffff, v0  }
0x1c4: {  	[tilespmem:s31+$0x6950] =	vst.add.f32.msk $0xffff, v5  }
0x1c5: {  	[tilespmem:s31+$0x6960] =	vst.add.f32.msk $0xffff, v6  }
0x1c6: {  	[tilespmem:s31+$0x6970] =	vst.add.f32.msk $0xffff, v7  }
0x1c7: {  	[tilespmem:s31+$0x6980] =	vst.add.f32.msk $0xffff, v8  }
0x1c8: {  	[tilespmem:s31+$0x6990] =	vst.add.f32.msk $0xffff, v9  }
.Ltmp6:
0x1c9: {  	[tilespmem:s31+$0x69A0] =	vst.add.f32.msk $0xffff, v10;
	(pc) =	sbr.rel @p1 .LBB2_15-.Ltmp6, $4  }
0x1ca: {  	[tilespmem:s31+$0x69B0] =	vst.add.f32.msk $0xffff, v11  }
0x1cb: {  	[tilespmem:s31+$0x69C0] =	vst.add.f32.msk $0xffff, v12  }
0x1cc: {  	[tilespmem:s31+$0x69D0] =	vst.add.f32.msk $0xffff, v13  }
0x1cd: {  	[tilespmem:s31+$0x69E0] =	vst.add.f32.msk $0xffff, v14;
	s31 =	sshra.s32 s0, $0x2;
	s0 =	sadd.s32 $0x400, s0  }
0x1ce: {  	v0 =	vld [tilespmem:s31+$0x29F0]  }
0x1cf: {  	v1 =	vld [tilespmem:s31+$0x2900]  }
0x1d0: {  	v2 =	vld [tilespmem:s31+$0x2910]  }
0x1d1: {  	v3 =	vld [tilespmem:s31+$0x2920]  }
0x1d2: {  	v4 =	vld [tilespmem:s31+$0x2930]  }
0x1d3: {  	v63 =	vld [tilespmem:s31+$0x2940]  }
0x1d4: {  	v5 =	vld [tilespmem:s31+$0x2950]  }
0x1d5: {  	v6 =	vld [tilespmem:s31+$0x2960]  }
0x1d6: {  	v7 =	vld [tilespmem:s31+$0x2970]  }
0x1d7: {  	v8 =	vld [tilespmem:s31+$0x2980]  }
0x1d8: {  	v9 =	vld [tilespmem:s31+$0x2990]  }
0x1d9: {  	v10 =	vld [tilespmem:s31+$0x29A0]  }
0x1da: {  	v11 =	vld [tilespmem:s31+$0x29B0]  }
0x1db: {  	v12 =	vld [tilespmem:s31+$0x29C0]  }
0x1dc: {  	v13 =	vld [tilespmem:s31+$0x29D0]  }
0x1dd: {  	v14 =	vld [tilespmem:s31+$0x29E0]  }
0x1de: {  	[tilespmem:s31+$0x69F0] =	vst.add.f32.msk $0xffff, v0  }
0x1df: {  	[tilespmem:s31+$0x6900] =	vst.add.f32.msk $0xffff, v1  }
0x1e0: {  	[tilespmem:s31+$0x6910] =	vst.add.f32.msk $0xffff, v2  }
0x1e1: {  	[tilespmem:s31+$0x6920] =	vst.add.f32.msk $0xffff, v3  }
0x1e2: {  	[tilespmem:s31+$0x6930] =	vst.add.f32.msk $0xffff, v4  }
0x1e3: {  	[tilespmem:s31+$0x6940] =	vst.add.f32.msk $0xffff, v63  }
0x1e4: {  	[tilespmem:s31+$0x6950] =	vst.add.f32.msk $0xffff, v5  }
0x1e5: {  	[tilespmem:s31+$0x6960] =	vst.add.f32.msk $0xffff, v6  }
0x1e6: {  	[tilespmem:s31+$0x6970] =	vst.add.f32.msk $0xffff, v7  }
0x1e7: {  	[tilespmem:s31+$0x6980] =	vst.add.f32.msk $0xffff, v8  }
0x1e8: {  	[tilespmem:s31+$0x6990] =	vst.add.f32.msk $0xffff, v9  }
0x1e9: {  	[tilespmem:s31+$0x69A0] =	vst.add.f32.msk $0xffff, v10  }
0x1ea: {  	[tilespmem:s31+$0x69B0] =	vst.add.f32.msk $0xffff, v11  }
0x1eb: {  	[tilespmem:s31+$0x69C0] =	vst.add.f32.msk $0xffff, v12  }
0x1ec: {  	[tilespmem:s31+$0x69D0] =	vst.add.f32.msk $0xffff, v13  }
0x1ed: {  	[tilespmem:s31+$0x69E0] =	vst.add.f32.msk $0xffff, v14  }
0x1ee: {  	_ =	swait.ge [sflag:s20], $0x1000  }
0x1ef: {  	s0 =	sadd.s32 @!p0 $0x300, s30;
	[sflag:s20] =	ssyncset.done $0x0  }
0x1f0: {  	s1 =	simm.s32 @!p0 $0x80;
	s31 =	simm.s32 @!p0 $0x2900;
	[sflag:s20] =	ssyncadd.s32 $0xFFFFF000  }
0x1f1: {  	[tilespmem:s31], [sflag:$0x2] =	stream.indirect.gather @!p0 [hbm4b:s3+s1], $0x20, s0, s1, $0xb8;
	[tilespmem:$0x7900] =	vst v63  }
0x1f2: {  	s31 =	simm.s32 $0x0;
	s0 =	simm.s32 $0x400  }
.LBB2_17:
0x1f3: {  	p1 =	sne.s32 s0, $0x3C00;
	v0 =	vld [tilespmem:s31+$0x39F0]  }
0x1f4: {  	v1 =	vld [tilespmem:s31+$0x3900]  }
0x1f5: {  	v2 =	vld [tilespmem:s31+$0x3910]  }
0x1f6: {  	v3 =	vld [tilespmem:s31+$0x3920]  }
0x1f7: {  	v4 =	vld [tilespmem:s31+$0x3930]  }
0x1f8: {  	[tilespmem:s31+$0x69F0] =	vst.add.f32.msk $0xffff, v0  }
0x1f9: {  	v0 =	vld [tilespmem:s31+$0x3940]  }
0x1fa: {  	v5 =	vld [tilespmem:s31+$0x3950]  }
0x1fb: {  	v6 =	vld [tilespmem:s31+$0x3960]  }
0x1fc: {  	v7 =	vld [tilespmem:s31+$0x3970]  }
0x1fd: {  	v8 =	vld [tilespmem:s31+$0x3980]  }
0x1fe: {  	v9 =	vld [tilespmem:s31+$0x3990]  }
0x1ff: {  	v10 =	vld [tilespmem:s31+$0x39A0]  }
0x200: {  	v11 =	vld [tilespmem:s31+$0x39B0]  }
0x201: {  	v12 =	vld [tilespmem:s31+$0x39C0]  }
0x202: {  	v13 =	vld [tilespmem:s31+$0x39D0]  }
0x203: {  	v14 =	vld [tilespmem:s31+$0x39E0]  }
0x204: {  	[tilespmem:s31+$0x6900] =	vst.add.f32.msk $0xffff, v1  }
0x205: {  	[tilespmem:s31+$0x6910] =	vst.add.f32.msk $0xffff, v2  }
0x206: {  	[tilespmem:s31+$0x6920] =	vst.add.f32.msk $0xffff, v3  }
0x207: {  	[tilespmem:s31+$0x6930] =	vst.add.f32.msk $0xffff, v4  }
0x208: {  	[tilespmem:s31+$0x6940] =	vst.add.f32.msk $0xffff, v0  }
0x209: {  	[tilespmem:s31+$0x6950] =	vst.add.f32.msk $0xffff, v5  }
0x20a: {  	[tilespmem:s31+$0x6960] =	vst.add.f32.msk $0xffff, v6  }
0x20b: {  	[tilespmem:s31+$0x6970] =	vst.add.f32.msk $0xffff, v7  }
0x20c: {  	[tilespmem:s31+$0x6980] =	vst.add.f32.msk $0xffff, v8  }
0x20d: {  	[tilespmem:s31+$0x6990] =	vst.add.f32.msk $0xffff, v9  }
.Ltmp7:
0x20e: {  	[tilespmem:s31+$0x69A0] =	vst.add.f32.msk $0xffff, v10;
	(pc) =	sbr.rel @p1 .LBB2_17-.Ltmp7, $4  }
0x20f: {  	[tilespmem:s31+$0x69B0] =	vst.add.f32.msk $0xffff, v11  }
0x210: {  	[tilespmem:s31+$0x69C0] =	vst.add.f32.msk $0xffff, v12  }
0x211: {  	[tilespmem:s31+$0x69D0] =	vst.add.f32.msk $0xffff, v13  }
0x212: {  	[tilespmem:s31+$0x69E0] =	vst.add.f32.msk $0xffff, v14;
	s31 =	sshra.s32 s0, $0x2;
	s0 =	sadd.s32 $0x400, s0  }
0x213: {  	v0 =	vld [tilespmem:s31+$0x39F0]  }
0x214: {  	v1 =	vld [tilespmem:s31+$0x3900]  }
0x215: {  	v2 =	vld [tilespmem:s31+$0x3910]  }
0x216: {  	v3 =	vld [tilespmem:s31+$0x3920]  }
0x217: {  	v4 =	vld [tilespmem:s31+$0x3930]  }
0x218: {  	v63 =	vld [tilespmem:s31+$0x3940]  }
0x219: {  	v5 =	vld [tilespmem:s31+$0x3950]  }
0x21a: {  	v6 =	vld [tilespmem:s31+$0x3960]  }
0x21b: {  	v7 =	vld [tilespmem:s31+$0x3970]  }
0x21c: {  	v8 =	vld [tilespmem:s31+$0x3980]  }
0x21d: {  	v9 =	vld [tilespmem:s31+$0x3990]  }
0x21e: {  	v10 =	vld [tilespmem:s31+$0x39A0]  }
0x21f: {  	v11 =	vld [tilespmem:s31+$0x39B0]  }
0x220: {  	v12 =	vld [tilespmem:s31+$0x39C0]  }
0x221: {  	v13 =	vld [tilespmem:s31+$0x39D0]  }
0x222: {  	v14 =	vld [tilespmem:s31+$0x39E0]  }
0x223: {  	[tilespmem:s31+$0x69F0] =	vst.add.f32.msk $0xffff, v0  }
0x224: {  	[tilespmem:s31+$0x6900] =	vst.add.f32.msk $0xffff, v1  }
0x225: {  	[tilespmem:s31+$0x6910] =	vst.add.f32.msk $0xffff, v2  }
0x226: {  	[tilespmem:s31+$0x6920] =	vst.add.f32.msk $0xffff, v3  }
0x227: {  	[tilespmem:s31+$0x6930] =	vst.add.f32.msk $0xffff, v4  }
0x228: {  	[tilespmem:s31+$0x6940] =	vst.add.f32.msk $0xffff, v63  }
0x229: {  	[tilespmem:s31+$0x6950] =	vst.add.f32.msk $0xffff, v5  }
0x22a: {  	[tilespmem:s31+$0x6960] =	vst.add.f32.msk $0xffff, v6  }
0x22b: {  	[tilespmem:s31+$0x6970] =	vst.add.f32.msk $0xffff, v7  }
0x22c: {  	[tilespmem:s31+$0x6980] =	vst.add.f32.msk $0xffff, v8  }
0x22d: {  	[tilespmem:s31+$0x6990] =	vst.add.f32.msk $0xffff, v9  }
0x22e: {  	[tilespmem:s31+$0x69A0] =	vst.add.f32.msk $0xffff, v10  }
0x22f: {  	[tilespmem:s31+$0x69B0] =	vst.add.f32.msk $0xffff, v11  }
0x230: {  	[tilespmem:s31+$0x69C0] =	vst.add.f32.msk $0xffff, v12  }
0x231: {  	[tilespmem:s31+$0x69D0] =	vst.add.f32.msk $0xffff, v13  }
0x232: {  	[tilespmem:s31+$0x69E0] =	vst.add.f32.msk $0xffff, v14  }
0x233: {  	_ =	swait.ge [sflag:s22], $0x1000  }
0x234: {  	s0 =	sadd.s32 @!p0 $0x380, s30;
	[sflag:s22] =	ssyncset.done $0x0  }
0x235: {  	s1 =	simm.s32 @!p0 $0x80;
	s31 =	simm.s32 @!p0 $0x3900;
	[sflag:s22] =	ssyncadd.s32 $0xFFFFF000  }
0x236: {  	[tilespmem:s31], [sflag:$0x3] =	stream.indirect.gather @!p0 [hbm4b:s3+s1], $0x20, s0, s1, $0xb8;
	[tilespmem:$0x7900] =	vst v63  }
0x237: {  	s31 =	simm.s32 $0x0;
	s0 =	simm.s32 $0x400  }
.LBB2_19:
0x238: {  	p1 =	sne.s32 s0, $0x3C00;
	v0 =	vld [tilespmem:s31+$0x49F0]  }
0x239: {  	v1 =	vld [tilespmem:s31+$0x4900]  }
0x23a: {  	v2 =	vld [tilespmem:s31+$0x4910]  }
0x23b: {  	v3 =	vld [tilespmem:s31+$0x4920]  }
0x23c: {  	v4 =	vld [tilespmem:s31+$0x4930]  }
0x23d: {  	[tilespmem:s31+$0x69F0] =	vst.add.f32.msk $0xffff, v0  }
0x23e: {  	v0 =	vld [tilespmem:s31+$0x4940]  }
0x23f: {  	v5 =	vld [tilespmem:s31+$0x4950]  }
0x240: {  	v6 =	vld [tilespmem:s31+$0x4960]  }
0x241: {  	v7 =	vld [tilespmem:s31+$0x4970]  }
0x242: {  	v8 =	vld [tilespmem:s31+$0x4980]  }
0x243: {  	v9 =	vld [tilespmem:s31+$0x4990]  }
0x244: {  	v10 =	vld [tilespmem:s31+$0x49A0]  }
0x245: {  	v11 =	vld [tilespmem:s31+$0x49B0]  }
0x246: {  	v12 =	vld [tilespmem:s31+$0x49C0]  }
0x247: {  	v13 =	vld [tilespmem:s31+$0x49D0]  }
0x248: {  	v14 =	vld [tilespmem:s31+$0x49E0]  }
0x249: {  	[tilespmem:s31+$0x6900] =	vst.add.f32.msk $0xffff, v1  }
0x24a: {  	[tilespmem:s31+$0x6910] =	vst.add.f32.msk $0xffff, v2  }
0x24b: {  	[tilespmem:s31+$0x6920] =	vst.add.f32.msk $0xffff, v3  }
0x24c: {  	[tilespmem:s31+$0x6930] =	vst.add.f32.msk $0xffff, v4  }
0x24d: {  	[tilespmem:s31+$0x6940] =	vst.add.f32.msk $0xffff, v0  }
0x24e: {  	[tilespmem:s31+$0x6950] =	vst.add.f32.msk $0xffff, v5  }
0x24f: {  	[tilespmem:s31+$0x6960] =	vst.add.f32.msk $0xffff, v6  }
0x250: {  	[tilespmem:s31+$0x6970] =	vst.add.f32.msk $0xffff, v7  }
0x251: {  	[tilespmem:s31+$0x6980] =	vst.add.f32.msk $0xffff, v8  }
0x252: {  	[tilespmem:s31+$0x6990] =	vst.add.f32.msk $0xffff, v9  }
.Ltmp8:
0x253: {  	[tilespmem:s31+$0x69A0] =	vst.add.f32.msk $0xffff, v10;
	(pc) =	sbr.rel @p1 .LBB2_19-.Ltmp8, $4  }
0x254: {  	[tilespmem:s31+$0x69B0] =	vst.add.f32.msk $0xffff, v11  }
0x255: {  	[tilespmem:s31+$0x69C0] =	vst.add.f32.msk $0xffff, v12  }
0x256: {  	[tilespmem:s31+$0x69D0] =	vst.add.f32.msk $0xffff, v13  }
0x257: {  	[tilespmem:s31+$0x69E0] =	vst.add.f32.msk $0xffff, v14;
	s31 =	sshra.s32 s0, $0x2;
	s0 =	sadd.s32 $0x400, s0  }
0x258: {  	v0 =	vld [tilespmem:s31+$0x49F0]  }
0x259: {  	v1 =	vld [tilespmem:s31+$0x4900]  }
0x25a: {  	v2 =	vld [tilespmem:s31+$0x4910]  }
0x25b: {  	v3 =	vld [tilespmem:s31+$0x4920]  }
0x25c: {  	v4 =	vld [tilespmem:s31+$0x4930]  }
0x25d: {  	v63 =	vld [tilespmem:s31+$0x4940]  }
0x25e: {  	v5 =	vld [tilespmem:s31+$0x4950]  }
0x25f: {  	v6 =	vld [tilespmem:s31+$0x4960]  }
0x260: {  	v7 =	vld [tilespmem:s31+$0x4970]  }
0x261: {  	v8 =	vld [tilespmem:s31+$0x4980]  }
0x262: {  	v9 =	vld [tilespmem:s31+$0x4990]  }
0x263: {  	v10 =	vld [tilespmem:s31+$0x49A0]  }
0x264: {  	v11 =	vld [tilespmem:s31+$0x49B0]  }
0x265: {  	v12 =	vld [tilespmem:s31+$0x49C0]  }
0x266: {  	v13 =	vld [tilespmem:s31+$0x49D0]  }
0x267: {  	v14 =	vld [tilespmem:s31+$0x49E0]  }
0x268: {  	[tilespmem:s31+$0x69F0] =	vst.add.f32.msk $0xffff, v0  }
0x269: {  	[tilespmem:s31+$0x6900] =	vst.add.f32.msk $0xffff, v1  }
0x26a: {  	[tilespmem:s31+$0x6910] =	vst.add.f32.msk $0xffff, v2  }
0x26b: {  	[tilespmem:s31+$0x6920] =	vst.add.f32.msk $0xffff, v3  }
0x26c: {  	[tilespmem:s31+$0x6930] =	vst.add.f32.msk $0xffff, v4  }
0x26d: {  	[tilespmem:s31+$0x6940] =	vst.add.f32.msk $0xffff, v63  }
0x26e: {  	[tilespmem:s31+$0x6950] =	vst.add.f32.msk $0xffff, v5  }
0x26f: {  	[tilespmem:s31+$0x6960] =	vst.add.f32.msk $0xffff, v6  }
0x270: {  	[tilespmem:s31+$0x6970] =	vst.add.f32.msk $0xffff, v7  }
0x271: {  	[tilespmem:s31+$0x6980] =	vst.add.f32.msk $0xffff, v8  }
0x272: {  	[tilespmem:s31+$0x6990] =	vst.add.f32.msk $0xffff, v9  }
0x273: {  	[tilespmem:s31+$0x69A0] =	vst.add.f32.msk $0xffff, v10  }
0x274: {  	[tilespmem:s31+$0x69B0] =	vst.add.f32.msk $0xffff, v11  }
0x275: {  	[tilespmem:s31+$0x69C0] =	vst.add.f32.msk $0xffff, v12  }
0x276: {  	[tilespmem:s31+$0x69D0] =	vst.add.f32.msk $0xffff, v13  }
0x277: {  	[tilespmem:s31+$0x69E0] =	vst.add.f32.msk $0xffff, v14  }
0x278: {  	_ =	swait.ge [sflag:s24], $0x1000  }
0x279: {  	s0 =	sadd.s32 @!p0 $0x400, s30;
	[sflag:s24] =	ssyncset.done $0x0  }
0x27a: {  	s1 =	simm.s32 @!p0 $0x80;
	s30 =	simm.s32 @!p0 $0x4900;
	[sflag:s24] =	ssyncadd.s32 $0xFFFFF000  }
0x27b: {  	[tilespmem:s30], [sflag:$0x4] =	stream.indirect.gather @!p0 [hbm4b:s3+s1], $0x20, s0, s1, $0xb8;
	[tilespmem:$0x7900] =	vst v63  }
0x27c: {  	s30 =	simm.s32 $0x0;
	s0 =	simm.s32 $0x400  }
.LBB2_21:
0x27d: {  	p0 =	sne.s32 s0, $0x3C00;
	v0 =	vld [tilespmem:s30+$0x59F0]  }
0x27e: {  	v1 =	vld [tilespmem:s30+$0x5900]  }
0x27f: {  	v2 =	vld [tilespmem:s30+$0x5910]  }
0x280: {  	v3 =	vld [tilespmem:s30+$0x5920]  }
0x281: {  	v4 =	vld [tilespmem:s30+$0x5930]  }
0x282: {  	[tilespmem:s30+$0x69F0] =	vst.add.f32.msk $0xffff, v0  }
0x283: {  	v0 =	vld [tilespmem:s30+$0x5940]  }
0x284: {  	v5 =	vld [tilespmem:s30+$0x5950]  }
0x285: {  	v6 =	vld [tilespmem:s30+$0x5960]  }
0x286: {  	v7 =	vld [tilespmem:s30+$0x5970]  }
0x287: {  	v8 =	vld [tilespmem:s30+$0x5980]  }
0x288: {  	v9 =	vld [tilespmem:s30+$0x5990]  }
0x289: {  	v10 =	vld [tilespmem:s30+$0x59A0]  }
0x28a: {  	v11 =	vld [tilespmem:s30+$0x59B0]  }
0x28b: {  	v12 =	vld [tilespmem:s30+$0x59C0]  }
0x28c: {  	v13 =	vld [tilespmem:s30+$0x59D0]  }
0x28d: {  	v14 =	vld [tilespmem:s30+$0x59E0]  }
0x28e: {  	[tilespmem:s30+$0x6900] =	vst.add.f32.msk $0xffff, v1  }
0x28f: {  	[tilespmem:s30+$0x6910] =	vst.add.f32.msk $0xffff, v2  }
0x290: {  	[tilespmem:s30+$0x6920] =	vst.add.f32.msk $0xffff, v3  }
0x291: {  	[tilespmem:s30+$0x6930] =	vst.add.f32.msk $0xffff, v4  }
0x292: {  	[tilespmem:s30+$0x6940] =	vst.add.f32.msk $0xffff, v0  }
0x293: {  	[tilespmem:s30+$0x6950] =	vst.add.f32.msk $0xffff, v5  }
0x294: {  	[tilespmem:s30+$0x6960] =	vst.add.f32.msk $0xffff, v6  }
0x295: {  	[tilespmem:s30+$0x6970] =	vst.add.f32.msk $0xffff, v7  }
0x296: {  	[tilespmem:s30+$0x6980] =	vst.add.f32.msk $0xffff, v8  }
0x297: {  	[tilespmem:s30+$0x6990] =	vst.add.f32.msk $0xffff, v9  }
.Ltmp9:
0x298: {  	[tilespmem:s30+$0x69A0] =	vst.add.f32.msk $0xffff, v10;
	(pc) =	sbr.rel @p0 .LBB2_21-.Ltmp9, $4  }
0x299: {  	[tilespmem:s30+$0x69B0] =	vst.add.f32.msk $0xffff, v11  }
0x29a: {  	[tilespmem:s30+$0x69C0] =	vst.add.f32.msk $0xffff, v12  }
0x29b: {  	[tilespmem:s30+$0x69D0] =	vst.add.f32.msk $0xffff, v13  }
0x29c: {  	[tilespmem:s30+$0x69E0] =	vst.add.f32.msk $0xffff, v14;
	s30 =	sshra.s32 s0, $0x2;
	s0 =	sadd.s32 $0x400, s0  }
0x29d: {  	v0 =	vld [tilespmem:s30+$0x59F0]  }
0x29e: {  	v1 =	vld [tilespmem:s30+$0x5900]  }
0x29f: {  	v2 =	vld [tilespmem:s30+$0x5910]  }
0x2a0: {  	v3 =	vld [tilespmem:s30+$0x5920]  }
0x2a1: {  	v4 =	vld [tilespmem:s30+$0x5930]  }
0x2a2: {  	v63 =	vld [tilespmem:s30+$0x5940]  }
0x2a3: {  	v5 =	vld [tilespmem:s30+$0x5950]  }
0x2a4: {  	v6 =	vld [tilespmem:s30+$0x5960]  }
0x2a5: {  	v7 =	vld [tilespmem:s30+$0x5970]  }
0x2a6: {  	v8 =	vld [tilespmem:s30+$0x5980]  }
0x2a7: {  	v9 =	vld [tilespmem:s30+$0x5990]  }
0x2a8: {  	v10 =	vld [tilespmem:s30+$0x59A0]  }
0x2a9: {  	v11 =	vld [tilespmem:s30+$0x59B0]  }
0x2aa: {  	v12 =	vld [tilespmem:s30+$0x59C0]  }
0x2ab: {  	v13 =	vld [tilespmem:s30+$0x59D0]  }
0x2ac: {  	v14 =	vld [tilespmem:s30+$0x59E0]  }
0x2ad: {  	[tilespmem:s30+$0x69F0] =	vst.add.f32.msk $0xffff, v0  }
0x2ae: {  	[tilespmem:s30+$0x6900] =	vst.add.f32.msk $0xffff, v1  }
0x2af: {  	[tilespmem:s30+$0x6910] =	vst.add.f32.msk $0xffff, v2  }
0x2b0: {  	[tilespmem:s30+$0x6920] =	vst.add.f32.msk $0xffff, v3  }
0x2b1: {  	[tilespmem:s30+$0x6930] =	vst.add.f32.msk $0xffff, v4  }
0x2b2: {  	[tilespmem:s30+$0x6940] =	vst.add.f32.msk $0xffff, v63  }
0x2b3: {  	[tilespmem:s30+$0x6950] =	vst.add.f32.msk $0xffff, v5  }
0x2b4: {  	[tilespmem:s30+$0x6960] =	vst.add.f32.msk $0xffff, v6  }
0x2b5: {  	[tilespmem:s30+$0x6970] =	vst.add.f32.msk $0xffff, v7  }
0x2b6: {  	s29 =	sadd.s32 $0x1, s29;
	[tilespmem:s30+$0x6980] =	vst.add.f32.msk $0xffff, v8  }
0x2b7: {  	p0 =	sne.s32 s29, $0xA;
	[tilespmem:s30+$0x6990] =	vst.add.f32.msk $0xffff, v9  }
.Ltmp10:
0x2b8: {  	[tilespmem:s30+$0x69A0] =	vst.add.f32.msk $0xffff, v10;
	(pc) =	sbr.rel @p0 .LBB2_12-.Ltmp10, $4  }
0x2b9: {  	[tilespmem:s30+$0x69B0] =	vst.add.f32.msk $0xffff, v11  }
0x2ba: {  	[tilespmem:s30+$0x69C0] =	vst.add.f32.msk $0xffff, v12  }
0x2bb: {  	[tilespmem:s30+$0x69D0] =	vst.add.f32.msk $0xffff, v13  }
0x2bc: {  	[tilespmem:s30+$0x69E0] =	vst.add.f32.msk $0xffff, v14  }
0x2bd: {  	s28 =	sadd.s32 $0x1, s28  }
0x2be: {  	p0 =	sne.s32 s28, s6  }
.Ltmp11:
0x2bf: {  	_ = 	snop;
	(pc) =	sbr.rel @p0 .LBB2_1-.Ltmp11, $4  }
0x2c0: {  	[hbm4b:s5+s2] =	stream.linear.scatter [tilespmem:s26], [sflag:$0x6], $0x1000, $0x38;
	[tilespmem:$0x7900] =	vst v63  }
0x2c1: {  	_ =	swait.ge [sflag:s7], $0x1000  }
0x2c2: {  	[sflag:s7] =	ssyncset.done $0x0  }
0x2c3: {  	[sflag:s7] =	ssyncadd.s32 $0xFFFFF000  }
0x2c4: {  	_ =	sfence.sel $0x180000  }
0x2c5: {  	[bflag:$0x0] =	sbarrier.arrive $0xFFFF  }
0x2c6: {  	_ =	strace $0x90000047  }
0x2c7: {  	s0 =	stileid.u32;
	[bflag:$0x2] =	sbarrier.arrive $0xFFFF  }
0x2c8: {  	p0 =	sne.s32 s0, $0x0;
	s0 =	rddreg [dreg:$0x1]  }
0x2c9: {  	s0 =	sadd.s32 @!p0 $0x100000, s0  }
0x2ca: {  	[sflag:s0] =	ssyncadd.tile.s32 @!p0 $0x1;
	_ =	shalt  }
.Lfunc_end2:
_tile_overlayer_lowered:
.L_overlay_start_2:
0x2cb: {  	(tag) =	ssettag $0x2  }
0x2cc: {  	s0 =	rddreg [dreg:$0x0];
	s2 =	stileid.u32  }
0x2cd: {  	s1 =	rddreg [dreg:$0x1];
	p0 =	sne.s32 s2, $0x0  }
0x2ce: {  	s3 =	rddreg [dreg:$0x2];
	[bflag:$0x3] =	sbarrier.arrive $0xFFFF;
	s2 =	simm.s32 @!p0 $0x1C06  }
0x2cf: {  	[timem:s3], [sflag:s2] =	dma.local @!p0 [hbm:s0], s1  }
0x2d0: {  	s0 =	simm.s32 @!p0 $0x6  }
0x2d1: {  	_ =	swait.ge @!p0 [sflag:s0], s1  }
0x2d2: {  	s1 =	ssub.s32 @!p0 $0x0, s1;
	[sflag:s0] =	ssyncset.done @!p0 $0x0  }
0x2d3: {  	[sflag:s0] =	ssyncadd.s32 @!p0 s1  }
0x2d4: {  	[bflag:$0x3] =	sbarrier.arrive $0xFFFF  }
0x2d5: {  	_ =	shalt  }

</sc_bundles>
